<compile_context>
chip_gen: v7x
topology: tpu7x:2x2x1
jax: 0.10.2.dev20260603
libtpu: 0.0.44.dev20260713+nightly
codegen_flags: <defaults>
</compile_context>

<pallas_src>
import functools

import jax
import jax.numpy as jnp
from jax import lax
from jax.experimental import pallas as pl
from jax.experimental.pallas import tpu as pltpu
from jax.experimental.pallas import tpu_sc as plsc

MM = 10000
DD = 128
KK = 64
EE = 320000

NCORES = 2
NSUB = 16
NW = NCORES * NSUB
EDGES_PER_W = EE // NW
BLK = 8
NBLK = EDGES_PER_W // BLK
CHUNK = 250
NCHUNK = NBLK // CHUNK
ROW_W = 656
ACC_W = 144
ROWS_PER_SUB = MM // NSUB


def _prep_body(x_ref, mem_ref,
               vcx, vcm, wcx, wcm,
               vss, wss, vso, wso, wo_r,
               vos, wos, voo, woo, ws_r,
               s_ref, o_ref):
    x = x_ref[...]
    mem = mem_ref[...]
    f32 = jnp.float32
    g = jax.nn.sigmoid(jnp.dot(x, vcx[...], preferred_element_type=f32)
                       + jnp.dot(mem, vcm[...], preferred_element_type=f32))
    d = jax.nn.relu(jnp.dot(x, wcx[...], preferred_element_type=f32)
                    + jnp.dot(mem, wcm[...], preferred_element_type=f32))
    v = x + g * d
    n = jnp.sqrt(jnp.sum(v * v, axis=1, keepdims=True))
    x1 = v / jnp.maximum(n, 1e-12)

    s_ref[:, 0:128] = x1
    s_ref[:, 128:256] = jnp.dot(x1, vss[...], preferred_element_type=f32)
    s_ref[:, 256:384] = jnp.dot(x1, wss[...], preferred_element_type=f32)
    s_ref[:, 384:512] = jnp.dot(x1, vso[...], preferred_element_type=f32)
    s_ref[:, 512:640] = jnp.dot(x1, wso[...], preferred_element_type=f32)
    ssc = jnp.sum(x1 * wo_r[...], axis=1, keepdims=True)
    s_ref[:, 640:656] = jnp.broadcast_to(ssc, (ssc.shape[0], 16))

    o_ref[:, 0:128] = x1
    o_ref[:, 128:256] = jnp.dot(x1, vos[...], preferred_element_type=f32)
    o_ref[:, 256:384] = jnp.dot(x1, wos[...], preferred_element_type=f32)
    o_ref[:, 384:512] = jnp.dot(x1, voo[...], preferred_element_type=f32)
    o_ref[:, 512:640] = jnp.dot(x1, woo[...], preferred_element_type=f32)
    osc = jnp.sum(x1 * ws_r[...], axis=1, keepdims=True)
    o_ref[:, 640:656] = jnp.broadcast_to(osc, (osc.shape[0], 16))


def _prep_tables(x, mem, Vc, Wc, Vs_s, Vo_s, Ws_s, Wo_s, w_s,
                 Vs_o, Vo_o, Ws_o, Wo_o, w_o):
    bm = 1000
    grid = MM // bm
    full = lambda a: pl.BlockSpec(a.shape, lambda i: (0,) * a.ndim)
    vcx, vcm = Vc.T[:DD], Vc.T[DD:]
    wcx, wcm = Wc.T[:DD], Wc.T[DD:]
    wo_r = w_o.reshape(1, DD)
    ws_r = w_s.reshape(1, DD)
    weights = (vcx, vcm, wcx, wcm,
               Vs_s.T, Ws_s.T, Vs_o.T, Ws_o.T, wo_r,
               Vo_s.T, Wo_s.T, Vo_o.T, Wo_o.T, ws_r)
    return pl.pallas_call(
        _prep_body,
        grid=(grid,),
        in_specs=[pl.BlockSpec((bm, DD), lambda i: (i, 0)),
                  pl.BlockSpec((bm, KK), lambda i: (i, 0))]
                 + [full(w) for w in weights],
        out_specs=[pl.BlockSpec((bm, ROW_W), lambda i: (i, 0)),
                   pl.BlockSpec((bm, ROW_W), lambda i: (i, 0))],
        out_shape=[jax.ShapeDtypeStruct((MM, ROW_W), jnp.float32),
                   jax.ShapeDtypeStruct((MM, ROW_W), jnp.float32)],
    )(x, mem, *weights)


def _rsqrt16(ssum):
    total = jnp.maximum(jnp.sum(ssum), 1e-24)
    tv = jnp.full((16,), total, dtype=jnp.float32)
    bits = plsc.bitcast(tv, jnp.int32)
    y = plsc.bitcast(jnp.int32(0x5F3759DF) - (bits >> 1), jnp.float32)
    for _ in range(2):
        y = y * (1.5 - 0.5 * tv * y * y)
    return y


def _sigmoid16(z):
    return 1.0 / (1.0 + jnp.exp(-z))


def _sc_body(s_hbm, o_hbm, idx_hbm, out_hbm,
             chunk_i, s_rows, o_rows, upd, zbuf, acc,
             gsem0, gsem1, gsem2, ssem0, ssem1):
    cid = lax.axis_index("c")
    sid = lax.axis_index("s")
    wid = sid * NCORES + cid
    f32 = jnp.float32
    zeros16 = jnp.zeros((16,), f32)
    ones16 = jnp.ones((16,), f32)

    def zrow(r, _):
        for c in range(ACC_W // 16):
            zbuf[r, pl.ds(c * 16, 16)] = zeros16
        return 0
    lax.fori_loop(0, 5, zrow, 0)

    def zchunk(k, _):
        pltpu.sync_copy(zbuf, acc.at[pl.ds(sid * ROWS_PER_SUB + k * 5, 5)])
        return 0
    lax.fori_loop(0, ROWS_PER_SUB // 5, zchunk, 0)
    plsc.subcore_barrier()

    def make_edge(p, q):
        def edge(i, _):
            sc_s = s_rows[p, i, pl.ds(640, 16)]
            sc_o = o_rows[p, i, pl.ds(640, 16)]

            ts = []
            ssum = zeros16
            for c in range(8):
                off = c * 16
                xs = s_rows[p, i, pl.ds(off, 16)]
                gate = _sigmoid16(s_rows[p, i, pl.ds(128 + off, 16)]
                                  + o_rows[p, i, pl.ds(128 + off, 16)])
                dirv = jnp.maximum(s_rows[p, i, pl.ds(256 + off, 16)]
                                   + o_rows[p, i, pl.ds(256 + off, 16)]
                                   + xs * sc_o, 0.0)
                t = xs + gate * dirv
                ts.append(t)
                ssum = ssum + t * t
            inv = _rsqrt16(ssum)
            for c in range(8):
                upd[q, i, pl.ds(c * 16, 16)] = ts[c] * inv
            upd[q, i, pl.ds(128, 16)] = ones16

            to = []
            osum = zeros16
            for c in range(8):
                off = c * 16
                xo = o_rows[p, i, pl.ds(off, 16)]
                gate = _sigmoid16(s_rows[p, i, pl.ds(384 + off, 16)]
                                  + o_rows[p, i, pl.ds(384 + off, 16)])
                dirv = jnp.maximum(s_rows[p, i, pl.ds(512 + off, 16)]
                                   + o_rows[p, i, pl.ds(512 + off, 16)]
                                   + xo * sc_s, 0.0)
                t = xo + gate * dirv
                to.append(t)
                osum = osum + t * t
            inv = _rsqrt16(osum)
            for c in range(8):
                upd[q, BLK + i, pl.ds(c * 16, 16)] = to[c] * inv
            upd[q, BLK + i, pl.ds(128, 16)] = ones16
            return 0
        return edge

    gsems = (gsem0, gsem1, gsem2)
    ssems = (ssem0, ssem1)

    def fire_gather(j, p, gsem):
        pltpu.async_copy(
            s_hbm.at[chunk_i.at[j, pl.ds(0, BLK)]], s_rows.at[p], gsem)
        pltpu.async_copy(
            o_hbm.at[chunk_i.at[j, pl.ds(BLK, BLK)]], o_rows.at[p], gsem)

    def drain_gather(gsem):
        pltpu.make_async_copy(s_hbm.at[chunk_i.at[0, pl.ds(0, BLK)]],
                              s_rows.at[0], gsem).wait()
        pltpu.make_async_copy(o_hbm.at[chunk_i.at[0, pl.ds(0, BLK)]],
                              o_rows.at[0], gsem).wait()

    def drain_scatter(ssem):
        pltpu.make_async_copy(upd.at[0], acc.at[chunk_i.at[0]], ssem).wait()

    wrow = wid * NBLK

    def block(g, _):
        j = g % CHUNK
        c = g // CHUNK
        p = g % 3
        q = g % 2

        @pl.when(j == 0)
        def _():
            @pl.when(g >= 2)
            def _():
                drain_scatter(ssems[0])
                drain_scatter(ssems[1])
            pltpu.sync_copy(idx_hbm.at[pl.ds(wrow + c * CHUNK, CHUNK)],
                            chunk_i)
            for d in range(3):
                pd = (g + d) % 3
                for t in range(3):
                    @pl.when(pd == t)
                    def _(d=d, t=t):
                        fire_gather(d, t, gsems[t])

        @pl.when(jnp.logical_and(j > 0, j + 2 < CHUNK))
        def _():
            for t in range(3):
                @pl.when((g + 2) % 3 == t)
                def _(t=t):
                    fire_gather(j + 2, t, gsems[t])

        for t in range(3):
            @pl.when(p == t)
            def _(t=t):
                drain_gather(gsems[t])

        @pl.when(jnp.logical_and(g >= 2, j >= 2))
        def _():
            for t in range(2):
                @pl.when(q == t)
                def _(t=t):
                    drain_scatter(ssems[t])

        lax.fori_loop(0, BLK, make_edge(p, q), 0)

        for t in range(2):
            @pl.when(q == t)
            def _(t=t):
                pltpu.async_copy(upd.at[q], acc.at[chunk_i.at[j]],
                                 ssems[t], add=True)
        return 0

    lax.fori_loop(0, NBLK, block, 0)
    drain_scatter(ssem0)
    drain_scatter(ssem1)
    plsc.subcore_barrier()

    r0 = sid * ROWS_PER_SUB

    @pl.when(cid == 0)
    def _():
        pltpu.sync_copy(acc.at[pl.ds(r0, ROWS_PER_SUB)],
                        out_hbm.at[0, pl.ds(r0, ROWS_PER_SUB)])

    @pl.when(cid == 1)
    def _():
        pltpu.sync_copy(acc.at[pl.ds(r0, ROWS_PER_SUB)],
                        out_hbm.at[1, pl.ds(r0, ROWS_PER_SUB)])


def _sc_stage(s_table, o_table, idx16):
    mesh = plsc.VectorSubcoreMesh(core_axis_name="c", subcore_axis_name="s")
    fn = functools.partial(
        pl.kernel,
        mesh=mesh,
        compiler_params=pltpu.CompilerParams(use_tc_tiling_on_sc=False,
                                             needs_layout_passes=False),
        out_type=jax.ShapeDtypeStruct((NCORES, MM, ACC_W), jnp.float32),
        scratch_types=[
            pltpu.VMEM((CHUNK, 16), jnp.int32),
            pltpu.VMEM((3, BLK, ROW_W), jnp.float32),
            pltpu.VMEM((3, BLK, ROW_W), jnp.float32),
            pltpu.VMEM((2, 2 * BLK, ACC_W), jnp.float32),
            pltpu.VMEM((5, ACC_W), jnp.float32),
            pltpu.VMEM_SHARED((MM, ACC_W), jnp.float32),
            pltpu.SemaphoreType.DMA,
            pltpu.SemaphoreType.DMA,
            pltpu.SemaphoreType.DMA,
            pltpu.SemaphoreType.DMA,
            pltpu.SemaphoreType.DMA,
        ],
    )(_sc_body)
    return fn(s_table, o_table, idx16)


def _fin_body(ob_ref, s_ref, out_ref):
    a = ob_ref[0][:, 0:128] + ob_ref[1][:, 0:128]
    c16 = ob_ref[0][:, 128:144] + ob_ref[1][:, 128:144]
    cnt = jnp.max(c16, axis=1, keepdims=True)
    x1 = s_ref[...]
    avg = jnp.where(cnt > 0, a / jnp.maximum(cnt, 1.0), x1)
    n = jnp.sqrt(jnp.sum(avg * avg, axis=1, keepdims=True))
    out_ref[...] = avg / jnp.maximum(n, 1e-12)


def _finish(acc2, s_table):
    bm = 1000
    grid = MM // bm
    return pl.pallas_call(
        _fin_body,
        grid=(grid,),
        in_specs=[pl.BlockSpec((NCORES, bm, ACC_W), lambda i: (0, i, 0)),
                  pl.BlockSpec((bm, DD), lambda i: (i, 0))],
        out_specs=pl.BlockSpec((bm, DD), lambda i: (i, 0)),
        out_shape=jax.ShapeDtypeStruct((MM, DD), jnp.float32),
    )(acc2, s_table)


def kernel(individual_embeddings, individual_memberships, edge_index,
           Vc, Wc,
           Vs_s, Vo_s, Ws_s, Wo_s, w_s,
           Vs_o, Vo_o, Ws_o, Wo_o, w_o):
    idx16 = jnp.concatenate(
        [edge_index[0].astype(jnp.int32).reshape(EE // BLK, BLK),
         edge_index[1].astype(jnp.int32).reshape(EE // BLK, BLK)], axis=1)
    s_table, o_table = _prep_tables(
        individual_embeddings, individual_memberships,
        Vc, Wc, Vs_s, Vo_s, Ws_s, Wo_s, w_s, Vs_o, Vo_o, Ws_o, Wo_o, w_o)
    acc2 = _sc_stage(s_table, o_table, idx16)
    return _finish(acc2, s_table)

# --- scband reference (transcript-rebuilt; emitter-appended) ---
"""Pipeline reference for scband-rrn-70300024701635 (READ-ONLY COPY).

The authoritative reference and input builder live on the scoring server;
editing this copy changes nothing except your own understanding.
"""

import jax, jax.numpy as jnp
import numpy as np

M = 10000
D = 128
K = 64
E = 320000


def _normalize(v):
    n = jnp.sqrt(jnp.sum(v * v, axis=-1, keepdims=True))
    return v / jnp.maximum(n, 1e-12)


def setup_inputs(seed: int = 0) -> dict:
    key = jax.random.key(seed)
    ks = jax.random.split(key, 20)
    x = jax.random.normal(ks[0], (M, D), dtype=jnp.float32)
    # class memberships in {-1, 0, 1}
    memberships = (jax.random.randint(ks[1], (M, K), 0, 3) - 1).astype(jnp.float32)
    edge_index = jax.random.randint(ks[2], (2, E), 0, M, dtype=jnp.int32).astype(jnp.int64)
    sc = 1.0 / np.sqrt(D + K)
    sd = 1.0 / np.sqrt(D)
    # ClassUpdate weights (nn.Linear(d+K, d, bias=False) -> weight [d, d+K])
    Vc = jax.random.normal(ks[3], (D, D + K), dtype=jnp.float32) * sc
    Wc = jax.random.normal(ks[4], (D, D + K), dtype=jnp.float32) * sc
    # RelationUpdateSubject weights
    Vs_s = jax.random.normal(ks[5], (D, D), dtype=jnp.float32) * sd
    Vo_s = jax.random.normal(ks[6], (D, D), dtype=jnp.float32) * sd
    Ws_s = jax.random.normal(ks[7], (D, D), dtype=jnp.float32) * sd
    Wo_s = jax.random.normal(ks[8], (D, D), dtype=jnp.float32) * sd
    w_s = jax.random.normal(ks[9], (D,), dtype=jnp.float32)
    # RelationUpdateObject weights
    Vs_o = jax.random.normal(ks[10], (D, D), dtype=jnp.float32) * sd
    Vo_o = jax.random.normal(ks[11], (D, D), dtype=jnp.float32) * sd
    Ws_o = jax.random.normal(ks[12], (D, D), dtype=jnp.float32) * sd
    Wo_o = jax.random.normal(ks[13], (D, D), dtype=jnp.float32) * sd
    w_o = jax.random.normal(ks[14], (D,), dtype=jnp.float32)
    return {
        "individual_embeddings": x,
        "individual_memberships": memberships,
        "edge_index": edge_index,
        "Vc": Vc, "Wc": Wc,
        "Vs_s": Vs_s, "Vo_s": Vo_s, "Ws_s": Ws_s, "Wo_s": Wo_s, "w_s": w_s,
        "Vs_o": Vs_o, "Vo_o": Vo_o, "Ws_o": Ws_o, "Wo_o": Wo_o, "w_o": w_o,
    }


def reference(individual_embeddings, individual_memberships, edge_index,
              Vc, Wc,
              Vs_s, Vo_s, Ws_s, Wo_s, w_s,
              Vs_o, Vo_o, Ws_o, Wo_o, w_o):
    x = individual_embeddings
    # ---- ClassUpdate over all M individuals ----
    cat = jnp.concatenate([x, individual_memberships], axis=1)
    gate = jax.nn.sigmoid(cat @ Vc.T)
    direction = jax.nn.relu(cat @ Wc.T)
    x = _normalize(x + gate * direction)
    # ---- RelationUpdate over all triples (vectorized message passing) ----
    src = edge_index[0]
    dst = edge_index[1]
    e_s = jnp.take(x, src, axis=0)
    e_o = jnp.take(x, dst, axis=0)
    # subject update
    gate_s = jax.nn.sigmoid(e_s @ Vs_s.T + e_o @ Vo_s.T)
    dot_ow = jnp.sum(e_o * w_s[None, :], axis=1, keepdims=True)
    dir_s = jax.nn.relu(e_s @ Ws_s.T + e_o @ Wo_s.T + e_s * dot_ow)
    upd_s = _normalize(e_s + gate_s * dir_s)
    # object update
    gate_o = jax.nn.sigmoid(e_s @ Vs_o.T + e_o @ Vo_o.T)
    dot_sw = jnp.sum(e_s * w_o[None, :], axis=1, keepdims=True)
    dir_o = jax.nn.relu(e_s @ Ws_o.T + e_o @ Wo_o.T + e_o * dot_sw)
    upd_o = _normalize(e_o + gate_o * dir_o)
    # scatter-add updated embeddings back to nodes, average, renormalize
    acc = jnp.zeros_like(x).at[src].add(upd_s).at[dst].add(upd_o)
    cnt = jnp.zeros((x.shape[0], 1), dtype=x.dtype).at[src].add(1.0).at[dst].add(1.0)
    x_new = jnp.where(cnt > 0, acc / jnp.maximum(cnt, 1.0), x)
    return _normalize(x_new)

if __name__ == "__main__":
    import jax
    _d = setup_inputs()
    print(jax.jit(kernel)(*tuple(_d.values())))

</pallas_src>

<mosaic_0001>
#map = affine_map<(d0, d1) -> (0, 0)>
#map1 = affine_map<(d0, d1) -> (0, 0, 0)>
module attributes {stable_mosaic.version = 14 : i64} {
  func.func @_sc_body(%arg0: i32, %arg1: i32, %arg2: memref<10000x656xf32, #tpu.memory_space<hbm>>, %arg3: memref<10000x656xf32, #tpu.memory_space<hbm>>, %arg4: memref<40000x16xi32, #tpu.memory_space<hbm>>, %arg5: memref<2x10000x144xf32, #tpu.memory_space<hbm>>, %arg6: memref<250x16xi32, #tpu.memory_space<vmem>>, %arg7: memref<3x8x656xf32, #tpu.memory_space<vmem>>, %arg8: memref<3x8x656xf32, #tpu.memory_space<vmem>>, %arg9: memref<2x16x144xf32, #tpu.memory_space<vmem>>, %arg10: memref<5x144xf32, #tpu.memory_space<vmem>>, %arg11: memref<10000x144xf32, #tpu.memory_space<vmem_shared>>, %arg12: memref<!tpu.dma_semaphore, #tpu.memory_space<semaphore_mem>>, %arg13: memref<!tpu.dma_semaphore, #tpu.memory_space<semaphore_mem>>, %arg14: memref<!tpu.dma_semaphore, #tpu.memory_space<semaphore_mem>>, %arg15: memref<!tpu.dma_semaphore, #tpu.memory_space<semaphore_mem>>, %arg16: memref<!tpu.dma_semaphore, #tpu.memory_space<semaphore_mem>>) attributes {dimension_semantics = [#tpu.dimension_semantics<core_parallel>, #tpu.dimension_semantics<subcore_parallel>], iteration_bounds = array<i64: 2, 16>, scalar_prefetch = 0 : i64, scratch_operands = 11 : i64, tpu.core_type = #tpu.core_type<sc_vector_subcore>, window_params = [{transform_indices = #map}, {transform_indices = #map}, {transform_indices = #map}, {transform_indices = #map1}]} {
    %mul3A = arith.constant 2 : i32
    %mul3A_0 = arith.muli %arg1, %mul3A : i32
    %add3A = arith.addi %mul3A_0, %arg0 : i32
    %broadcast_in_dim3A = arith.constant 0.000000e+00 : f32
    %broadcast_in_dim3A_1 = vector.broadcast %broadcast_in_dim3A : f32 to vector<16xf32>
    %broadcast_in_dim3A_2 = arith.constant 1.000000e+00 : f32
    %broadcast_in_dim3A_3 = vector.broadcast %broadcast_in_dim3A_2 : f32 to vector<16xf32>
    %scan3A = arith.constant 0 : i32
    %scan3A_4 = arith.constant 0 : i32
    %scan3A_5 = arith.constant 5 : i32
    %scan3A_6 = arith.addi %scan3A_4, %scan3A_5 : i32
    %scan3A_7 = arith.constant 1 : i32
    %scan3A_8 = scf.for %scan3A_59 = %scan3A_4 to %scan3A_6 step %scan3A_7 iter_args(%scan3A_60 = %scan3A) -> (i32)  : i32 {
      %swap3A = arith.index_cast %scan3A_59 : i32 to index
      %swap3A_61 = arith.constant 0 : index
      %swap3A_62 = tpu.vector_load %arg10[%swap3A, %swap3A_61] {strides = array<i32>} : memref<5x144xf32, #tpu.memory_space<vmem>>, vector<16xf32>,
      tpu.vector_store %arg10[%swap3A, %swap3A_61], %broadcast_in_dim3A_1 {strides = array<i32>} : memref<5x144xf32, #tpu.memory_space<vmem>>, vector<16xf32>,
      %swap3A_63 = arith.index_cast %scan3A_59 : i32 to index
      %swap3A_64 = arith.constant 16 : index
      %swap3A_65 = tpu.vector_load %arg10[%swap3A_63, %swap3A_64] {strides = array<i32>} : memref<5x144xf32, #tpu.memory_space<vmem>>, vector<16xf32>,
      tpu.vector_store %arg10[%swap3A_63, %swap3A_64], %broadcast_in_dim3A_1 {strides = array<i32>} : memref<5x144xf32, #tpu.memory_space<vmem>>, vector<16xf32>,
      %swap3A_66 = arith.index_cast %scan3A_59 : i32 to index
      %swap3A_67 = arith.constant 32 : index
      %swap3A_68 = tpu.vector_load %arg10[%swap3A_66, %swap3A_67] {strides = array<i32>} : memref<5x144xf32, #tpu.memory_space<vmem>>, vector<16xf32>,
      tpu.vector_store %arg10[%swap3A_66, %swap3A_67], %broadcast_in_dim3A_1 {strides = array<i32>} : memref<5x144xf32, #tpu.memory_space<vmem>>, vector<16xf32>,
      %swap3A_69 = arith.index_cast %scan3A_59 : i32 to index
      %swap3A_70 = arith.constant 48 : index
      %swap3A_71 = tpu.vector_load %arg10[%swap3A_69, %swap3A_70] {strides = array<i32>} : memref<5x144xf32, #tpu.memory_space<vmem>>, vector<16xf32>,
      tpu.vector_store %arg10[%swap3A_69, %swap3A_70], %broadcast_in_dim3A_1 {strides = array<i32>} : memref<5x144xf32, #tpu.memory_space<vmem>>, vector<16xf32>,
      %swap3A_72 = arith.index_cast %scan3A_59 : i32 to index
      %swap3A_73 = arith.constant 64 : index
      %swap3A_74 = tpu.vector_load %arg10[%swap3A_72, %swap3A_73] {strides = array<i32>} : memref<5x144xf32, #tpu.memory_space<vmem>>, vector<16xf32>,
      tpu.vector_store %arg10[%swap3A_72, %swap3A_73], %broadcast_in_dim3A_1 {strides = array<i32>} : memref<5x144xf32, #tpu.memory_space<vmem>>, vector<16xf32>,
      %swap3A_75 = arith.index_cast %scan3A_59 : i32 to index
      %swap3A_76 = arith.constant 80 : index
      %swap3A_77 = tpu.vector_load %arg10[%swap3A_75, %swap3A_76] {strides = array<i32>} : memref<5x144xf32, #tpu.memory_space<vmem>>, vector<16xf32>,
      tpu.vector_store %arg10[%swap3A_75, %swap3A_76], %broadcast_in_dim3A_1 {strides = array<i32>} : memref<5x144xf32, #tpu.memory_space<vmem>>, vector<16xf32>,
      %swap3A_78 = arith.index_cast %scan3A_59 : i32 to index
      %swap3A_79 = arith.constant 96 : index
      %swap3A_80 = tpu.vector_load %arg10[%swap3A_78, %swap3A_79] {strides = array<i32>} : memref<5x144xf32, #tpu.memory_space<vmem>>, vector<16xf32>,
      tpu.vector_store %arg10[%swap3A_78, %swap3A_79], %broadcast_in_dim3A_1 {strides = array<i32>} : memref<5x144xf32, #tpu.memory_space<vmem>>, vector<16xf32>,
      %swap3A_81 = arith.index_cast %scan3A_59 : i32 to index
      %swap3A_82 = arith.constant 112 : index
      %swap3A_83 = tpu.vector_load %arg10[%swap3A_81, %swap3A_82] {strides = array<i32>} : memref<5x144xf32, #tpu.memory_space<vmem>>, vector<16xf32>,
      tpu.vector_store %arg10[%swap3A_81, %swap3A_82], %broadcast_in_dim3A_1 {strides = array<i32>} : memref<5x144xf32, #tpu.memory_space<vmem>>, vector<16xf32>,
      %swap3A_84 = arith.index_cast %scan3A_59 : i32 to index
      %swap3A_85 = arith.constant 128 : index
      %swap3A_86 = tpu.vector_load %arg10[%swap3A_84, %swap3A_85] {strides = array<i32>} : memref<5x144xf32, #tpu.memory_space<vmem>>, vector<16xf32>,
      tpu.vector_store %arg10[%swap3A_84, %swap3A_85], %broadcast_in_dim3A_1 {strides = array<i32>} : memref<5x144xf32, #tpu.memory_space<vmem>>, vector<16xf32>,
      %scan3A_87 = arith.constant 0 : i32
      scf.yield %scan3A_87 : i32
    }
    %scan3A_9 = arith.constant 5 : i32
    %scan3A_10 = arith.constant 0 : i32
    %scan3A_11 = arith.constant 0 : i32
    %scan3A_12 = arith.constant 125 : i32
    %scan3A_13 = arith.addi %scan3A_11, %scan3A_12 : i32
    %scan3A_14 = arith.constant 1 : i32
    %scan3A_15 = scf.for %scan3A_59 = %scan3A_11 to %scan3A_13 step %scan3A_14 iter_args(%scan3A_60 = %scan3A_10) -> (i32)  : i32 {
      %mul3A_61 = arith.constant 625 : i32
      %mul3A_62 = arith.muli %arg1, %mul3A_61 : i32
      %mul3A_63 = arith.constant 5 : i32
      %mul3A_64 = arith.muli %scan3A_59, %mul3A_63 : i32
      %add3A_65 = arith.addi %mul3A_62, %mul3A_64 : i32
      "tpu.region"() ({
        %run_scoped3A = tpu.sem_alloc : memref<!tpu.dma_semaphore, #tpu.memory_space<semaphore_mem>>
        %dma_start3A = arith.constant 0 : i32
        %dma_start3A_67 = tpu.memref_slice %arg11[%add3A_65, %dma_start3A] : memref<10000x144xf32, #tpu.memory_space<vmem_shared>> -> memref<5x144xf32, #tpu.memory_space<vmem_shared>>
        %dma_start3A_68 = arith.constant 0 : i32
        %dma_start3A_69 = tpu.memref_slice %arg11[%add3A_65, %dma_start3A_68] : memref<10000x144xf32, #tpu.memory_space<vmem_shared>> -> memref<5x144xf32, #tpu.memory_space<vmem_shared>>
        tpu.enqueue_dma source(%arg10 : memref<5x144xf32, #tpu.memory_space<vmem>>) target(%dma_start3A_69 : memref<5x144xf32, #tpu.memory_space<vmem_shared>>) target_semaphore(%run_scoped3A : memref<!tpu.dma_semaphore, #tpu.memory_space<semaphore_mem>>)
        %dma_wait3A_70 = arith.constant 0 : i32
        %dma_wait3A_71 = tpu.memref_slice %arg11[%add3A_65, %dma_wait3A_70] : memref<10000x144xf32, #tpu.memory_space<vmem_shared>> -> memref<5x144xf32, #tpu.memory_space<vmem_shared>>
        %dma_wait3A_72 = arith.constant 0 : i32
        %dma_wait3A_73 = tpu.memref_slice %arg11[%add3A_65, %dma_wait3A_72] : memref<10000x144xf32, #tpu.memory_space<vmem_shared>> -> memref<5x144xf32, #tpu.memory_space<vmem_shared>>
        tpu.wait_dma2 semaphore(%run_scoped3A : memref<!tpu.dma_semaphore, #tpu.memory_space<semaphore_mem>>) src(%arg10 : memref<5x144xf32, #tpu.memory_space<vmem>>) dst(%dma_wait3A_73 : memref<5x144xf32, #tpu.memory_space<vmem_shared>>)
        tpu.yield
      }) : () -> ()
      %scan3A_66 = arith.constant 0 : i32
      scf.yield %scan3A_66 : i32
    }
    %scan3A_16 = arith.constant 125 : i32
    %barrier3A = arith.constant 0 : index
    tpu.barrier barrier_id(%barrier3A)
    %mul3A_17 = arith.constant 1250 : i32
    %mul3A_18 = arith.muli %add3A, %mul3A_17 : i32
    %scan3A_19 = arith.constant 0 : i32
    %scan3A_20 = arith.constant 0 : i32
    %scan3A_21 = arith.constant 1250 : i32
    %scan3A_22 = arith.addi %scan3A_20, %scan3A_21 : i32
    %scan3A_23 = arith.constant 1 : i32
    %scan3A_24 = scf.for %scan3A_59 = %scan3A_20 to %scan3A_22 step %scan3A_23 iter_args(%scan3A_60 = %scan3A_19) -> (i32)  : i32 {
      %jit3A = arith.constant 250 : i32
      %eq3A_61 = arith.constant 0 : i32
      %eq3A_62 = arith.cmpi eq, %jit3A, %eq3A_61 : i32
      %jit3A_63 = arith.constant 1 : i32
      %select_n3A = arith.select %eq3A_62, %jit3A_63, %jit3A : i32
      %rem3A = arith.remsi %scan3A_59, %select_n3A : i32
      %ne3A = arith.constant 0 : i32
      %ne3A_64 = arith.cmpi ne, %rem3A, %ne3A : i32
      %lt3A = arith.constant 0 : i32
      %lt3A_65 = arith.cmpi slt, %rem3A, %lt3A : i32
      %lt3A_66 = arith.constant 0 : i32
      %lt3A_67 = arith.cmpi slt, %select_n3A, %lt3A_66 : i32
      %ne3A_68 = arith.xori %lt3A_65, %lt3A_67 : i1
      %and3A = arith.andi %ne3A_68, %ne3A_64 : i1
      %add3A_69 = arith.addi %rem3A, %select_n3A : i32
      %select_n3A_70 = arith.select %and3A, %add3A_69, %rem3A : i32
      %jit3A_71 = arith.constant 250 : i32
      %div3A = arith.divsi %scan3A_59, %jit3A_71 : i32
      %sign3A = arith.constant 0 : i32
      %sign3A_72 = arith.cmpi sgt, %scan3A_59, %sign3A : i32
      %sign3A_73 = arith.extui %sign3A_72 : i1 to i32
      %sign3A_74 = arith.constant 0 : i32
      %sign3A_75 = arith.cmpi slt, %scan3A_59, %sign3A_74 : i32
      %sign3A_76 = arith.extui %sign3A_75 : i1 to i32
      %sign3A_77 = arith.subi %sign3A_73, %sign3A_76 : i32
      %sign3A_78 = arith.constant 0 : i32
      %sign3A_79 = arith.cmpi sgt, %jit3A_71, %sign3A_78 : i32
      %sign3A_80 = arith.extui %sign3A_79 : i1 to i32
      %sign3A_81 = arith.constant 0 : i32
      %sign3A_82 = arith.cmpi slt, %jit3A_71, %sign3A_81 : i32
      %sign3A_83 = arith.extui %sign3A_82 : i1 to i32
      %sign3A_84 = arith.subi %sign3A_80, %sign3A_83 : i32
      %ne3A_85 = arith.cmpi ne, %sign3A_77, %sign3A_84 : i32
      %rem3A_86 = arith.remsi %scan3A_59, %jit3A_71 : i32
      %ne3A_87 = arith.constant 0 : i32
      %ne3A_88 = arith.cmpi ne, %rem3A_86, %ne3A_87 : i32
      %and3A_89 = arith.andi %ne3A_85, %ne3A_88 : i1
      %sub3A = arith.constant 1 : i32
      %sub3A_90 = arith.subi %div3A, %sub3A : i32
      %select_n3A_91 = arith.select %and3A_89, %sub3A_90, %div3A : i32
      %jit3A_92 = arith.constant 3 : i32
      %eq3A_93 = arith.constant 0 : i32
      %eq3A_94 = arith.cmpi eq, %jit3A_92, %eq3A_93 : i32
      %jit3A_95 = arith.constant 1 : i32
      %select_n3A_96 = arith.select %eq3A_94, %jit3A_95, %jit3A_92 : i32
      %rem3A_97 = arith.remsi %scan3A_59, %select_n3A_96 : i32
      %ne3A_98 = arith.constant 0 : i32
      %ne3A_99 = arith.cmpi ne, %rem3A_97, %ne3A_98 : i32
      %lt3A_100 = arith.constant 0 : i32
      %lt3A_101 = arith.cmpi slt, %rem3A_97, %lt3A_100 : i32
      %lt3A_102 = arith.constant 0 : i32
      %lt3A_103 = arith.cmpi slt, %select_n3A_96, %lt3A_102 : i32
      %ne3A_104 = arith.xori %lt3A_101, %lt3A_103 : i1
      %and3A_105 = arith.andi %ne3A_104, %ne3A_99 : i1
      %add3A_106 = arith.addi %rem3A_97, %select_n3A_96 : i32
      %select_n3A_107 = arith.select %and3A_105, %add3A_106, %rem3A_97 : i32
      %jit3A_108 = arith.constant 2 : i32
      %eq3A_109 = arith.constant 0 : i32
      %eq3A_110 = arith.cmpi eq, %jit3A_108, %eq3A_109 : i32
      %jit3A_111 = arith.constant 1 : i32
      %select_n3A_112 = arith.select %eq3A_110, %jit3A_111, %jit3A_108 : i32
      %rem3A_113 = arith.remsi %scan3A_59, %select_n3A_112 : i32
      %ne3A_114 = arith.constant 0 : i32
      %ne3A_115 = arith.cmpi ne, %rem3A_113, %ne3A_114 : i32
      %lt3A_116 = arith.constant 0 : i32
      %lt3A_117 = arith.cmpi slt, %rem3A_113, %lt3A_116 : i32
      %lt3A_118 = arith.constant 0 : i32
      %lt3A_119 = arith.cmpi slt, %select_n3A_112, %lt3A_118 : i32
      %ne3A_120 = arith.xori %lt3A_117, %lt3A_119 : i1
      %and3A_121 = arith.andi %ne3A_120, %ne3A_115 : i1
      %add3A_122 = arith.addi %rem3A_113, %select_n3A_112 : i32
      %select_n3A_123 = arith.select %and3A_121, %add3A_122, %rem3A_113 : i32
      %eq3A_124 = arith.constant 0 : i32
      %eq3A_125 = arith.cmpi eq, %select_n3A_70, %eq3A_124 : i32
      %convert_element_type3A_126 = arith.extui %eq3A_125 : i1 to i32
      %cond3A_127 = arith.constant 0 : i32
      %cond3A_128 = arith.cmpi ne, %convert_element_type3A_126, %cond3A_127 : i32
      scf.if %cond3A_128 {
        %ge3A_178 = arith.constant 2 : i32
        %ge3A_179 = arith.cmpi sge, %scan3A_59, %ge3A_178 : i32
        %convert_element_type3A_180 = arith.extui %ge3A_179 : i1 to i32
        %cond3A_181 = arith.constant 0 : i32
        %cond3A_182 = arith.cmpi ne, %convert_element_type3A_180, %cond3A_181 : i32
        scf.if %cond3A_182 {
          %dma_wait3A_285 = arith.constant 0 : i32
          %dma_wait3A_286 = arith.constant 0 : i32
          %dma_wait3A_287 = arith.constant 0 : i32
          %dma_wait3A_288 = arith.constant 0 : i32
          %dma_wait3A_289 = tpu.memref_slice %arg9[%dma_wait3A_285, %dma_wait3A_287, %dma_wait3A_288] : memref<2x16x144xf32, #tpu.memory_space<vmem>> -> memref<1x16x144xf32, #tpu.memory_space<vmem>>
          %dma_wait3A_290 = tpu.memref_squeeze %dma_wait3A_289 : memref<1x16x144xf32, #tpu.memory_space<vmem>> -> memref<16x144xf32, #tpu.memory_space<vmem>>
          %dma_wait3A_291 = arith.constant 0 : i32
          %dma_wait3A_292 = tpu.memref_slice %arg6[%dma_wait3A_286, %dma_wait3A_291] : memref<250x16xi32, #tpu.memory_space<vmem>> -> memref<1x16xi32, #tpu.memory_space<vmem>>
          %dma_wait3A_293 = tpu.memref_squeeze %dma_wait3A_292 : memref<1x16xi32, #tpu.memory_space<vmem>> -> memref<16xi32, #tpu.memory_space<vmem>>
          %dma_wait3A_294 = arith.constant 0 : i32
          %dma_wait3A_295 = arith.constant 0 : i32
          %dma_wait3A_296 = tpu.memref_slice %arg11[%dma_wait3A_294, %dma_wait3A_295] : memref<10000x144xf32, #tpu.memory_space<vmem_shared>> -> memref<10000x144xf32, #tpu.memory_space<vmem_shared>>
          tpu.wait_indirect_dma semaphore(%arg15 : memref<!tpu.dma_semaphore, #tpu.memory_space<semaphore_mem>>) src(%dma_wait3A_290 : memref<16x144xf32, #tpu.memory_space<vmem>>) dst(%dma_wait3A_296 : memref<10000x144xf32, #tpu.memory_space<vmem_shared>>)
          %dma_wait3A_297 = arith.constant 0 : i32
          %dma_wait3A_298 = arith.constant 0 : i32
          %dma_wait3A_299 = arith.constant 0 : i32
          %dma_wait3A_300 = arith.constant 0 : i32
          %dma_wait3A_301 = tpu.memref_slice %arg9[%dma_wait3A_297, %dma_wait3A_299, %dma_wait3A_300] : memref<2x16x144xf32, #tpu.memory_space<vmem>> -> memref<1x16x144xf32, #tpu.memory_space<vmem>>
          %dma_wait3A_302 = tpu.memref_squeeze %dma_wait3A_301 : memref<1x16x144xf32, #tpu.memory_space<vmem>> -> memref<16x144xf32, #tpu.memory_space<vmem>>
          %dma_wait3A_303 = arith.constant 0 : i32
          %dma_wait3A_304 = tpu.memref_slice %arg6[%dma_wait3A_298, %dma_wait3A_303] : memref<250x16xi32, #tpu.memory_space<vmem>> -> memref<1x16xi32, #tpu.memory_space<vmem>>
          %dma_wait3A_305 = tpu.memref_squeeze %dma_wait3A_304 : memref<1x16xi32, #tpu.memory_space<vmem>> -> memref<16xi32, #tpu.memory_space<vmem>>
          %dma_wait3A_306 = arith.constant 0 : i32
          %dma_wait3A_307 = arith.constant 0 : i32
          %dma_wait3A_308 = tpu.memref_slice %arg11[%dma_wait3A_306, %dma_wait3A_307] : memref<10000x144xf32, #tpu.memory_space<vmem_shared>> -> memref<10000x144xf32, #tpu.memory_space<vmem_shared>>
          tpu.wait_indirect_dma semaphore(%arg16 : memref<!tpu.dma_semaphore, #tpu.memory_space<semaphore_mem>>) src(%dma_wait3A_302 : memref<16x144xf32, #tpu.memory_space<vmem>>) dst(%dma_wait3A_308 : memref<10000x144xf32, #tpu.memory_space<vmem_shared>>)
        } else {
        }
        %mul3A_183 = arith.constant 250 : i32
        %mul3A_184 = arith.muli %select_n3A_91, %mul3A_183 : i32
        %add3A_185 = arith.addi %mul3A_18, %mul3A_184 : i32
        "tpu.region"() ({
          %run_scoped3A = tpu.sem_alloc : memref<!tpu.dma_semaphore, #tpu.memory_space<semaphore_mem>>
          %dma_start3A = arith.constant 0 : i32
          %dma_start3A_285 = tpu.memref_slice %arg4[%add3A_185, %dma_start3A] : memref<40000x16xi32, #tpu.memory_space<hbm>> -> memref<250x16xi32, #tpu.memory_space<hbm>>
          %dma_start3A_286 = arith.constant 0 : i32
          %dma_start3A_287 = tpu.memref_slice %arg4[%add3A_185, %dma_start3A_286] : memref<40000x16xi32, #tpu.memory_space<hbm>> -> memref<250x16xi32, #tpu.memory_space<hbm>>
          tpu.enqueue_dma source(%dma_start3A_287 : memref<250x16xi32, #tpu.memory_space<hbm>>) target(%arg6 : memref<250x16xi32, #tpu.memory_space<vmem>>) target_semaphore(%run_scoped3A : memref<!tpu.dma_semaphore, #tpu.memory_space<semaphore_mem>>)
          %dma_wait3A_288 = arith.constant 0 : i32
          %dma_wait3A_289 = tpu.memref_slice %arg4[%add3A_185, %dma_wait3A_288] : memref<40000x16xi32, #tpu.memory_space<hbm>> -> memref<250x16xi32, #tpu.memory_space<hbm>>
          %dma_wait3A_290 = arith.constant 0 : i32
          %dma_wait3A_291 = tpu.memref_slice %arg4[%add3A_185, %dma_wait3A_290] : memref<40000x16xi32, #tpu.memory_space<hbm>> -> memref<250x16xi32, #tpu.memory_space<hbm>>
          tpu.wait_dma2 semaphore(%run_scoped3A : memref<!tpu.dma_semaphore, #tpu.memory_space<semaphore_mem>>) src(%dma_wait3A_291 : memref<250x16xi32, #tpu.memory_space<hbm>>) dst(%arg6 : memref<250x16xi32, #tpu.memory_space<vmem>>)
          tpu.yield
        }) : () -> ()
        %add3A_186 = arith.constant 0 : i32
        %add3A_187 = arith.addi %scan3A_59, %add3A_186 : i32
        %jit3A_188 = arith.constant 3 : i32
        %eq3A_189 = arith.constant 0 : i32
        %eq3A_190 = arith.cmpi eq, %jit3A_188, %eq3A_189 : i32
        %jit3A_191 = arith.constant 1 : i32
        %select_n3A_192 = arith.select %eq3A_190, %jit3A_191, %jit3A_188 : i32
        %rem3A_193 = arith.remsi %add3A_187, %select_n3A_192 : i32
        %ne3A_194 = arith.constant 0 : i32
        %ne3A_195 = arith.cmpi ne, %rem3A_193, %ne3A_194 : i32
        %lt3A_196 = arith.constant 0 : i32
        %lt3A_197 = arith.cmpi slt, %rem3A_193, %lt3A_196 : i32
        %lt3A_198 = arith.constant 0 : i32
        %lt3A_199 = arith.cmpi slt, %select_n3A_192, %lt3A_198 : i32
        %ne3A_200 = arith.xori %lt3A_197, %lt3A_199 : i1
        %and3A_201 = arith.andi %ne3A_200, %ne3A_195 : i1
        %add3A_202 = arith.addi %rem3A_193, %select_n3A_192 : i32
        %select_n3A_203 = arith.select %and3A_201, %add3A_202, %rem3A_193 : i32
        %eq3A_204 = arith.constant 0 : i32
        %eq3A_205 = arith.cmpi eq, %select_n3A_203, %eq3A_204 : i32
        %convert_element_type3A_206 = arith.extui %eq3A_205 : i1 to i32
        %cond3A_207 = arith.constant 0 : i32
        %cond3A_208 = arith.cmpi ne, %convert_element_type3A_206, %cond3A_207 : i32
        scf.if %cond3A_208 {
          %dma_start3A = arith.constant 0 : i32
          %dma_start3A_285 = arith.constant 0 : i32
          %dma_start3A_286 = arith.constant 0 : i32
          %dma_start3A_287 = arith.constant 0 : i32
          %dma_start3A_288 = tpu.memref_slice %arg7[%dma_start3A_285, %dma_start3A_286, %dma_start3A_287] : memref<3x8x656xf32, #tpu.memory_space<vmem>> -> memref<1x8x656xf32, #tpu.memory_space<vmem>>
          %dma_start3A_289 = tpu.memref_squeeze %dma_start3A_288 : memref<1x8x656xf32, #tpu.memory_space<vmem>> -> memref<8x656xf32, #tpu.memory_space<vmem>>
          %dma_start3A_290 = arith.constant 0 : i32
          %dma_start3A_291 = tpu.memref_slice %arg6[%dma_start3A, %dma_start3A_290] : memref<250x16xi32, #tpu.memory_space<vmem>> -> memref<1x8xi32, #tpu.memory_space<vmem>>
          %dma_start3A_292 = tpu.memref_squeeze %dma_start3A_291 : memref<1x8xi32, #tpu.memory_space<vmem>> -> memref<8xi32, #tpu.memory_space<vmem>>
          %dma_start3A_293 = arith.constant 0 : i32
          %dma_start3A_294 = arith.constant 0 : i32
          %dma_start3A_295 = tpu.memref_slice %arg2[%dma_start3A_293, %dma_start3A_294] : memref<10000x656xf32, #tpu.memory_space<hbm>> -> memref<10000x656xf32, #tpu.memory_space<hbm>>
          tpu.enqueue_indirect_dma source(%dma_start3A_295 : memref<10000x656xf32, #tpu.memory_space<hbm>>) target(%dma_start3A_289 : memref<8x656xf32, #tpu.memory_space<vmem>>) offsets(%dma_start3A_292 : memref<8xi32, #tpu.memory_space<vmem>>) semaphore(%arg12 : memref<!tpu.dma_semaphore, #tpu.memory_space<semaphore_mem>>)
          %dma_start3A_296 = arith.constant 0 : i32
          %dma_start3A_297 = arith.constant 0 : i32
          %dma_start3A_298 = arith.constant 0 : i32
          %dma_start3A_299 = arith.constant 0 : i32
          %dma_start3A_300 = tpu.memref_slice %arg8[%dma_start3A_297, %dma_start3A_298, %dma_start3A_299] : memref<3x8x656xf32, #tpu.memory_space<vmem>> -> memref<1x8x656xf32, #tpu.memory_space<vmem>>
          %dma_start3A_301 = tpu.memref_squeeze %dma_start3A_300 : memref<1x8x656xf32, #tpu.memory_space<vmem>> -> memref<8x656xf32, #tpu.memory_space<vmem>>
          %dma_start3A_302 = arith.constant 8 : i32
          %dma_start3A_303 = tpu.memref_slice %arg6[%dma_start3A_296, %dma_start3A_302] : memref<250x16xi32, #tpu.memory_space<vmem>> -> memref<1x8xi32, #tpu.memory_space<vmem>>
          %dma_start3A_304 = tpu.memref_squeeze %dma_start3A_303 : memref<1x8xi32, #tpu.memory_space<vmem>> -> memref<8xi32, #tpu.memory_space<vmem>>
          %dma_start3A_305 = arith.constant 0 : i32
          %dma_start3A_306 = arith.constant 0 : i32
          %dma_start3A_307 = tpu.memref_slice %arg3[%dma_start3A_305, %dma_start3A_306] : memref<10000x656xf32, #tpu.memory_space<hbm>> -> memref<10000x656xf32, #tpu.memory_space<hbm>>
          tpu.enqueue_indirect_dma source(%dma_start3A_307 : memref<10000x656xf32, #tpu.memory_space<hbm>>) target(%dma_start3A_301 : memref<8x656xf32, #tpu.memory_space<vmem>>) offsets(%dma_start3A_304 : memref<8xi32, #tpu.memory_space<vmem>>) semaphore(%arg12 : memref<!tpu.dma_semaphore, #tpu.memory_space<semaphore_mem>>)
        } else {
        }
        %eq3A_209 = arith.constant 1 : i32
        %eq3A_210 = arith.cmpi eq, %select_n3A_203, %eq3A_209 : i32
        %convert_element_type3A_211 = arith.extui %eq3A_210 : i1 to i32
        %cond3A_212 = arith.constant 0 : i32
        %cond3A_213 = arith.cmpi ne, %convert_element_type3A_211, %cond3A_212 : i32
        scf.if %cond3A_213 {
          %dma_start3A = arith.constant 0 : i32
          %dma_start3A_285 = arith.constant 1 : i32
          %dma_start3A_286 = arith.constant 0 : i32
          %dma_start3A_287 = arith.constant 0 : i32
          %dma_start3A_288 = tpu.memref_slice %arg7[%dma_start3A_285, %dma_start3A_286, %dma_start3A_287] : memref<3x8x656xf32, #tpu.memory_space<vmem>> -> memref<1x8x656xf32, #tpu.memory_space<vmem>>
          %dma_start3A_289 = tpu.memref_squeeze %dma_start3A_288 : memref<1x8x656xf32, #tpu.memory_space<vmem>> -> memref<8x656xf32, #tpu.memory_space<vmem>>
          %dma_start3A_290 = arith.constant 0 : i32
          %dma_start3A_291 = tpu.memref_slice %arg6[%dma_start3A, %dma_start3A_290] : memref<250x16xi32, #tpu.memory_space<vmem>> -> memref<1x8xi32, #tpu.memory_space<vmem>>
          %dma_start3A_292 = tpu.memref_squeeze %dma_start3A_291 : memref<1x8xi32, #tpu.memory_space<vmem>> -> memref<8xi32, #tpu.memory_space<vmem>>
          %dma_start3A_293 = arith.constant 0 : i32
          %dma_start3A_294 = arith.constant 0 : i32
          %dma_start3A_295 = tpu.memref_slice %arg2[%dma_start3A_293, %dma_start3A_294] : memref<10000x656xf32, #tpu.memory_space<hbm>> -> memref<10000x656xf32, #tpu.memory_space<hbm>>
          tpu.enqueue_indirect_dma source(%dma_start3A_295 : memref<10000x656xf32, #tpu.memory_space<hbm>>) target(%dma_start3A_289 : memref<8x656xf32, #tpu.memory_space<vmem>>) offsets(%dma_start3A_292 : memref<8xi32, #tpu.memory_space<vmem>>) semaphore(%arg13 : memref<!tpu.dma_semaphore, #tpu.memory_space<semaphore_mem>>)
          %dma_start3A_296 = arith.constant 0 : i32
          %dma_start3A_297 = arith.constant 1 : i32
          %dma_start3A_298 = arith.constant 0 : i32
          %dma_start3A_299 = arith.constant 0 : i32
          %dma_start3A_300 = tpu.memref_slice %arg8[%dma_start3A_297, %dma_start3A_298, %dma_start3A_299] : memref<3x8x656xf32, #tpu.memory_space<vmem>> -> memref<1x8x656xf32, #tpu.memory_space<vmem>>
          %dma_start3A_301 = tpu.memref_squeeze %dma_start3A_300 : memref<1x8x656xf32, #tpu.memory_space<vmem>> -> memref<8x656xf32, #tpu.memory_space<vmem>>
          %dma_start3A_302 = arith.constant 8 : i32
          %dma_start3A_303 = tpu.memref_slice %arg6[%dma_start3A_296, %dma_start3A_302] : memref<250x16xi32, #tpu.memory_space<vmem>> -> memref<1x8xi32, #tpu.memory_space<vmem>>
          %dma_start3A_304 = tpu.memref_squeeze %dma_start3A_303 : memref<1x8xi32, #tpu.memory_space<vmem>> -> memref<8xi32, #tpu.memory_space<vmem>>
          %dma_start3A_305 = arith.constant 0 : i32
          %dma_start3A_306 = arith.constant 0 : i32
          %dma_start3A_307 = tpu.memref_slice %arg3[%dma_start3A_305, %dma_start3A_306] : memref<10000x656xf32, #tpu.memory_space<hbm>> -> memref<10000x656xf32, #tpu.memory_space<hbm>>
          tpu.enqueue_indirect_dma source(%dma_start3A_307 : memref<10000x656xf32, #tpu.memory_space<hbm>>) target(%dma_start3A_301 : memref<8x656xf32, #tpu.memory_space<vmem>>) offsets(%dma_start3A_304 : memref<8xi32, #tpu.memory_space<vmem>>) semaphore(%arg13 : memref<!tpu.dma_semaphore, #tpu.memory_space<semaphore_mem>>)
        } else {
        }
        %eq3A_214 = arith.constant 2 : i32
        %eq3A_215 = arith.cmpi eq, %select_n3A_203, %eq3A_214 : i32
        %convert_element_type3A_216 = arith.extui %eq3A_215 : i1 to i32
        %cond3A_217 = arith.constant 0 : i32
        %cond3A_218 = arith.cmpi ne, %convert_element_type3A_216, %cond3A_217 : i32
        scf.if %cond3A_218 {
          %dma_start3A = arith.constant 0 : i32
          %dma_start3A_285 = arith.constant 2 : i32
          %dma_start3A_286 = arith.constant 0 : i32
          %dma_start3A_287 = arith.constant 0 : i32
          %dma_start3A_288 = tpu.memref_slice %arg7[%dma_start3A_285, %dma_start3A_286, %dma_start3A_287] : memref<3x8x656xf32, #tpu.memory_space<vmem>> -> memref<1x8x656xf32, #tpu.memory_space<vmem>>
          %dma_start3A_289 = tpu.memref_squeeze %dma_start3A_288 : memref<1x8x656xf32, #tpu.memory_space<vmem>> -> memref<8x656xf32, #tpu.memory_space<vmem>>
          %dma_start3A_290 = arith.constant 0 : i32
          %dma_start3A_291 = tpu.memref_slice %arg6[%dma_start3A, %dma_start3A_290] : memref<250x16xi32, #tpu.memory_space<vmem>> -> memref<1x8xi32, #tpu.memory_space<vmem>>
          %dma_start3A_292 = tpu.memref_squeeze %dma_start3A_291 : memref<1x8xi32, #tpu.memory_space<vmem>> -> memref<8xi32, #tpu.memory_space<vmem>>
          %dma_start3A_293 = arith.constant 0 : i32
          %dma_start3A_294 = arith.constant 0 : i32
          %dma_start3A_295 = tpu.memref_slice %arg2[%dma_start3A_293, %dma_start3A_294] : memref<10000x656xf32, #tpu.memory_space<hbm>> -> memref<10000x656xf32, #tpu.memory_space<hbm>>
          tpu.enqueue_indirect_dma source(%dma_start3A_295 : memref<10000x656xf32, #tpu.memory_space<hbm>>) target(%dma_start3A_289 : memref<8x656xf32, #tpu.memory_space<vmem>>) offsets(%dma_start3A_292 : memref<8xi32, #tpu.memory_space<vmem>>) semaphore(%arg14 : memref<!tpu.dma_semaphore, #tpu.memory_space<semaphore_mem>>)
          %dma_start3A_296 = arith.constant 0 : i32
          %dma_start3A_297 = arith.constant 2 : i32
          %dma_start3A_298 = arith.constant 0 : i32
          %dma_start3A_299 = arith.constant 0 : i32
          %dma_start3A_300 = tpu.memref_slice %arg8[%dma_start3A_297, %dma_start3A_298, %dma_start3A_299] : memref<3x8x656xf32, #tpu.memory_space<vmem>> -> memref<1x8x656xf32, #tpu.memory_space<vmem>>
          %dma_start3A_301 = tpu.memref_squeeze %dma_start3A_300 : memref<1x8x656xf32, #tpu.memory_space<vmem>> -> memref<8x656xf32, #tpu.memory_space<vmem>>
          %dma_start3A_302 = arith.constant 8 : i32
          %dma_start3A_303 = tpu.memref_slice %arg6[%dma_start3A_296, %dma_start3A_302] : memref<250x16xi32, #tpu.memory_space<vmem>> -> memref<1x8xi32, #tpu.memory_space<vmem>>
          %dma_start3A_304 = tpu.memref_squeeze %dma_start3A_303 : memref<1x8xi32, #tpu.memory_space<vmem>> -> memref<8xi32, #tpu.memory_space<vmem>>
          %dma_start3A_305 = arith.constant 0 : i32
          %dma_start3A_306 = arith.constant 0 : i32
          %dma_start3A_307 = tpu.memref_slice %arg3[%dma_start3A_305, %dma_start3A_306] : memref<10000x656xf32, #tpu.memory_space<hbm>> -> memref<10000x656xf32, #tpu.memory_space<hbm>>
          tpu.enqueue_indirect_dma source(%dma_start3A_307 : memref<10000x656xf32, #tpu.memory_space<hbm>>) target(%dma_start3A_301 : memref<8x656xf32, #tpu.memory_space<vmem>>) offsets(%dma_start3A_304 : memref<8xi32, #tpu.memory_space<vmem>>) semaphore(%arg14 : memref<!tpu.dma_semaphore, #tpu.memory_space<semaphore_mem>>)
        } else {
        }
        %add3A_219 = arith.constant 1 : i32
        %add3A_220 = arith.addi %scan3A_59, %add3A_219 : i32
        %jit3A_221 = arith.constant 3 : i32
        %eq3A_222 = arith.constant 0 : i32
        %eq3A_223 = arith.cmpi eq, %jit3A_221, %eq3A_222 : i32
        %jit3A_224 = arith.constant 1 : i32
        %select_n3A_225 = arith.select %eq3A_223, %jit3A_224, %jit3A_221 : i32
        %rem3A_226 = arith.remsi %add3A_220, %select_n3A_225 : i32
        %ne3A_227 = arith.constant 0 : i32
        %ne3A_228 = arith.cmpi ne, %rem3A_226, %ne3A_227 : i32
        %lt3A_229 = arith.constant 0 : i32
        %lt3A_230 = arith.cmpi slt, %rem3A_226, %lt3A_229 : i32
        %lt3A_231 = arith.constant 0 : i32
        %lt3A_232 = arith.cmpi slt, %select_n3A_225, %lt3A_231 : i32
        %ne3A_233 = arith.xori %lt3A_230, %lt3A_232 : i1
        %and3A_234 = arith.andi %ne3A_233, %ne3A_228 : i1
        %add3A_235 = arith.addi %rem3A_226, %select_n3A_225 : i32
        %select_n3A_236 = arith.select %and3A_234, %add3A_235, %rem3A_226 : i32
        %eq3A_237 = arith.constant 0 : i32
        %eq3A_238 = arith.cmpi eq, %select_n3A_236, %eq3A_237 : i32
        %convert_element_type3A_239 = arith.extui %eq3A_238 : i1 to i32
        %cond3A_240 = arith.constant 0 : i32
        %cond3A_241 = arith.cmpi ne, %convert_element_type3A_239, %cond3A_240 : i32
        scf.if %cond3A_241 {
          %dma_start3A = arith.constant 1 : i32
          %dma_start3A_285 = arith.constant 0 : i32
          %dma_start3A_286 = arith.constant 0 : i32
          %dma_start3A_287 = arith.constant 0 : i32
          %dma_start3A_288 = tpu.memref_slice %arg7[%dma_start3A_285, %dma_start3A_286, %dma_start3A_287] : memref<3x8x656xf32, #tpu.memory_space<vmem>> -> memref<1x8x656xf32, #tpu.memory_space<vmem>>
          %dma_start3A_289 = tpu.memref_squeeze %dma_start3A_288 : memref<1x8x656xf32, #tpu.memory_space<vmem>> -> memref<8x656xf32, #tpu.memory_space<vmem>>
          %dma_start3A_290 = arith.constant 0 : i32
          %dma_start3A_291 = tpu.memref_slice %arg6[%dma_start3A, %dma_start3A_290] : memref<250x16xi32, #tpu.memory_space<vmem>> -> memref<1x8xi32, #tpu.memory_space<vmem>>
          %dma_start3A_292 = tpu.memref_squeeze %dma_start3A_291 : memref<1x8xi32, #tpu.memory_space<vmem>> -> memref<8xi32, #tpu.memory_space<vmem>>
          %dma_start3A_293 = arith.constant 0 : i32
          %dma_start3A_294 = arith.constant 0 : i32
          %dma_start3A_295 = tpu.memref_slice %arg2[%dma_start3A_293, %dma_start3A_294] : memref<10000x656xf32, #tpu.memory_space<hbm>> -> memref<10000x656xf32, #tpu.memory_space<hbm>>
          tpu.enqueue_indirect_dma source(%dma_start3A_295 : memref<10000x656xf32, #tpu.memory_space<hbm>>) target(%dma_start3A_289 : memref<8x656xf32, #tpu.memory_space<vmem>>) offsets(%dma_start3A_292 : memref<8xi32, #tpu.memory_space<vmem>>) semaphore(%arg12 : memref<!tpu.dma_semaphore, #tpu.memory_space<semaphore_mem>>)
          %dma_start3A_296 = arith.constant 1 : i32
          %dma_start3A_297 = arith.constant 0 : i32
          %dma_start3A_298 = arith.constant 0 : i32
          %dma_start3A_299 = arith.constant 0 : i32
          %dma_start3A_300 = tpu.memref_slice %arg8[%dma_start3A_297, %dma_start3A_298, %dma_start3A_299] : memref<3x8x656xf32, #tpu.memory_space<vmem>> -> memref<1x8x656xf32, #tpu.memory_space<vmem>>
          %dma_start3A_301 = tpu.memref_squeeze %dma_start3A_300 : memref<1x8x656xf32, #tpu.memory_space<vmem>> -> memref<8x656xf32, #tpu.memory_space<vmem>>
          %dma_start3A_302 = arith.constant 8 : i32
          %dma_start3A_303 = tpu.memref_slice %arg6[%dma_start3A_296, %dma_start3A_302] : memref<250x16xi32, #tpu.memory_space<vmem>> -> memref<1x8xi32, #tpu.memory_space<vmem>>
          %dma_start3A_304 = tpu.memref_squeeze %dma_start3A_303 : memref<1x8xi32, #tpu.memory_space<vmem>> -> memref<8xi32, #tpu.memory_space<vmem>>
          %dma_start3A_305 = arith.constant 0 : i32
          %dma_start3A_306 = arith.constant 0 : i32
          %dma_start3A_307 = tpu.memref_slice %arg3[%dma_start3A_305, %dma_start3A_306] : memref<10000x656xf32, #tpu.memory_space<hbm>> -> memref<10000x656xf32, #tpu.memory_space<hbm>>
          tpu.enqueue_indirect_dma source(%dma_start3A_307 : memref<10000x656xf32, #tpu.memory_space<hbm>>) target(%dma_start3A_301 : memref<8x656xf32, #tpu.memory_space<vmem>>) offsets(%dma_start3A_304 : memref<8xi32, #tpu.memory_space<vmem>>) semaphore(%arg12 : memref<!tpu.dma_semaphore, #tpu.memory_space<semaphore_mem>>)
        } else {
        }
        %eq3A_242 = arith.constant 1 : i32
        %eq3A_243 = arith.cmpi eq, %select_n3A_236, %eq3A_242 : i32
        %convert_element_type3A_244 = arith.extui %eq3A_243 : i1 to i32
        %cond3A_245 = arith.constant 0 : i32
        %cond3A_246 = arith.cmpi ne, %convert_element_type3A_244, %cond3A_245 : i32
        scf.if %cond3A_246 {
          %dma_start3A = arith.constant 1 : i32
          %dma_start3A_285 = arith.constant 1 : i32
          %dma_start3A_286 = arith.constant 0 : i32
          %dma_start3A_287 = arith.constant 0 : i32
          %dma_start3A_288 = tpu.memref_slice %arg7[%dma_start3A_285, %dma_start3A_286, %dma_start3A_287] : memref<3x8x656xf32, #tpu.memory_space<vmem>> -> memref<1x8x656xf32, #tpu.memory_space<vmem>>
          %dma_start3A_289 = tpu.memref_squeeze %dma_start3A_288 : memref<1x8x656xf32, #tpu.memory_space<vmem>> -> memref<8x656xf32, #tpu.memory_space<vmem>>
          %dma_start3A_290 = arith.constant 0 : i32
          %dma_start3A_291 = tpu.memref_slice %arg6[%dma_start3A, %dma_start3A_290] : memref<250x16xi32, #tpu.memory_space<vmem>> -> memref<1x8xi32, #tpu.memory_space<vmem>>
          %dma_start3A_292 = tpu.memref_squeeze %dma_start3A_291 : memref<1x8xi32, #tpu.memory_space<vmem>> -> memref<8xi32, #tpu.memory_space<vmem>>
          %dma_start3A_293 = arith.constant 0 : i32
          %dma_start3A_294 = arith.constant 0 : i32
          %dma_start3A_295 = tpu.memref_slice %arg2[%dma_start3A_293, %dma_start3A_294] : memref<10000x656xf32, #tpu.memory_space<hbm>> -> memref<10000x656xf32, #tpu.memory_space<hbm>>
          tpu.enqueue_indirect_dma source(%dma_start3A_295 : memref<10000x656xf32, #tpu.memory_space<hbm>>) target(%dma_start3A_289 : memref<8x656xf32, #tpu.memory_space<vmem>>) offsets(%dma_start3A_292 : memref<8xi32, #tpu.memory_space<vmem>>) semaphore(%arg13 : memref<!tpu.dma_semaphore, #tpu.memory_space<semaphore_mem>>)
          %dma_start3A_296 = arith.constant 1 : i32
          %dma_start3A_297 = arith.constant 1 : i32
          %dma_start3A_298 = arith.constant 0 : i32
          %dma_start3A_299 = arith.constant 0 : i32
          %dma_start3A_300 = tpu.memref_slice %arg8[%dma_start3A_297, %dma_start3A_298, %dma_start3A_299] : memref<3x8x656xf32, #tpu.memory_space<vmem>> -> memref<1x8x656xf32, #tpu.memory_space<vmem>>
          %dma_start3A_301 = tpu.memref_squeeze %dma_start3A_300 : memref<1x8x656xf32, #tpu.memory_space<vmem>> -> memref<8x656xf32, #tpu.memory_space<vmem>>
          %dma_start3A_302 = arith.constant 8 : i32
          %dma_start3A_303 = tpu.memref_slice %arg6[%dma_start3A_296, %dma_start3A_302] : memref<250x16xi32, #tpu.memory_space<vmem>> -> memref<1x8xi32, #tpu.memory_space<vmem>>
          %dma_start3A_304 = tpu.memref_squeeze %dma_start3A_303 : memref<1x8xi32, #tpu.memory_space<vmem>> -> memref<8xi32, #tpu.memory_space<vmem>>
          %dma_start3A_305 = arith.constant 0 : i32
          %dma_start3A_306 = arith.constant 0 : i32
          %dma_start3A_307 = tpu.memref_slice %arg3[%dma_start3A_305, %dma_start3A_306] : memref<10000x656xf32, #tpu.memory_space<hbm>> -> memref<10000x656xf32, #tpu.memory_space<hbm>>
          tpu.enqueue_indirect_dma source(%dma_start3A_307 : memref<10000x656xf32, #tpu.memory_space<hbm>>) target(%dma_start3A_301 : memref<8x656xf32, #tpu.memory_space<vmem>>) offsets(%dma_start3A_304 : memref<8xi32, #tpu.memory_space<vmem>>) semaphore(%arg13 : memref<!tpu.dma_semaphore, #tpu.memory_space<semaphore_mem>>)
        } else {
        }
        %eq3A_247 = arith.constant 2 : i32
        %eq3A_248 = arith.cmpi eq, %select_n3A_236, %eq3A_247 : i32
        %convert_element_type3A_249 = arith.extui %eq3A_248 : i1 to i32
        %cond3A_250 = arith.constant 0 : i32
        %cond3A_251 = arith.cmpi ne, %convert_element_type3A_249, %cond3A_250 : i32
        scf.if %cond3A_251 {
          %dma_start3A = arith.constant 1 : i32
          %dma_start3A_285 = arith.constant 2 : i32
          %dma_start3A_286 = arith.constant 0 : i32
          %dma_start3A_287 = arith.constant 0 : i32
          %dma_start3A_288 = tpu.memref_slice %arg7[%dma_start3A_285, %dma_start3A_286, %dma_start3A_287] : memref<3x8x656xf32, #tpu.memory_space<vmem>> -> memref<1x8x656xf32, #tpu.memory_space<vmem>>
          %dma_start3A_289 = tpu.memref_squeeze %dma_start3A_288 : memref<1x8x656xf32, #tpu.memory_space<vmem>> -> memref<8x656xf32, #tpu.memory_space<vmem>>
          %dma_start3A_290 = arith.constant 0 : i32
          %dma_start3A_291 = tpu.memref_slice %arg6[%dma_start3A, %dma_start3A_290] : memref<250x16xi32, #tpu.memory_space<vmem>> -> memref<1x8xi32, #tpu.memory_space<vmem>>
          %dma_start3A_292 = tpu.memref_squeeze %dma_start3A_291 : memref<1x8xi32, #tpu.memory_space<vmem>> -> memref<8xi32, #tpu.memory_space<vmem>>
          %dma_start3A_293 = arith.constant 0 : i32
          %dma_start3A_294 = arith.constant 0 : i32
          %dma_start3A_295 = tpu.memref_slice %arg2[%dma_start3A_293, %dma_start3A_294] : memref<10000x656xf32, #tpu.memory_space<hbm>> -> memref<10000x656xf32, #tpu.memory_space<hbm>>
          tpu.enqueue_indirect_dma source(%dma_start3A_295 : memref<10000x656xf32, #tpu.memory_space<hbm>>) target(%dma_start3A_289 : memref<8x656xf32, #tpu.memory_space<vmem>>) offsets(%dma_start3A_292 : memref<8xi32, #tpu.memory_space<vmem>>) semaphore(%arg14 : memref<!tpu.dma_semaphore, #tpu.memory_space<semaphore_mem>>)
          %dma_start3A_296 = arith.constant 1 : i32
          %dma_start3A_297 = arith.constant 2 : i32
          %dma_start3A_298 = arith.constant 0 : i32
          %dma_start3A_299 = arith.constant 0 : i32
          %dma_start3A_300 = tpu.memref_slice %arg8[%dma_start3A_297, %dma_start3A_298, %dma_start3A_299] : memref<3x8x656xf32, #tpu.memory_space<vmem>> -> memref<1x8x656xf32, #tpu.memory_space<vmem>>
          %dma_start3A_301 = tpu.memref_squeeze %dma_start3A_300 : memref<1x8x656xf32, #tpu.memory_space<vmem>> -> memref<8x656xf32, #tpu.memory_space<vmem>>
          %dma_start3A_302 = arith.constant 8 : i32
          %dma_start3A_303 = tpu.memref_slice %arg6[%dma_start3A_296, %dma_start3A_302] : memref<250x16xi32, #tpu.memory_space<vmem>> -> memref<1x8xi32, #tpu.memory_space<vmem>>
          %dma_start3A_304 = tpu.memref_squeeze %dma_start3A_303 : memref<1x8xi32, #tpu.memory_space<vmem>> -> memref<8xi32, #tpu.memory_space<vmem>>
          %dma_start3A_305 = arith.constant 0 : i32
          %dma_start3A_306 = arith.constant 0 : i32
          %dma_start3A_307 = tpu.memref_slice %arg3[%dma_start3A_305, %dma_start3A_306] : memref<10000x656xf32, #tpu.memory_space<hbm>> -> memref<10000x656xf32, #tpu.memory_space<hbm>>
          tpu.enqueue_indirect_dma source(%dma_start3A_307 : memref<10000x656xf32, #tpu.memory_space<hbm>>) target(%dma_start3A_301 : memref<8x656xf32, #tpu.memory_space<vmem>>) offsets(%dma_start3A_304 : memref<8xi32, #tpu.memory_space<vmem>>) semaphore(%arg14 : memref<!tpu.dma_semaphore, #tpu.memory_space<semaphore_mem>>)
        } else {
        }
        %add3A_252 = arith.constant 2 : i32
        %add3A_253 = arith.addi %scan3A_59, %add3A_252 : i32
        %jit3A_254 = arith.constant 3 : i32
        %eq3A_255 = arith.constant 0 : i32
        %eq3A_256 = arith.cmpi eq, %jit3A_254, %eq3A_255 : i32
        %jit3A_257 = arith.constant 1 : i32
        %select_n3A_258 = arith.select %eq3A_256, %jit3A_257, %jit3A_254 : i32
        %rem3A_259 = arith.remsi %add3A_253, %select_n3A_258 : i32
        %ne3A_260 = arith.constant 0 : i32
        %ne3A_261 = arith.cmpi ne, %rem3A_259, %ne3A_260 : i32
        %lt3A_262 = arith.constant 0 : i32
        %lt3A_263 = arith.cmpi slt, %rem3A_259, %lt3A_262 : i32
        %lt3A_264 = arith.constant 0 : i32
        %lt3A_265 = arith.cmpi slt, %select_n3A_258, %lt3A_264 : i32
        %ne3A_266 = arith.xori %lt3A_263, %lt3A_265 : i1
        %and3A_267 = arith.andi %ne3A_266, %ne3A_261 : i1
        %add3A_268 = arith.addi %rem3A_259, %select_n3A_258 : i32
        %select_n3A_269 = arith.select %and3A_267, %add3A_268, %rem3A_259 : i32
        %eq3A_270 = arith.constant 0 : i32
        %eq3A_271 = arith.cmpi eq, %select_n3A_269, %eq3A_270 : i32
        %convert_element_type3A_272 = arith.extui %eq3A_271 : i1 to i32
        %cond3A_273 = arith.constant 0 : i32
        %cond3A_274 = arith.cmpi ne, %convert_element_type3A_272, %cond3A_273 : i32
        scf.if %cond3A_274 {
          %dma_start3A = arith.constant 2 : i32
          %dma_start3A_285 = arith.constant 0 : i32
          %dma_start3A_286 = arith.constant 0 : i32
          %dma_start3A_287 = arith.constant 0 : i32
          %dma_start3A_288 = tpu.memref_slice %arg7[%dma_start3A_285, %dma_start3A_286, %dma_start3A_287] : memref<3x8x656xf32, #tpu.memory_space<vmem>> -> memref<1x8x656xf32, #tpu.memory_space<vmem>>
          %dma_start3A_289 = tpu.memref_squeeze %dma_start3A_288 : memref<1x8x656xf32, #tpu.memory_space<vmem>> -> memref<8x656xf32, #tpu.memory_space<vmem>>
          %dma_start3A_290 = arith.constant 0 : i32
          %dma_start3A_291 = tpu.memref_slice %arg6[%dma_start3A, %dma_start3A_290] : memref<250x16xi32, #tpu.memory_space<vmem>> -> memref<1x8xi32, #tpu.memory_space<vmem>>
          %dma_start3A_292 = tpu.memref_squeeze %dma_start3A_291 : memref<1x8xi32, #tpu.memory_space<vmem>> -> memref<8xi32, #tpu.memory_space<vmem>>
          %dma_start3A_293 = arith.constant 0 : i32
          %dma_start3A_294 = arith.constant 0 : i32
          %dma_start3A_295 = tpu.memref_slice %arg2[%dma_start3A_293, %dma_start3A_294] : memref<10000x656xf32, #tpu.memory_space<hbm>> -> memref<10000x656xf32, #tpu.memory_space<hbm>>
          tpu.enqueue_indirect_dma source(%dma_start3A_295 : memref<10000x656xf32, #tpu.memory_space<hbm>>) target(%dma_start3A_289 : memref<8x656xf32, #tpu.memory_space<vmem>>) offsets(%dma_start3A_292 : memref<8xi32, #tpu.memory_space<vmem>>) semaphore(%arg12 : memref<!tpu.dma_semaphore, #tpu.memory_space<semaphore_mem>>)
          %dma_start3A_296 = arith.constant 2 : i32
          %dma_start3A_297 = arith.constant 0 : i32
          %dma_start3A_298 = arith.constant 0 : i32
          %dma_start3A_299 = arith.constant 0 : i32
          %dma_start3A_300 = tpu.memref_slice %arg8[%dma_start3A_297, %dma_start3A_298, %dma_start3A_299] : memref<3x8x656xf32, #tpu.memory_space<vmem>> -> memref<1x8x656xf32, #tpu.memory_space<vmem>>
          %dma_start3A_301 = tpu.memref_squeeze %dma_start3A_300 : memref<1x8x656xf32, #tpu.memory_space<vmem>> -> memref<8x656xf32, #tpu.memory_space<vmem>>
          %dma_start3A_302 = arith.constant 8 : i32
          %dma_start3A_303 = tpu.memref_slice %arg6[%dma_start3A_296, %dma_start3A_302] : memref<250x16xi32, #tpu.memory_space<vmem>> -> memref<1x8xi32, #tpu.memory_space<vmem>>
          %dma_start3A_304 = tpu.memref_squeeze %dma_start3A_303 : memref<1x8xi32, #tpu.memory_space<vmem>> -> memref<8xi32, #tpu.memory_space<vmem>>
          %dma_start3A_305 = arith.constant 0 : i32
          %dma_start3A_306 = arith.constant 0 : i32
          %dma_start3A_307 = tpu.memref_slice %arg3[%dma_start3A_305, %dma_start3A_306] : memref<10000x656xf32, #tpu.memory_space<hbm>> -> memref<10000x656xf32, #tpu.memory_space<hbm>>
          tpu.enqueue_indirect_dma source(%dma_start3A_307 : memref<10000x656xf32, #tpu.memory_space<hbm>>) target(%dma_start3A_301 : memref<8x656xf32, #tpu.memory_space<vmem>>) offsets(%dma_start3A_304 : memref<8xi32, #tpu.memory_space<vmem>>) semaphore(%arg12 : memref<!tpu.dma_semaphore, #tpu.memory_space<semaphore_mem>>)
        } else {
        }
        %eq3A_275 = arith.constant 1 : i32
        %eq3A_276 = arith.cmpi eq, %select_n3A_269, %eq3A_275 : i32
        %convert_element_type3A_277 = arith.extui %eq3A_276 : i1 to i32
        %cond3A_278 = arith.constant 0 : i32
        %cond3A_279 = arith.cmpi ne, %convert_element_type3A_277, %cond3A_278 : i32
        scf.if %cond3A_279 {
          %dma_start3A = arith.constant 2 : i32
          %dma_start3A_285 = arith.constant 1 : i32
          %dma_start3A_286 = arith.constant 0 : i32
          %dma_start3A_287 = arith.constant 0 : i32
          %dma_start3A_288 = tpu.memref_slice %arg7[%dma_start3A_285, %dma_start3A_286, %dma_start3A_287] : memref<3x8x656xf32, #tpu.memory_space<vmem>> -> memref<1x8x656xf32, #tpu.memory_space<vmem>>
          %dma_start3A_289 = tpu.memref_squeeze %dma_start3A_288 : memref<1x8x656xf32, #tpu.memory_space<vmem>> -> memref<8x656xf32, #tpu.memory_space<vmem>>
          %dma_start3A_290 = arith.constant 0 : i32
          %dma_start3A_291 = tpu.memref_slice %arg6[%dma_start3A, %dma_start3A_290] : memref<250x16xi32, #tpu.memory_space<vmem>> -> memref<1x8xi32, #tpu.memory_space<vmem>>
          %dma_start3A_292 = tpu.memref_squeeze %dma_start3A_291 : memref<1x8xi32, #tpu.memory_space<vmem>> -> memref<8xi32, #tpu.memory_space<vmem>>
          %dma_start3A_293 = arith.constant 0 : i32
          %dma_start3A_294 = arith.constant 0 : i32
          %dma_start3A_295 = tpu.memref_slice %arg2[%dma_start3A_293, %dma_start3A_294] : memref<10000x656xf32, #tpu.memory_space<hbm>> -> memref<10000x656xf32, #tpu.memory_space<hbm>>
          tpu.enqueue_indirect_dma source(%dma_start3A_295 : memref<10000x656xf32, #tpu.memory_space<hbm>>) target(%dma_start3A_289 : memref<8x656xf32, #tpu.memory_space<vmem>>) offsets(%dma_start3A_292 : memref<8xi32, #tpu.memory_space<vmem>>) semaphore(%arg13 : memref<!tpu.dma_semaphore, #tpu.memory_space<semaphore_mem>>)
          %dma_start3A_296 = arith.constant 2 : i32
          %dma_start3A_297 = arith.constant 1 : i32
          %dma_start3A_298 = arith.constant 0 : i32
          %dma_start3A_299 = arith.constant 0 : i32
          %dma_start3A_300 = tpu.memref_slice %arg8[%dma_start3A_297, %dma_start3A_298, %dma_start3A_299] : memref<3x8x656xf32, #tpu.memory_space<vmem>> -> memref<1x8x656xf32, #tpu.memory_space<vmem>>
          %dma_start3A_301 = tpu.memref_squeeze %dma_start3A_300 : memref<1x8x656xf32, #tpu.memory_space<vmem>> -> memref<8x656xf32, #tpu.memory_space<vmem>>
          %dma_start3A_302 = arith.constant 8 : i32
          %dma_start3A_303 = tpu.memref_slice %arg6[%dma_start3A_296, %dma_start3A_302] : memref<250x16xi32, #tpu.memory_space<vmem>> -> memref<1x8xi32, #tpu.memory_space<vmem>>
          %dma_start3A_304 = tpu.memref_squeeze %dma_start3A_303 : memref<1x8xi32, #tpu.memory_space<vmem>> -> memref<8xi32, #tpu.memory_space<vmem>>
          %dma_start3A_305 = arith.constant 0 : i32
          %dma_start3A_306 = arith.constant 0 : i32
          %dma_start3A_307 = tpu.memref_slice %arg3[%dma_start3A_305, %dma_start3A_306] : memref<10000x656xf32, #tpu.memory_space<hbm>> -> memref<10000x656xf32, #tpu.memory_space<hbm>>
          tpu.enqueue_indirect_dma source(%dma_start3A_307 : memref<10000x656xf32, #tpu.memory_space<hbm>>) target(%dma_start3A_301 : memref<8x656xf32, #tpu.memory_space<vmem>>) offsets(%dma_start3A_304 : memref<8xi32, #tpu.memory_space<vmem>>) semaphore(%arg13 : memref<!tpu.dma_semaphore, #tpu.memory_space<semaphore_mem>>)
        } else {
        }
        %eq3A_280 = arith.constant 2 : i32
        %eq3A_281 = arith.cmpi eq, %select_n3A_269, %eq3A_280 : i32
        %convert_element_type3A_282 = arith.extui %eq3A_281 : i1 to i32
        %cond3A_283 = arith.constant 0 : i32
        %cond3A_284 = arith.cmpi ne, %convert_element_type3A_282, %cond3A_283 : i32
        scf.if %cond3A_284 {
          %dma_start3A = arith.constant 2 : i32
          %dma_start3A_285 = arith.constant 2 : i32
          %dma_start3A_286 = arith.constant 0 : i32
          %dma_start3A_287 = arith.constant 0 : i32
          %dma_start3A_288 = tpu.memref_slice %arg7[%dma_start3A_285, %dma_start3A_286, %dma_start3A_287] : memref<3x8x656xf32, #tpu.memory_space<vmem>> -> memref<1x8x656xf32, #tpu.memory_space<vmem>>
          %dma_start3A_289 = tpu.memref_squeeze %dma_start3A_288 : memref<1x8x656xf32, #tpu.memory_space<vmem>> -> memref<8x656xf32, #tpu.memory_space<vmem>>
          %dma_start3A_290 = arith.constant 0 : i32
          %dma_start3A_291 = tpu.memref_slice %arg6[%dma_start3A, %dma_start3A_290] : memref<250x16xi32, #tpu.memory_space<vmem>> -> memref<1x8xi32, #tpu.memory_space<vmem>>
          %dma_start3A_292 = tpu.memref_squeeze %dma_start3A_291 : memref<1x8xi32, #tpu.memory_space<vmem>> -> memref<8xi32, #tpu.memory_space<vmem>>
          %dma_start3A_293 = arith.constant 0 : i32
          %dma_start3A_294 = arith.constant 0 : i32
          %dma_start3A_295 = tpu.memref_slice %arg2[%dma_start3A_293, %dma_start3A_294] : memref<10000x656xf32, #tpu.memory_space<hbm>> -> memref<10000x656xf32, #tpu.memory_space<hbm>>
          tpu.enqueue_indirect_dma source(%dma_start3A_295 : memref<10000x656xf32, #tpu.memory_space<hbm>>) target(%dma_start3A_289 : memref<8x656xf32, #tpu.memory_space<vmem>>) offsets(%dma_start3A_292 : memref<8xi32, #tpu.memory_space<vmem>>) semaphore(%arg14 : memref<!tpu.dma_semaphore, #tpu.memory_space<semaphore_mem>>)
          %dma_start3A_296 = arith.constant 2 : i32
          %dma_start3A_297 = arith.constant 2 : i32
          %dma_start3A_298 = arith.constant 0 : i32
          %dma_start3A_299 = arith.constant 0 : i32
          %dma_start3A_300 = tpu.memref_slice %arg8[%dma_start3A_297, %dma_start3A_298, %dma_start3A_299] : memref<3x8x656xf32, #tpu.memory_space<vmem>> -> memref<1x8x656xf32, #tpu.memory_space<vmem>>
          %dma_start3A_301 = tpu.memref_squeeze %dma_start3A_300 : memref<1x8x656xf32, #tpu.memory_space<vmem>> -> memref<8x656xf32, #tpu.memory_space<vmem>>
          %dma_start3A_302 = arith.constant 8 : i32
          %dma_start3A_303 = tpu.memref_slice %arg6[%dma_start3A_296, %dma_start3A_302] : memref<250x16xi32, #tpu.memory_space<vmem>> -> memref<1x8xi32, #tpu.memory_space<vmem>>
          %dma_start3A_304 = tpu.memref_squeeze %dma_start3A_303 : memref<1x8xi32, #tpu.memory_space<vmem>> -> memref<8xi32, #tpu.memory_space<vmem>>
          %dma_start3A_305 = arith.constant 0 : i32
          %dma_start3A_306 = arith.constant 0 : i32
          %dma_start3A_307 = tpu.memref_slice %arg3[%dma_start3A_305, %dma_start3A_306] : memref<10000x656xf32, #tpu.memory_space<hbm>> -> memref<10000x656xf32, #tpu.memory_space<hbm>>
          tpu.enqueue_indirect_dma source(%dma_start3A_307 : memref<10000x656xf32, #tpu.memory_space<hbm>>) target(%dma_start3A_301 : memref<8x656xf32, #tpu.memory_space<vmem>>) offsets(%dma_start3A_304 : memref<8xi32, #tpu.memory_space<vmem>>) semaphore(%arg14 : memref<!tpu.dma_semaphore, #tpu.memory_space<semaphore_mem>>)
        } else {
        }
      } else {
      }
      %gt3A = arith.constant 0 : i32
      %gt3A_129 = arith.cmpi sgt, %select_n3A_70, %gt3A : i32
      %add3A_130 = arith.constant 2 : i32
      %add3A_131 = arith.addi %select_n3A_70, %add3A_130 : i32
      %lt3A_132 = arith.constant 250 : i32
      %lt3A_133 = arith.cmpi slt, %add3A_131, %lt3A_132 : i32
      %and3A_134 = arith.andi %gt3A_129, %lt3A_133 : i1
      %convert_element_type3A_135 = arith.extui %and3A_134 : i1 to i32
      %cond3A_136 = arith.constant 0 : i32
      %cond3A_137 = arith.cmpi ne, %convert_element_type3A_135, %cond3A_136 : i32
      scf.if %cond3A_137 {
        %add3A_178 = arith.constant 2 : i32
        %add3A_179 = arith.addi %scan3A_59, %add3A_178 : i32
        %jit3A_180 = arith.constant 3 : i32
        %eq3A_181 = arith.constant 0 : i32
        %eq3A_182 = arith.cmpi eq, %jit3A_180, %eq3A_181 : i32
        %jit3A_183 = arith.constant 1 : i32
        %select_n3A_184 = arith.select %eq3A_182, %jit3A_183, %jit3A_180 : i32
        %rem3A_185 = arith.remsi %add3A_179, %select_n3A_184 : i32
        %ne3A_186 = arith.constant 0 : i32
        %ne3A_187 = arith.cmpi ne, %rem3A_185, %ne3A_186 : i32
        %lt3A_188 = arith.constant 0 : i32
        %lt3A_189 = arith.cmpi slt, %rem3A_185, %lt3A_188 : i32
        %lt3A_190 = arith.constant 0 : i32
        %lt3A_191 = arith.cmpi slt, %select_n3A_184, %lt3A_190 : i32
        %ne3A_192 = arith.xori %lt3A_189, %lt3A_191 : i1
        %and3A_193 = arith.andi %ne3A_192, %ne3A_187 : i1
        %add3A_194 = arith.addi %rem3A_185, %select_n3A_184 : i32
        %select_n3A_195 = arith.select %and3A_193, %add3A_194, %rem3A_185 : i32
        %eq3A_196 = arith.constant 0 : i32
        %eq3A_197 = arith.cmpi eq, %select_n3A_195, %eq3A_196 : i32
        %convert_element_type3A_198 = arith.extui %eq3A_197 : i1 to i32
        %cond3A_199 = arith.constant 0 : i32
        %cond3A_200 = arith.cmpi ne, %convert_element_type3A_198, %cond3A_199 : i32
        scf.if %cond3A_200 {
          %add3A_247 = arith.constant 2 : i32
          %add3A_248 = arith.addi %select_n3A_70, %add3A_247 : i32
          %dma_start3A = arith.constant 0 : i32
          %dma_start3A_249 = arith.constant 0 : i32
          %dma_start3A_250 = arith.constant 0 : i32
          %dma_start3A_251 = tpu.memref_slice %arg7[%dma_start3A, %dma_start3A_249, %dma_start3A_250] : memref<3x8x656xf32, #tpu.memory_space<vmem>> -> memref<1x8x656xf32, #tpu.memory_space<vmem>>
          %dma_start3A_252 = tpu.memref_squeeze %dma_start3A_251 : memref<1x8x656xf32, #tpu.memory_space<vmem>> -> memref<8x656xf32, #tpu.memory_space<vmem>>
          %dma_start3A_253 = arith.constant 0 : i32
          %dma_start3A_254 = tpu.memref_slice %arg6[%add3A_248, %dma_start3A_253] : memref<250x16xi32, #tpu.memory_space<vmem>> -> memref<1x8xi32, #tpu.memory_space<vmem>>
          %dma_start3A_255 = tpu.memref_squeeze %dma_start3A_254 : memref<1x8xi32, #tpu.memory_space<vmem>> -> memref<8xi32, #tpu.memory_space<vmem>>
          %dma_start3A_256 = arith.constant 0 : i32
          %dma_start3A_257 = arith.constant 0 : i32
          %dma_start3A_258 = tpu.memref_slice %arg2[%dma_start3A_256, %dma_start3A_257] : memref<10000x656xf32, #tpu.memory_space<hbm>> -> memref<10000x656xf32, #tpu.memory_space<hbm>>
          tpu.enqueue_indirect_dma source(%dma_start3A_258 : memref<10000x656xf32, #tpu.memory_space<hbm>>) target(%dma_start3A_252 : memref<8x656xf32, #tpu.memory_space<vmem>>) offsets(%dma_start3A_255 : memref<8xi32, #tpu.memory_space<vmem>>) semaphore(%arg12 : memref<!tpu.dma_semaphore, #tpu.memory_space<semaphore_mem>>)
          %dma_start3A_259 = arith.constant 0 : i32
          %dma_start3A_260 = arith.constant 0 : i32
          %dma_start3A_261 = arith.constant 0 : i32
          %dma_start3A_262 = tpu.memref_slice %arg8[%dma_start3A_259, %dma_start3A_260, %dma_start3A_261] : memref<3x8x656xf32, #tpu.memory_space<vmem>> -> memref<1x8x656xf32, #tpu.memory_space<vmem>>
          %dma_start3A_263 = tpu.memref_squeeze %dma_start3A_262 : memref<1x8x656xf32, #tpu.memory_space<vmem>> -> memref<8x656xf32, #tpu.memory_space<vmem>>
          %dma_start3A_264 = arith.constant 8 : i32
          %dma_start3A_265 = tpu.memref_slice %arg6[%add3A_248, %dma_start3A_264] : memref<250x16xi32, #tpu.memory_space<vmem>> -> memref<1x8xi32, #tpu.memory_space<vmem>>
          %dma_start3A_266 = tpu.memref_squeeze %dma_start3A_265 : memref<1x8xi32, #tpu.memory_space<vmem>> -> memref<8xi32, #tpu.memory_space<vmem>>
          %dma_start3A_267 = arith.constant 0 : i32
          %dma_start3A_268 = arith.constant 0 : i32
          %dma_start3A_269 = tpu.memref_slice %arg3[%dma_start3A_267, %dma_start3A_268] : memref<10000x656xf32, #tpu.memory_space<hbm>> -> memref<10000x656xf32, #tpu.memory_space<hbm>>
          tpu.enqueue_indirect_dma source(%dma_start3A_269 : memref<10000x656xf32, #tpu.memory_space<hbm>>) target(%dma_start3A_263 : memref<8x656xf32, #tpu.memory_space<vmem>>) offsets(%dma_start3A_266 : memref<8xi32, #tpu.memory_space<vmem>>) semaphore(%arg12 : memref<!tpu.dma_semaphore, #tpu.memory_space<semaphore_mem>>)
        } else {
        }
        %add3A_201 = arith.constant 2 : i32
        %add3A_202 = arith.addi %scan3A_59, %add3A_201 : i32
        %jit3A_203 = arith.constant 3 : i32
        %eq3A_204 = arith.constant 0 : i32
        %eq3A_205 = arith.cmpi eq, %jit3A_203, %eq3A_204 : i32
        %jit3A_206 = arith.constant 1 : i32
        %select_n3A_207 = arith.select %eq3A_205, %jit3A_206, %jit3A_203 : i32
        %rem3A_208 = arith.remsi %add3A_202, %select_n3A_207 : i32
        %ne3A_209 = arith.constant 0 : i32
        %ne3A_210 = arith.cmpi ne, %rem3A_208, %ne3A_209 : i32
        %lt3A_211 = arith.constant 0 : i32
        %lt3A_212 = arith.cmpi slt, %rem3A_208, %lt3A_211 : i32
        %lt3A_213 = arith.constant 0 : i32
        %lt3A_214 = arith.cmpi slt, %select_n3A_207, %lt3A_213 : i32
        %ne3A_215 = arith.xori %lt3A_212, %lt3A_214 : i1
        %and3A_216 = arith.andi %ne3A_215, %ne3A_210 : i1
        %add3A_217 = arith.addi %rem3A_208, %select_n3A_207 : i32
        %select_n3A_218 = arith.select %and3A_216, %add3A_217, %rem3A_208 : i32
        %eq3A_219 = arith.constant 1 : i32
        %eq3A_220 = arith.cmpi eq, %select_n3A_218, %eq3A_219 : i32
        %convert_element_type3A_221 = arith.extui %eq3A_220 : i1 to i32
        %cond3A_222 = arith.constant 0 : i32
        %cond3A_223 = arith.cmpi ne, %convert_element_type3A_221, %cond3A_222 : i32
        scf.if %cond3A_223 {
          %add3A_247 = arith.constant 2 : i32
          %add3A_248 = arith.addi %select_n3A_70, %add3A_247 : i32
          %dma_start3A = arith.constant 1 : i32
          %dma_start3A_249 = arith.constant 0 : i32
          %dma_start3A_250 = arith.constant 0 : i32
          %dma_start3A_251 = tpu.memref_slice %arg7[%dma_start3A, %dma_start3A_249, %dma_start3A_250] : memref<3x8x656xf32, #tpu.memory_space<vmem>> -> memref<1x8x656xf32, #tpu.memory_space<vmem>>
          %dma_start3A_252 = tpu.memref_squeeze %dma_start3A_251 : memref<1x8x656xf32, #tpu.memory_space<vmem>> -> memref<8x656xf32, #tpu.memory_space<vmem>>
          %dma_start3A_253 = arith.constant 0 : i32
          %dma_start3A_254 = tpu.memref_slice %arg6[%add3A_248, %dma_start3A_253] : memref<250x16xi32, #tpu.memory_space<vmem>> -> memref<1x8xi32, #tpu.memory_space<vmem>>
          %dma_start3A_255 = tpu.memref_squeeze %dma_start3A_254 : memref<1x8xi32, #tpu.memory_space<vmem>> -> memref<8xi32, #tpu.memory_space<vmem>>
          %dma_start3A_256 = arith.constant 0 : i32
          %dma_start3A_257 = arith.constant 0 : i32
          %dma_start3A_258 = tpu.memref_slice %arg2[%dma_start3A_256, %dma_start3A_257] : memref<10000x656xf32, #tpu.memory_space<hbm>> -> memref<10000x656xf32, #tpu.memory_space<hbm>>
          tpu.enqueue_indirect_dma source(%dma_start3A_258 : memref<10000x656xf32, #tpu.memory_space<hbm>>) target(%dma_start3A_252 : memref<8x656xf32, #tpu.memory_space<vmem>>) offsets(%dma_start3A_255 : memref<8xi32, #tpu.memory_space<vmem>>) semaphore(%arg13 : memref<!tpu.dma_semaphore, #tpu.memory_space<semaphore_mem>>)
          %dma_start3A_259 = arith.constant 1 : i32
          %dma_start3A_260 = arith.constant 0 : i32
          %dma_start3A_261 = arith.constant 0 : i32
          %dma_start3A_262 = tpu.memref_slice %arg8[%dma_start3A_259, %dma_start3A_260, %dma_start3A_261] : memref<3x8x656xf32, #tpu.memory_space<vmem>> -> memref<1x8x656xf32, #tpu.memory_space<vmem>>
          %dma_start3A_263 = tpu.memref_squeeze %dma_start3A_262 : memref<1x8x656xf32, #tpu.memory_space<vmem>> -> memref<8x656xf32, #tpu.memory_space<vmem>>
          %dma_start3A_264 = arith.constant 8 : i32
          %dma_start3A_265 = tpu.memref_slice %arg6[%add3A_248, %dma_start3A_264] : memref<250x16xi32, #tpu.memory_space<vmem>> -> memref<1x8xi32, #tpu.memory_space<vmem>>
          %dma_start3A_266 = tpu.memref_squeeze %dma_start3A_265 : memref<1x8xi32, #tpu.memory_space<vmem>> -> memref<8xi32, #tpu.memory_space<vmem>>
          %dma_start3A_267 = arith.constant 0 : i32
          %dma_start3A_268 = arith.constant 0 : i32
          %dma_start3A_269 = tpu.memref_slice %arg3[%dma_start3A_267, %dma_start3A_268] : memref<10000x656xf32, #tpu.memory_space<hbm>> -> memref<10000x656xf32, #tpu.memory_space<hbm>>
          tpu.enqueue_indirect_dma source(%dma_start3A_269 : memref<10000x656xf32, #tpu.memory_space<hbm>>) target(%dma_start3A_263 : memref<8x656xf32, #tpu.memory_space<vmem>>) offsets(%dma_start3A_266 : memref<8xi32, #tpu.memory_space<vmem>>) semaphore(%arg13 : memref<!tpu.dma_semaphore, #tpu.memory_space<semaphore_mem>>)
        } else {
        }
        %add3A_224 = arith.constant 2 : i32
        %add3A_225 = arith.addi %scan3A_59, %add3A_224 : i32
        %jit3A_226 = arith.constant 3 : i32
        %eq3A_227 = arith.constant 0 : i32
        %eq3A_228 = arith.cmpi eq, %jit3A_226, %eq3A_227 : i32
        %jit3A_229 = arith.constant 1 : i32
        %select_n3A_230 = arith.select %eq3A_228, %jit3A_229, %jit3A_226 : i32
        %rem3A_231 = arith.remsi %add3A_225, %select_n3A_230 : i32
        %ne3A_232 = arith.constant 0 : i32
        %ne3A_233 = arith.cmpi ne, %rem3A_231, %ne3A_232 : i32
        %lt3A_234 = arith.constant 0 : i32
        %lt3A_235 = arith.cmpi slt, %rem3A_231, %lt3A_234 : i32
        %lt3A_236 = arith.constant 0 : i32
        %lt3A_237 = arith.cmpi slt, %select_n3A_230, %lt3A_236 : i32
        %ne3A_238 = arith.xori %lt3A_235, %lt3A_237 : i1
        %and3A_239 = arith.andi %ne3A_238, %ne3A_233 : i1
        %add3A_240 = arith.addi %rem3A_231, %select_n3A_230 : i32
        %select_n3A_241 = arith.select %and3A_239, %add3A_240, %rem3A_231 : i32
        %eq3A_242 = arith.constant 2 : i32
        %eq3A_243 = arith.cmpi eq, %select_n3A_241, %eq3A_242 : i32
        %convert_element_type3A_244 = arith.extui %eq3A_243 : i1 to i32
        %cond3A_245 = arith.constant 0 : i32
        %cond3A_246 = arith.cmpi ne, %convert_element_type3A_244, %cond3A_245 : i32
        scf.if %cond3A_246 {
          %add3A_247 = arith.constant 2 : i32
          %add3A_248 = arith.addi %select_n3A_70, %add3A_247 : i32
          %dma_start3A = arith.constant 2 : i32
          %dma_start3A_249 = arith.constant 0 : i32
          %dma_start3A_250 = arith.constant 0 : i32
          %dma_start3A_251 = tpu.memref_slice %arg7[%dma_start3A, %dma_start3A_249, %dma_start3A_250] : memref<3x8x656xf32, #tpu.memory_space<vmem>> -> memref<1x8x656xf32, #tpu.memory_space<vmem>>
          %dma_start3A_252 = tpu.memref_squeeze %dma_start3A_251 : memref<1x8x656xf32, #tpu.memory_space<vmem>> -> memref<8x656xf32, #tpu.memory_space<vmem>>
          %dma_start3A_253 = arith.constant 0 : i32
          %dma_start3A_254 = tpu.memref_slice %arg6[%add3A_248, %dma_start3A_253] : memref<250x16xi32, #tpu.memory_space<vmem>> -> memref<1x8xi32, #tpu.memory_space<vmem>>
          %dma_start3A_255 = tpu.memref_squeeze %dma_start3A_254 : memref<1x8xi32, #tpu.memory_space<vmem>> -> memref<8xi32, #tpu.memory_space<vmem>>
          %dma_start3A_256 = arith.constant 0 : i32
          %dma_start3A_257 = arith.constant 0 : i32
          %dma_start3A_258 = tpu.memref_slice %arg2[%dma_start3A_256, %dma_start3A_257] : memref<10000x656xf32, #tpu.memory_space<hbm>> -> memref<10000x656xf32, #tpu.memory_space<hbm>>
          tpu.enqueue_indirect_dma source(%dma_start3A_258 : memref<10000x656xf32, #tpu.memory_space<hbm>>) target(%dma_start3A_252 : memref<8x656xf32, #tpu.memory_space<vmem>>) offsets(%dma_start3A_255 : memref<8xi32, #tpu.memory_space<vmem>>) semaphore(%arg14 : memref<!tpu.dma_semaphore, #tpu.memory_space<semaphore_mem>>)
          %dma_start3A_259 = arith.constant 2 : i32
          %dma_start3A_260 = arith.constant 0 : i32
          %dma_start3A_261 = arith.constant 0 : i32
          %dma_start3A_262 = tpu.memref_slice %arg8[%dma_start3A_259, %dma_start3A_260, %dma_start3A_261] : memref<3x8x656xf32, #tpu.memory_space<vmem>> -> memref<1x8x656xf32, #tpu.memory_space<vmem>>
          %dma_start3A_263 = tpu.memref_squeeze %dma_start3A_262 : memref<1x8x656xf32, #tpu.memory_space<vmem>> -> memref<8x656xf32, #tpu.memory_space<vmem>>
          %dma_start3A_264 = arith.constant 8 : i32
          %dma_start3A_265 = tpu.memref_slice %arg6[%add3A_248, %dma_start3A_264] : memref<250x16xi32, #tpu.memory_space<vmem>> -> memref<1x8xi32, #tpu.memory_space<vmem>>
          %dma_start3A_266 = tpu.memref_squeeze %dma_start3A_265 : memref<1x8xi32, #tpu.memory_space<vmem>> -> memref<8xi32, #tpu.memory_space<vmem>>
          %dma_start3A_267 = arith.constant 0 : i32
          %dma_start3A_268 = arith.constant 0 : i32
          %dma_start3A_269 = tpu.memref_slice %arg3[%dma_start3A_267, %dma_start3A_268] : memref<10000x656xf32, #tpu.memory_space<hbm>> -> memref<10000x656xf32, #tpu.memory_space<hbm>>
          tpu.enqueue_indirect_dma source(%dma_start3A_269 : memref<10000x656xf32, #tpu.memory_space<hbm>>) target(%dma_start3A_263 : memref<8x656xf32, #tpu.memory_space<vmem>>) offsets(%dma_start3A_266 : memref<8xi32, #tpu.memory_space<vmem>>) semaphore(%arg14 : memref<!tpu.dma_semaphore, #tpu.memory_space<semaphore_mem>>)
        } else {
        }
      } else {
      }
      %eq3A_138 = arith.constant 0 : i32
      %eq3A_139 = arith.cmpi eq, %select_n3A_107, %eq3A_138 : i32
      %convert_element_type3A_140 = arith.extui %eq3A_139 : i1 to i32
      %cond3A_141 = arith.constant 0 : i32
      %cond3A_142 = arith.cmpi ne, %convert_element_type3A_140, %cond3A_141 : i32
      scf.if %cond3A_142 {
        %dma_wait3A_178 = arith.constant 0 : i32
        %dma_wait3A_179 = arith.constant 0 : i32
        %dma_wait3A_180 = arith.constant 0 : i32
        %dma_wait3A_181 = arith.constant 0 : i32
        %dma_wait3A_182 = tpu.memref_slice %arg7[%dma_wait3A_179, %dma_wait3A_180, %dma_wait3A_181] : memref<3x8x656xf32, #tpu.memory_space<vmem>> -> memref<1x8x656xf32, #tpu.memory_space<vmem>>
        %dma_wait3A_183 = tpu.memref_squeeze %dma_wait3A_182 : memref<1x8x656xf32, #tpu.memory_space<vmem>> -> memref<8x656xf32, #tpu.memory_space<vmem>>
        %dma_wait3A_184 = arith.constant 0 : i32
        %dma_wait3A_185 = tpu.memref_slice %arg6[%dma_wait3A_178, %dma_wait3A_184] : memref<250x16xi32, #tpu.memory_space<vmem>> -> memref<1x8xi32, #tpu.memory_space<vmem>>
        %dma_wait3A_186 = tpu.memref_squeeze %dma_wait3A_185 : memref<1x8xi32, #tpu.memory_space<vmem>> -> memref<8xi32, #tpu.memory_space<vmem>>
        %dma_wait3A_187 = arith.constant 0 : i32
        %dma_wait3A_188 = arith.constant 0 : i32
        %dma_wait3A_189 = tpu.memref_slice %arg2[%dma_wait3A_187, %dma_wait3A_188] : memref<10000x656xf32, #tpu.memory_space<hbm>> -> memref<10000x656xf32, #tpu.memory_space<hbm>>
        tpu.wait_indirect_dma semaphore(%arg12 : memref<!tpu.dma_semaphore, #tpu.memory_space<semaphore_mem>>) src(%dma_wait3A_189 : memref<10000x656xf32, #tpu.memory_space<hbm>>) dst(%dma_wait3A_183 : memref<8x656xf32, #tpu.memory_space<vmem>>)
        %dma_wait3A_190 = arith.constant 0 : i32
        %dma_wait3A_191 = arith.constant 0 : i32
        %dma_wait3A_192 = arith.constant 0 : i32
        %dma_wait3A_193 = arith.constant 0 : i32
        %dma_wait3A_194 = tpu.memref_slice %arg8[%dma_wait3A_191, %dma_wait3A_192, %dma_wait3A_193] : memref<3x8x656xf32, #tpu.memory_space<vmem>> -> memref<1x8x656xf32, #tpu.memory_space<vmem>>
        %dma_wait3A_195 = tpu.memref_squeeze %dma_wait3A_194 : memref<1x8x656xf32, #tpu.memory_space<vmem>> -> memref<8x656xf32, #tpu.memory_space<vmem>>
        %dma_wait3A_196 = arith.constant 0 : i32
        %dma_wait3A_197 = tpu.memref_slice %arg6[%dma_wait3A_190, %dma_wait3A_196] : memref<250x16xi32, #tpu.memory_space<vmem>> -> memref<1x8xi32, #tpu.memory_space<vmem>>
        %dma_wait3A_198 = tpu.memref_squeeze %dma_wait3A_197 : memref<1x8xi32, #tpu.memory_space<vmem>> -> memref<8xi32, #tpu.memory_space<vmem>>
        %dma_wait3A_199 = arith.constant 0 : i32
        %dma_wait3A_200 = arith.constant 0 : i32
        %dma_wait3A_201 = tpu.memref_slice %arg3[%dma_wait3A_199, %dma_wait3A_200] : memref<10000x656xf32, #tpu.memory_space<hbm>> -> memref<10000x656xf32, #tpu.memory_space<hbm>>
        tpu.wait_indirect_dma semaphore(%arg12 : memref<!tpu.dma_semaphore, #tpu.memory_space<semaphore_mem>>) src(%dma_wait3A_201 : memref<10000x656xf32, #tpu.memory_space<hbm>>) dst(%dma_wait3A_195 : memref<8x656xf32, #tpu.memory_space<vmem>>)
      } else {
      }
      %eq3A_143 = arith.constant 1 : i32
      %eq3A_144 = arith.cmpi eq, %select_n3A_107, %eq3A_143 : i32
      %convert_element_type3A_145 = arith.extui %eq3A_144 : i1 to i32
      %cond3A_146 = arith.constant 0 : i32
      %cond3A_147 = arith.cmpi ne, %convert_element_type3A_145, %cond3A_146 : i32
      scf.if %cond3A_147 {
        %dma_wait3A_178 = arith.constant 0 : i32
        %dma_wait3A_179 = arith.constant 0 : i32
        %dma_wait3A_180 = arith.constant 0 : i32
        %dma_wait3A_181 = arith.constant 0 : i32
        %dma_wait3A_182 = tpu.memref_slice %arg7[%dma_wait3A_179, %dma_wait3A_180, %dma_wait3A_181] : memref<3x8x656xf32, #tpu.memory_space<vmem>> -> memref<1x8x656xf32, #tpu.memory_space<vmem>>
        %dma_wait3A_183 = tpu.memref_squeeze %dma_wait3A_182 : memref<1x8x656xf32, #tpu.memory_space<vmem>> -> memref<8x656xf32, #tpu.memory_space<vmem>>
        %dma_wait3A_184 = arith.constant 0 : i32
        %dma_wait3A_185 = tpu.memref_slice %arg6[%dma_wait3A_178, %dma_wait3A_184] : memref<250x16xi32, #tpu.memory_space<vmem>> -> memref<1x8xi32, #tpu.memory_space<vmem>>
        %dma_wait3A_186 = tpu.memref_squeeze %dma_wait3A_185 : memref<1x8xi32, #tpu.memory_space<vmem>> -> memref<8xi32, #tpu.memory_space<vmem>>
        %dma_wait3A_187 = arith.constant 0 : i32
        %dma_wait3A_188 = arith.constant 0 : i32
        %dma_wait3A_189 = tpu.memref_slice %arg2[%dma_wait3A_187, %dma_wait3A_188] : memref<10000x656xf32, #tpu.memory_space<hbm>> -> memref<10000x656xf32, #tpu.memory_space<hbm>>
        tpu.wait_indirect_dma semaphore(%arg13 : memref<!tpu.dma_semaphore, #tpu.memory_space<semaphore_mem>>) src(%dma_wait3A_189 : memref<10000x656xf32, #tpu.memory_space<hbm>>) dst(%dma_wait3A_183 : memref<8x656xf32, #tpu.memory_space<vmem>>)
        %dma_wait3A_190 = arith.constant 0 : i32
        %dma_wait3A_191 = arith.constant 0 : i32
        %dma_wait3A_192 = arith.constant 0 : i32
        %dma_wait3A_193 = arith.constant 0 : i32
        %dma_wait3A_194 = tpu.memref_slice %arg8[%dma_wait3A_191, %dma_wait3A_192, %dma_wait3A_193] : memref<3x8x656xf32, #tpu.memory_space<vmem>> -> memref<1x8x656xf32, #tpu.memory_space<vmem>>
        %dma_wait3A_195 = tpu.memref_squeeze %dma_wait3A_194 : memref<1x8x656xf32, #tpu.memory_space<vmem>> -> memref<8x656xf32, #tpu.memory_space<vmem>>
        %dma_wait3A_196 = arith.constant 0 : i32
        %dma_wait3A_197 = tpu.memref_slice %arg6[%dma_wait3A_190, %dma_wait3A_196] : memref<250x16xi32, #tpu.memory_space<vmem>> -> memref<1x8xi32, #tpu.memory_space<vmem>>
        %dma_wait3A_198 = tpu.memref_squeeze %dma_wait3A_197 : memref<1x8xi32, #tpu.memory_space<vmem>> -> memref<8xi32, #tpu.memory_space<vmem>>
        %dma_wait3A_199 = arith.constant 0 : i32
        %dma_wait3A_200 = arith.constant 0 : i32
        %dma_wait3A_201 = tpu.memref_slice %arg3[%dma_wait3A_199, %dma_wait3A_200] : memref<10000x656xf32, #tpu.memory_space<hbm>> -> memref<10000x656xf32, #tpu.memory_space<hbm>>
        tpu.wait_indirect_dma semaphore(%arg13 : memref<!tpu.dma_semaphore, #tpu.memory_space<semaphore_mem>>) src(%dma_wait3A_201 : memref<10000x656xf32, #tpu.memory_space<hbm>>) dst(%dma_wait3A_195 : memref<8x656xf32, #tpu.memory_space<vmem>>)
      } else {
      }
      %eq3A_148 = arith.constant 2 : i32
      %eq3A_149 = arith.cmpi eq, %select_n3A_107, %eq3A_148 : i32
      %convert_element_type3A_150 = arith.extui %eq3A_149 : i1 to i32
      %cond3A_151 = arith.constant 0 : i32
      %cond3A_152 = arith.cmpi ne, %convert_element_type3A_150, %cond3A_151 : i32
      scf.if %cond3A_152 {
        %dma_wait3A_178 = arith.constant 0 : i32
        %dma_wait3A_179 = arith.constant 0 : i32
        %dma_wait3A_180 = arith.constant 0 : i32
        %dma_wait3A_181 = arith.constant 0 : i32
        %dma_wait3A_182 = tpu.memref_slice %arg7[%dma_wait3A_179, %dma_wait3A_180, %dma_wait3A_181] : memref<3x8x656xf32, #tpu.memory_space<vmem>> -> memref<1x8x656xf32, #tpu.memory_space<vmem>>
        %dma_wait3A_183 = tpu.memref_squeeze %dma_wait3A_182 : memref<1x8x656xf32, #tpu.memory_space<vmem>> -> memref<8x656xf32, #tpu.memory_space<vmem>>
        %dma_wait3A_184 = arith.constant 0 : i32
        %dma_wait3A_185 = tpu.memref_slice %arg6[%dma_wait3A_178, %dma_wait3A_184] : memref<250x16xi32, #tpu.memory_space<vmem>> -> memref<1x8xi32, #tpu.memory_space<vmem>>
        %dma_wait3A_186 = tpu.memref_squeeze %dma_wait3A_185 : memref<1x8xi32, #tpu.memory_space<vmem>> -> memref<8xi32, #tpu.memory_space<vmem>>
        %dma_wait3A_187 = arith.constant 0 : i32
        %dma_wait3A_188 = arith.constant 0 : i32
        %dma_wait3A_189 = tpu.memref_slice %arg2[%dma_wait3A_187, %dma_wait3A_188] : memref<10000x656xf32, #tpu.memory_space<hbm>> -> memref<10000x656xf32, #tpu.memory_space<hbm>>
        tpu.wait_indirect_dma semaphore(%arg14 : memref<!tpu.dma_semaphore, #tpu.memory_space<semaphore_mem>>) src(%dma_wait3A_189 : memref<10000x656xf32, #tpu.memory_space<hbm>>) dst(%dma_wait3A_183 : memref<8x656xf32, #tpu.memory_space<vmem>>)
        %dma_wait3A_190 = arith.constant 0 : i32
        %dma_wait3A_191 = arith.constant 0 : i32
        %dma_wait3A_192 = arith.constant 0 : i32
        %dma_wait3A_193 = arith.constant 0 : i32
        %dma_wait3A_194 = tpu.memref_slice %arg8[%dma_wait3A_191, %dma_wait3A_192, %dma_wait3A_193] : memref<3x8x656xf32, #tpu.memory_space<vmem>> -> memref<1x8x656xf32, #tpu.memory_space<vmem>>
        %dma_wait3A_195 = tpu.memref_squeeze %dma_wait3A_194 : memref<1x8x656xf32, #tpu.memory_space<vmem>> -> memref<8x656xf32, #tpu.memory_space<vmem>>
        %dma_wait3A_196 = arith.constant 0 : i32
        %dma_wait3A_197 = tpu.memref_slice %arg6[%dma_wait3A_190, %dma_wait3A_196] : memref<250x16xi32, #tpu.memory_space<vmem>> -> memref<1x8xi32, #tpu.memory_space<vmem>>
        %dma_wait3A_198 = tpu.memref_squeeze %dma_wait3A_197 : memref<1x8xi32, #tpu.memory_space<vmem>> -> memref<8xi32, #tpu.memory_space<vmem>>
        %dma_wait3A_199 = arith.constant 0 : i32
        %dma_wait3A_200 = arith.constant 0 : i32
        %dma_wait3A_201 = tpu.memref_slice %arg3[%dma_wait3A_199, %dma_wait3A_200] : memref<10000x656xf32, #tpu.memory_space<hbm>> -> memref<10000x656xf32, #tpu.memory_space<hbm>>
        tpu.wait_indirect_dma semaphore(%arg14 : memref<!tpu.dma_semaphore, #tpu.memory_space<semaphore_mem>>) src(%dma_wait3A_201 : memref<10000x656xf32, #tpu.memory_space<hbm>>) dst(%dma_wait3A_195 : memref<8x656xf32, #tpu.memory_space<vmem>>)
      } else {
      }
      %ge3A = arith.constant 2 : i32
      %ge3A_153 = arith.cmpi sge, %scan3A_59, %ge3A : i32
      %ge3A_154 = arith.constant 2 : i32
      %ge3A_155 = arith.cmpi sge, %select_n3A_70, %ge3A_154 : i32
      %and3A_156 = arith.andi %ge3A_153, %ge3A_155 : i1
      %convert_element_type3A_157 = arith.extui %and3A_156 : i1 to i32
      %cond3A_158 = arith.constant 0 : i32
      %cond3A_159 = arith.cmpi ne, %convert_element_type3A_157, %cond3A_158 : i32
      scf.if %cond3A_159 {
        %eq3A_178 = arith.constant 0 : i32
        %eq3A_179 = arith.cmpi eq, %select_n3A_123, %eq3A_178 : i32
        %convert_element_type3A_180 = arith.extui %eq3A_179 : i1 to i32
        %cond3A_181 = arith.constant 0 : i32
        %cond3A_182 = arith.cmpi ne, %convert_element_type3A_180, %cond3A_181 : i32
        scf.if %cond3A_182 {
          %dma_wait3A_188 = arith.constant 0 : i32
          %dma_wait3A_189 = arith.constant 0 : i32
          %dma_wait3A_190 = arith.constant 0 : i32
          %dma_wait3A_191 = arith.constant 0 : i32
          %dma_wait3A_192 = tpu.memref_slice %arg9[%dma_wait3A_188, %dma_wait3A_190, %dma_wait3A_191] : memref<2x16x144xf32, #tpu.memory_space<vmem>> -> memref<1x16x144xf32, #tpu.memory_space<vmem>>
          %dma_wait3A_193 = tpu.memref_squeeze %dma_wait3A_192 : memref<1x16x144xf32, #tpu.memory_space<vmem>> -> memref<16x144xf32, #tpu.memory_space<vmem>>
          %dma_wait3A_194 = arith.constant 0 : i32
          %dma_wait3A_195 = tpu.memref_slice %arg6[%dma_wait3A_189, %dma_wait3A_194] : memref<250x16xi32, #tpu.memory_space<vmem>> -> memref<1x16xi32, #tpu.memory_space<vmem>>
          %dma_wait3A_196 = tpu.memref_squeeze %dma_wait3A_195 : memref<1x16xi32, #tpu.memory_space<vmem>> -> memref<16xi32, #tpu.memory_space<vmem>>
          %dma_wait3A_197 = arith.constant 0 : i32
          %dma_wait3A_198 = arith.constant 0 : i32
          %dma_wait3A_199 = tpu.memref_slice %arg11[%dma_wait3A_197, %dma_wait3A_198] : memref<10000x144xf32, #tpu.memory_space<vmem_shared>> -> memref<10000x144xf32, #tpu.memory_space<vmem_shared>>
          tpu.wait_indirect_dma semaphore(%arg15 : memref<!tpu.dma_semaphore, #tpu.memory_space<semaphore_mem>>) src(%dma_wait3A_193 : memref<16x144xf32, #tpu.memory_space<vmem>>) dst(%dma_wait3A_199 : memref<10000x144xf32, #tpu.memory_space<vmem_shared>>)
        } else {
        }
        %eq3A_183 = arith.constant 1 : i32
        %eq3A_184 = arith.cmpi eq, %select_n3A_123, %eq3A_183 : i32
        %convert_element_type3A_185 = arith.extui %eq3A_184 : i1 to i32
        %cond3A_186 = arith.constant 0 : i32
        %cond3A_187 = arith.cmpi ne, %convert_element_type3A_185, %cond3A_186 : i32
        scf.if %cond3A_187 {
          %dma_wait3A_188 = arith.constant 0 : i32
          %dma_wait3A_189 = arith.constant 0 : i32
          %dma_wait3A_190 = arith.constant 0 : i32
          %dma_wait3A_191 = arith.constant 0 : i32
          %dma_wait3A_192 = tpu.memref_slice %arg9[%dma_wait3A_188, %dma_wait3A_190, %dma_wait3A_191] : memref<2x16x144xf32, #tpu.memory_space<vmem>> -> memref<1x16x144xf32, #tpu.memory_space<vmem>>
          %dma_wait3A_193 = tpu.memref_squeeze %dma_wait3A_192 : memref<1x16x144xf32, #tpu.memory_space<vmem>> -> memref<16x144xf32, #tpu.memory_space<vmem>>
          %dma_wait3A_194 = arith.constant 0 : i32
          %dma_wait3A_195 = tpu.memref_slice %arg6[%dma_wait3A_189, %dma_wait3A_194] : memref<250x16xi32, #tpu.memory_space<vmem>> -> memref<1x16xi32, #tpu.memory_space<vmem>>
          %dma_wait3A_196 = tpu.memref_squeeze %dma_wait3A_195 : memref<1x16xi32, #tpu.memory_space<vmem>> -> memref<16xi32, #tpu.memory_space<vmem>>
          %dma_wait3A_197 = arith.constant 0 : i32
          %dma_wait3A_198 = arith.constant 0 : i32
          %dma_wait3A_199 = tpu.memref_slice %arg11[%dma_wait3A_197, %dma_wait3A_198] : memref<10000x144xf32, #tpu.memory_space<vmem_shared>> -> memref<10000x144xf32, #tpu.memory_space<vmem_shared>>
          tpu.wait_indirect_dma semaphore(%arg16 : memref<!tpu.dma_semaphore, #tpu.memory_space<semaphore_mem>>) src(%dma_wait3A_193 : memref<16x144xf32, #tpu.memory_space<vmem>>) dst(%dma_wait3A_199 : memref<10000x144xf32, #tpu.memory_space<vmem_shared>>)
        } else {
        }
      } else {
      }
      %scan3A_160 = arith.constant 0 : i32
      %scan3A_161 = arith.constant 0 : i32
      %scan3A_162 = arith.constant 8 : i32
      %scan3A_163 = arith.addi %scan3A_161, %scan3A_162 : i32
      %scan3A_164 = arith.constant 1 : i32
      %scan3A_165 = scf.for %scan3A_178 = %scan3A_161 to %scan3A_163 step %scan3A_164 iter_args(%scan3A_179 = %scan3A_160) -> (i32)  : i32 {
        %get3A = arith.index_cast %select_n3A_107 : i32 to index
        %get3A_180 = arith.index_cast %scan3A_178 : i32 to index
        %get3A_181 = arith.constant 640 : index
        %get3A_182 = tpu.vector_load %arg7[%get3A, %get3A_180, %get3A_181] {strides = array<i32>} : memref<3x8x656xf32, #tpu.memory_space<vmem>>, vector<16xf32>,
        %get3A_183 = arith.index_cast %select_n3A_107 : i32 to index
        %get3A_184 = arith.index_cast %scan3A_178 : i32 to index
        %get3A_185 = arith.constant 640 : index
        %get3A_186 = tpu.vector_load %arg8[%get3A_183, %get3A_184, %get3A_185] {strides = array<i32>} : memref<3x8x656xf32, #tpu.memory_space<vmem>>, vector<16xf32>,
        %get3A_187 = arith.index_cast %select_n3A_107 : i32 to index
        %get3A_188 = arith.index_cast %scan3A_178 : i32 to index
        %get3A_189 = arith.constant 0 : index
        %get3A_190 = tpu.vector_load %arg7[%get3A_187, %get3A_188, %get3A_189] {strides = array<i32>} : memref<3x8x656xf32, #tpu.memory_space<vmem>>, vector<16xf32>,
        %get3A_191 = arith.index_cast %select_n3A_107 : i32 to index
        %get3A_192 = arith.index_cast %scan3A_178 : i32 to index
        %get3A_193 = arith.constant 128 : index
        %get3A_194 = tpu.vector_load %arg7[%get3A_191, %get3A_192, %get3A_193] {strides = array<i32>} : memref<3x8x656xf32, #tpu.memory_space<vmem>>, vector<16xf32>,
        %get3A_195 = arith.index_cast %select_n3A_107 : i32 to index
        %get3A_196 = arith.index_cast %scan3A_178 : i32 to index
        %get3A_197 = arith.constant 128 : index
        %get3A_198 = tpu.vector_load %arg8[%get3A_195, %get3A_196, %get3A_197] {strides = array<i32>} : memref<3x8x656xf32, #tpu.memory_space<vmem>>, vector<16xf32>,
        %add3A_199 = arith.addf %get3A_194, %get3A_198 : vector<16xf32>
        %neg3A = arith.constant 0.000000e+00 : f32
        %neg3A_200 = vector.broadcast %neg3A : f32 to vector<16xf32>
        %neg3A_201 = arith.subf %neg3A_200, %add3A_199 : vector<16xf32>
        %exp3A = math.exp %neg3A_201 : vector<16xf32>
        %add3A_202 = arith.constant 1.000000e+00 : f32
        %add3A_203 = vector.broadcast %add3A_202 : f32 to vector<16xf32>
        %add3A_204 = arith.addf %add3A_203, %exp3A : vector<16xf32>
        %div3A_205 = arith.constant 1.000000e+00 : f32
        %div3A_206 = vector.broadcast %div3A_205 : f32 to vector<16xf32>
        %div3A_207 = arith.divf %div3A_206, %add3A_204 : vector<16xf32>
        %get3A_208 = arith.index_cast %select_n3A_107 : i32 to index
        %get3A_209 = arith.index_cast %scan3A_178 : i32 to index
        %get3A_210 = arith.constant 256 : index
        %get3A_211 = tpu.vector_load %arg7[%get3A_208, %get3A_209, %get3A_210] {strides = array<i32>} : memref<3x8x656xf32, #tpu.memory_space<vmem>>, vector<16xf32>,
        %get3A_212 = arith.index_cast %select_n3A_107 : i32 to index
        %get3A_213 = arith.index_cast %scan3A_178 : i32 to index
        %get3A_214 = arith.constant 256 : index
        %get3A_215 = tpu.vector_load %arg8[%get3A_212, %get3A_213, %get3A_214] {strides = array<i32>} : memref<3x8x656xf32, #tpu.memory_space<vmem>>, vector<16xf32>,
        %add3A_216 = arith.addf %get3A_211, %get3A_215 : vector<16xf32>
        %mul3A_217 = arith.mulf %get3A_190, %get3A_186 : vector<16xf32>
        %add3A_218 = arith.addf %add3A_216, %mul3A_217 : vector<16xf32>
        %max3A = arith.constant 0.000000e+00 : f32
        %max3A_219 = vector.broadcast %max3A : f32 to vector<16xf32>
        %max3A_220 = arith.maximumf %add3A_218, %max3A_219 : vector<16xf32>
        %mul3A_221 = arith.mulf %div3A_207, %max3A_220 : vector<16xf32>
        %add3A_222 = arith.addf %get3A_190, %mul3A_221 : vector<16xf32>
        %mul3A_223 = arith.mulf %add3A_222, %add3A_222 : vector<16xf32>
        %add3A_224 = arith.addf %broadcast_in_dim3A_1, %mul3A_223 : vector<16xf32>
        %get3A_225 = arith.index_cast %select_n3A_107 : i32 to index
        %get3A_226 = arith.index_cast %scan3A_178 : i32 to index
        %get3A_227 = arith.constant 16 : index
        %get3A_228 = tpu.vector_load %arg7[%get3A_225, %get3A_226, %get3A_227] {strides = array<i32>} : memref<3x8x656xf32, #tpu.memory_space<vmem>>, vector<16xf32>,
        %get3A_229 = arith.index_cast %select_n3A_107 : i32 to index
        %get3A_230 = arith.index_cast %scan3A_178 : i32 to index
        %get3A_231 = arith.constant 144 : index
        %get3A_232 = tpu.vector_load %arg7[%get3A_229, %get3A_230, %get3A_231] {strides = array<i32>} : memref<3x8x656xf32, #tpu.memory_space<vmem>>, vector<16xf32>,
        %get3A_233 = arith.index_cast %select_n3A_107 : i32 to index
        %get3A_234 = arith.index_cast %scan3A_178 : i32 to index
        %get3A_235 = arith.constant 144 : index
        %get3A_236 = tpu.vector_load %arg8[%get3A_233, %get3A_234, %get3A_235] {strides = array<i32>} : memref<3x8x656xf32, #tpu.memory_space<vmem>>, vector<16xf32>,
        %add3A_237 = arith.addf %get3A_232, %get3A_236 : vector<16xf32>
        %neg3A_238 = arith.constant 0.000000e+00 : f32
        %neg3A_239 = vector.broadcast %neg3A_238 : f32 to vector<16xf32>
        %neg3A_240 = arith.subf %neg3A_239, %add3A_237 : vector<16xf32>
        %exp3A_241 = math.exp %neg3A_240 : vector<16xf32>
        %add3A_242 = arith.constant 1.000000e+00 : f32
        %add3A_243 = vector.broadcast %add3A_242 : f32 to vector<16xf32>
        %add3A_244 = arith.addf %add3A_243, %exp3A_241 : vector<16xf32>
        %div3A_245 = arith.constant 1.000000e+00 : f32
        %div3A_246 = vector.broadcast %div3A_245 : f32 to vector<16xf32>
        %div3A_247 = arith.divf %div3A_246, %add3A_244 : vector<16xf32>
        %get3A_248 = arith.index_cast %select_n3A_107 : i32 to index
        %get3A_249 = arith.index_cast %scan3A_178 : i32 to index
        %get3A_250 = arith.constant 272 : index
        %get3A_251 = tpu.vector_load %arg7[%get3A_248, %get3A_249, %get3A_250] {strides = array<i32>} : memref<3x8x656xf32, #tpu.memory_space<vmem>>, vector<16xf32>,
        %get3A_252 = arith.index_cast %select_n3A_107 : i32 to index
        %get3A_253 = arith.index_cast %scan3A_178 : i32 to index
        %get3A_254 = arith.constant 272 : index
        %get3A_255 = tpu.vector_load %arg8[%get3A_252, %get3A_253, %get3A_254] {strides = array<i32>} : memref<3x8x656xf32, #tpu.memory_space<vmem>>, vector<16xf32>,
        %add3A_256 = arith.addf %get3A_251, %get3A_255 : vector<16xf32>
        %mul3A_257 = arith.mulf %get3A_228, %get3A_186 : vector<16xf32>
        %add3A_258 = arith.addf %add3A_256, %mul3A_257 : vector<16xf32>
        %max3A_259 = arith.constant 0.000000e+00 : f32
        %max3A_260 = vector.broadcast %max3A_259 : f32 to vector<16xf32>
        %max3A_261 = arith.maximumf %add3A_258, %max3A_260 : vector<16xf32>
        %mul3A_262 = arith.mulf %div3A_247, %max3A_261 : vector<16xf32>
        %add3A_263 = arith.addf %get3A_228, %mul3A_262 : vector<16xf32>
        %mul3A_264 = arith.mulf %add3A_263, %add3A_263 : vector<16xf32>
        %add3A_265 = arith.addf %add3A_224, %mul3A_264 : vector<16xf32>
        %get3A_266 = arith.index_cast %select_n3A_107 : i32 to index
        %get3A_267 = arith.index_cast %scan3A_178 : i32 to index
        %get3A_268 = arith.constant 32 : index
        %get3A_269 = tpu.vector_load %arg7[%get3A_266, %get3A_267, %get3A_268] {strides = array<i32>} : memref<3x8x656xf32, #tpu.memory_space<vmem>>, vector<16xf32>,
        %get3A_270 = arith.index_cast %select_n3A_107 : i32 to index
        %get3A_271 = arith.index_cast %scan3A_178 : i32 to index
        %get3A_272 = arith.constant 160 : index
        %get3A_273 = tpu.vector_load %arg7[%get3A_270, %get3A_271, %get3A_272] {strides = array<i32>} : memref<3x8x656xf32, #tpu.memory_space<vmem>>, vector<16xf32>,
        %get3A_274 = arith.index_cast %select_n3A_107 : i32 to index
        %get3A_275 = arith.index_cast %scan3A_178 : i32 to index
        %get3A_276 = arith.constant 160 : index
        %get3A_277 = tpu.vector_load %arg8[%get3A_274, %get3A_275, %get3A_276] {strides = array<i32>} : memref<3x8x656xf32, #tpu.memory_space<vmem>>, vector<16xf32>,
        %add3A_278 = arith.addf %get3A_273, %get3A_277 : vector<16xf32>
        %neg3A_279 = arith.constant 0.000000e+00 : f32
        %neg3A_280 = vector.broadcast %neg3A_279 : f32 to vector<16xf32>
        %neg3A_281 = arith.subf %neg3A_280, %add3A_278 : vector<16xf32>
        %exp3A_282 = math.exp %neg3A_281 : vector<16xf32>
        %add3A_283 = arith.constant 1.000000e+00 : f32
        %add3A_284 = vector.broadcast %add3A_283 : f32 to vector<16xf32>
        %add3A_285 = arith.addf %add3A_284, %exp3A_282 : vector<16xf32>
        %div3A_286 = arith.constant 1.000000e+00 : f32
        %div3A_287 = vector.broadcast %div3A_286 : f32 to vector<16xf32>
        %div3A_288 = arith.divf %div3A_287, %add3A_285 : vector<16xf32>
        %get3A_289 = arith.index_cast %select_n3A_107 : i32 to index
        %get3A_290 = arith.index_cast %scan3A_178 : i32 to index
        %get3A_291 = arith.constant 288 : index
        %get3A_292 = tpu.vector_load %arg7[%get3A_289, %get3A_290, %get3A_291] {strides = array<i32>} : memref<3x8x656xf32, #tpu.memory_space<vmem>>, vector<16xf32>,
        %get3A_293 = arith.index_cast %select_n3A_107 : i32 to index
        %get3A_294 = arith.index_cast %scan3A_178 : i32 to index
        %get3A_295 = arith.constant 288 : index
        %get3A_296 = tpu.vector_load %arg8[%get3A_293, %get3A_294, %get3A_295] {strides = array<i32>} : memref<3x8x656xf32, #tpu.memory_space<vmem>>, vector<16xf32>,
        %add3A_297 = arith.addf %get3A_292, %get3A_296 : vector<16xf32>
        %mul3A_298 = arith.mulf %get3A_269, %get3A_186 : vector<16xf32>
        %add3A_299 = arith.addf %add3A_297, %mul3A_298 : vector<16xf32>
        %max3A_300 = arith.constant 0.000000e+00 : f32
        %max3A_301 = vector.broadcast %max3A_300 : f32 to vector<16xf32>
        %max3A_302 = arith.maximumf %add3A_299, %max3A_301 : vector<16xf32>
        %mul3A_303 = arith.mulf %div3A_288, %max3A_302 : vector<16xf32>
        %add3A_304 = arith.addf %get3A_269, %mul3A_303 : vector<16xf32>
        %mul3A_305 = arith.mulf %add3A_304, %add3A_304 : vector<16xf32>
        %add3A_306 = arith.addf %add3A_265, %mul3A_305 : vector<16xf32>
        %get3A_307 = arith.index_cast %select_n3A_107 : i32 to index
        %get3A_308 = arith.index_cast %scan3A_178 : i32 to index
        %get3A_309 = arith.constant 48 : index
        %get3A_310 = tpu.vector_load %arg7[%get3A_307, %get3A_308, %get3A_309] {strides = array<i32>} : memref<3x8x656xf32, #tpu.memory_space<vmem>>, vector<16xf32>,
        %get3A_311 = arith.index_cast %select_n3A_107 : i32 to index
        %get3A_312 = arith.index_cast %scan3A_178 : i32 to index
        %get3A_313 = arith.constant 176 : index
        %get3A_314 = tpu.vector_load %arg7[%get3A_311, %get3A_312, %get3A_313] {strides = array<i32>} : memref<3x8x656xf32, #tpu.memory_space<vmem>>, vector<16xf32>,
        %get3A_315 = arith.index_cast %select_n3A_107 : i32 to index
        %get3A_316 = arith.index_cast %scan3A_178 : i32 to index
        %get3A_317 = arith.constant 176 : index
        %get3A_318 = tpu.vector_load %arg8[%get3A_315, %get3A_316, %get3A_317] {strides = array<i32>} : memref<3x8x656xf32, #tpu.memory_space<vmem>>, vector<16xf32>,
        %add3A_319 = arith.addf %get3A_314, %get3A_318 : vector<16xf32>
        %neg3A_320 = arith.constant 0.000000e+00 : f32
        %neg3A_321 = vector.broadcast %neg3A_320 : f32 to vector<16xf32>
        %neg3A_322 = arith.subf %neg3A_321, %add3A_319 : vector<16xf32>
        %exp3A_323 = math.exp %neg3A_322 : vector<16xf32>
        %add3A_324 = arith.constant 1.000000e+00 : f32
        %add3A_325 = vector.broadcast %add3A_324 : f32 to vector<16xf32>
        %add3A_326 = arith.addf %add3A_325, %exp3A_323 : vector<16xf32>
        %div3A_327 = arith.constant 1.000000e+00 : f32
        %div3A_328 = vector.broadcast %div3A_327 : f32 to vector<16xf32>
        %div3A_329 = arith.divf %div3A_328, %add3A_326 : vector<16xf32>
        %get3A_330 = arith.index_cast %select_n3A_107 : i32 to index
        %get3A_331 = arith.index_cast %scan3A_178 : i32 to index
        %get3A_332 = arith.constant 304 : index
        %get3A_333 = tpu.vector_load %arg7[%get3A_330, %get3A_331, %get3A_332] {strides = array<i32>} : memref<3x8x656xf32, #tpu.memory_space<vmem>>, vector<16xf32>,
        %get3A_334 = arith.index_cast %select_n3A_107 : i32 to index
        %get3A_335 = arith.index_cast %scan3A_178 : i32 to index
        %get3A_336 = arith.constant 304 : index
        %get3A_337 = tpu.vector_load %arg8[%get3A_334, %get3A_335, %get3A_336] {strides = array<i32>} : memref<3x8x656xf32, #tpu.memory_space<vmem>>, vector<16xf32>,
        %add3A_338 = arith.addf %get3A_333, %get3A_337 : vector<16xf32>
        %mul3A_339 = arith.mulf %get3A_310, %get3A_186 : vector<16xf32>
        %add3A_340 = arith.addf %add3A_338, %mul3A_339 : vector<16xf32>
        %max3A_341 = arith.constant 0.000000e+00 : f32
        %max3A_342 = vector.broadcast %max3A_341 : f32 to vector<16xf32>
        %max3A_343 = arith.maximumf %add3A_340, %max3A_342 : vector<16xf32>
        %mul3A_344 = arith.mulf %div3A_329, %max3A_343 : vector<16xf32>
        %add3A_345 = arith.addf %get3A_310, %mul3A_344 : vector<16xf32>
        %mul3A_346 = arith.mulf %add3A_345, %add3A_345 : vector<16xf32>
        %add3A_347 = arith.addf %add3A_306, %mul3A_346 : vector<16xf32>
        %get3A_348 = arith.index_cast %select_n3A_107 : i32 to index
        %get3A_349 = arith.index_cast %scan3A_178 : i32 to index
        %get3A_350 = arith.constant 64 : index
        %get3A_351 = tpu.vector_load %arg7[%get3A_348, %get3A_349, %get3A_350] {strides = array<i32>} : memref<3x8x656xf32, #tpu.memory_space<vmem>>, vector<16xf32>,
        %get3A_352 = arith.index_cast %select_n3A_107 : i32 to index
        %get3A_353 = arith.index_cast %scan3A_178 : i32 to index
        %get3A_354 = arith.constant 192 : index
        %get3A_355 = tpu.vector_load %arg7[%get3A_352, %get3A_353, %get3A_354] {strides = array<i32>} : memref<3x8x656xf32, #tpu.memory_space<vmem>>, vector<16xf32>,
        %get3A_356 = arith.index_cast %select_n3A_107 : i32 to index
        %get3A_357 = arith.index_cast %scan3A_178 : i32 to index
        %get3A_358 = arith.constant 192 : index
        %get3A_359 = tpu.vector_load %arg8[%get3A_356, %get3A_357, %get3A_358] {strides = array<i32>} : memref<3x8x656xf32, #tpu.memory_space<vmem>>, vector<16xf32>,
        %add3A_360 = arith.addf %get3A_355, %get3A_359 : vector<16xf32>
        %neg3A_361 = arith.constant 0.000000e+00 : f32
        %neg3A_362 = vector.broadcast %neg3A_361 : f32 to vector<16xf32>
        %neg3A_363 = arith.subf %neg3A_362, %add3A_360 : vector<16xf32>
        %exp3A_364 = math.exp %neg3A_363 : vector<16xf32>
        %add3A_365 = arith.constant 1.000000e+00 : f32
        %add3A_366 = vector.broadcast %add3A_365 : f32 to vector<16xf32>
        %add3A_367 = arith.addf %add3A_366, %exp3A_364 : vector<16xf32>
        %div3A_368 = arith.constant 1.000000e+00 : f32
        %div3A_369 = vector.broadcast %div3A_368 : f32 to vector<16xf32>
        %div3A_370 = arith.divf %div3A_369, %add3A_367 : vector<16xf32>
        %get3A_371 = arith.index_cast %select_n3A_107 : i32 to index
        %get3A_372 = arith.index_cast %scan3A_178 : i32 to index
        %get3A_373 = arith.constant 320 : index
        %get3A_374 = tpu.vector_load %arg7[%get3A_371, %get3A_372, %get3A_373] {strides = array<i32>} : memref<3x8x656xf32, #tpu.memory_space<vmem>>, vector<16xf32>,
        %get3A_375 = arith.index_cast %select_n3A_107 : i32 to index
        %get3A_376 = arith.index_cast %scan3A_178 : i32 to index
        %get3A_377 = arith.constant 320 : index
        %get3A_378 = tpu.vector_load %arg8[%get3A_375, %get3A_376, %get3A_377] {strides = array<i32>} : memref<3x8x656xf32, #tpu.memory_space<vmem>>, vector<16xf32>,
        %add3A_379 = arith.addf %get3A_374, %get3A_378 : vector<16xf32>
        %mul3A_380 = arith.mulf %get3A_351, %get3A_186 : vector<16xf32>
        %add3A_381 = arith.addf %add3A_379, %mul3A_380 : vector<16xf32>
        %max3A_382 = arith.constant 0.000000e+00 : f32
        %max3A_383 = vector.broadcast %max3A_382 : f32 to vector<16xf32>
        %max3A_384 = arith.maximumf %add3A_381, %max3A_383 : vector<16xf32>
        %mul3A_385 = arith.mulf %div3A_370, %max3A_384 : vector<16xf32>
        %add3A_386 = arith.addf %get3A_351, %mul3A_385 : vector<16xf32>
        %mul3A_387 = arith.mulf %add3A_386, %add3A_386 : vector<16xf32>
        %add3A_388 = arith.addf %add3A_347, %mul3A_387 : vector<16xf32>
        %get3A_389 = arith.index_cast %select_n3A_107 : i32 to index
        %get3A_390 = arith.index_cast %scan3A_178 : i32 to index
        %get3A_391 = arith.constant 80 : index
        %get3A_392 = tpu.vector_load %arg7[%get3A_389, %get3A_390, %get3A_391] {strides = array<i32>} : memref<3x8x656xf32, #tpu.memory_space<vmem>>, vector<16xf32>,
        %get3A_393 = arith.index_cast %select_n3A_107 : i32 to index
        %get3A_394 = arith.index_cast %scan3A_178 : i32 to index
        %get3A_395 = arith.constant 208 : index
        %get3A_396 = tpu.vector_load %arg7[%get3A_393, %get3A_394, %get3A_395] {strides = array<i32>} : memref<3x8x656xf32, #tpu.memory_space<vmem>>, vector<16xf32>,
        %get3A_397 = arith.index_cast %select_n3A_107 : i32 to index
        %get3A_398 = arith.index_cast %scan3A_178 : i32 to index
        %get3A_399 = arith.constant 208 : index
        %get3A_400 = tpu.vector_load %arg8[%get3A_397, %get3A_398, %get3A_399] {strides = array<i32>} : memref<3x8x656xf32, #tpu.memory_space<vmem>>, vector<16xf32>,
        %add3A_401 = arith.addf %get3A_396, %get3A_400 : vector<16xf32>
        %neg3A_402 = arith.constant 0.000000e+00 : f32
        %neg3A_403 = vector.broadcast %neg3A_402 : f32 to vector<16xf32>
        %neg3A_404 = arith.subf %neg3A_403, %add3A_401 : vector<16xf32>
        %exp3A_405 = math.exp %neg3A_404 : vector<16xf32>
        %add3A_406 = arith.constant 1.000000e+00 : f32
        %add3A_407 = vector.broadcast %add3A_406 : f32 to vector<16xf32>
        %add3A_408 = arith.addf %add3A_407, %exp3A_405 : vector<16xf32>
        %div3A_409 = arith.constant 1.000000e+00 : f32
        %div3A_410 = vector.broadcast %div3A_409 : f32 to vector<16xf32>
        %div3A_411 = arith.divf %div3A_410, %add3A_408 : vector<16xf32>
        %get3A_412 = arith.index_cast %select_n3A_107 : i32 to index
        %get3A_413 = arith.index_cast %scan3A_178 : i32 to index
        %get3A_414 = arith.constant 336 : index
        %get3A_415 = tpu.vector_load %arg7[%get3A_412, %get3A_413, %get3A_414] {strides = array<i32>} : memref<3x8x656xf32, #tpu.memory_space<vmem>>, vector<16xf32>,
        %get3A_416 = arith.index_cast %select_n3A_107 : i32 to index
        %get3A_417 = arith.index_cast %scan3A_178 : i32 to index
        %get3A_418 = arith.constant 336 : index
        %get3A_419 = tpu.vector_load %arg8[%get3A_416, %get3A_417, %get3A_418] {strides = array<i32>} : memref<3x8x656xf32, #tpu.memory_space<vmem>>, vector<16xf32>,
        %add3A_420 = arith.addf %get3A_415, %get3A_419 : vector<16xf32>
        %mul3A_421 = arith.mulf %get3A_392, %get3A_186 : vector<16xf32>
        %add3A_422 = arith.addf %add3A_420, %mul3A_421 : vector<16xf32>
        %max3A_423 = arith.constant 0.000000e+00 : f32
        %max3A_424 = vector.broadcast %max3A_423 : f32 to vector<16xf32>
        %max3A_425 = arith.maximumf %add3A_422, %max3A_424 : vector<16xf32>
        %mul3A_426 = arith.mulf %div3A_411, %max3A_425 : vector<16xf32>
        %add3A_427 = arith.addf %get3A_392, %mul3A_426 : vector<16xf32>
        %mul3A_428 = arith.mulf %add3A_427, %add3A_427 : vector<16xf32>
        %add3A_429 = arith.addf %add3A_388, %mul3A_428 : vector<16xf32>
        %get3A_430 = arith.index_cast %select_n3A_107 : i32 to index
        %get3A_431 = arith.index_cast %scan3A_178 : i32 to index
        %get3A_432 = arith.constant 96 : index
        %get3A_433 = tpu.vector_load %arg7[%get3A_430, %get3A_431, %get3A_432] {strides = array<i32>} : memref<3x8x656xf32, #tpu.memory_space<vmem>>, vector<16xf32>,
        %get3A_434 = arith.index_cast %select_n3A_107 : i32 to index
        %get3A_435 = arith.index_cast %scan3A_178 : i32 to index
        %get3A_436 = arith.constant 224 : index
        %get3A_437 = tpu.vector_load %arg7[%get3A_434, %get3A_435, %get3A_436] {strides = array<i32>} : memref<3x8x656xf32, #tpu.memory_space<vmem>>, vector<16xf32>,
        %get3A_438 = arith.index_cast %select_n3A_107 : i32 to index
        %get3A_439 = arith.index_cast %scan3A_178 : i32 to index
        %get3A_440 = arith.constant 224 : index
        %get3A_441 = tpu.vector_load %arg8[%get3A_438, %get3A_439, %get3A_440] {strides = array<i32>} : memref<3x8x656xf32, #tpu.memory_space<vmem>>, vector<16xf32>,
        %add3A_442 = arith.addf %get3A_437, %get3A_441 : vector<16xf32>
        %neg3A_443 = arith.constant 0.000000e+00 : f32
        %neg3A_444 = vector.broadcast %neg3A_443 : f32 to vector<16xf32>
        %neg3A_445 = arith.subf %neg3A_444, %add3A_442 : vector<16xf32>
        %exp3A_446 = math.exp %neg3A_445 : vector<16xf32>
        %add3A_447 = arith.constant 1.000000e+00 : f32
        %add3A_448 = vector.broadcast %add3A_447 : f32 to vector<16xf32>
        %add3A_449 = arith.addf %add3A_448, %exp3A_446 : vector<16xf32>
        %div3A_450 = arith.constant 1.000000e+00 : f32
        %div3A_451 = vector.broadcast %div3A_450 : f32 to vector<16xf32>
        %div3A_452 = arith.divf %div3A_451, %add3A_449 : vector<16xf32>
        %get3A_453 = arith.index_cast %select_n3A_107 : i32 to index
        %get3A_454 = arith.index_cast %scan3A_178 : i32 to index
        %get3A_455 = arith.constant 352 : index
        %get3A_456 = tpu.vector_load %arg7[%get3A_453, %get3A_454, %get3A_455] {strides = array<i32>} : memref<3x8x656xf32, #tpu.memory_space<vmem>>, vector<16xf32>,
        %get3A_457 = arith.index_cast %select_n3A_107 : i32 to index
        %get3A_458 = arith.index_cast %scan3A_178 : i32 to index
        %get3A_459 = arith.constant 352 : index
        %get3A_460 = tpu.vector_load %arg8[%get3A_457, %get3A_458, %get3A_459] {strides = array<i32>} : memref<3x8x656xf32, #tpu.memory_space<vmem>>, vector<16xf32>,
        %add3A_461 = arith.addf %get3A_456, %get3A_460 : vector<16xf32>
        %mul3A_462 = arith.mulf %get3A_433, %get3A_186 : vector<16xf32>
        %add3A_463 = arith.addf %add3A_461, %mul3A_462 : vector<16xf32>
        %max3A_464 = arith.constant 0.000000e+00 : f32
        %max3A_465 = vector.broadcast %max3A_464 : f32 to vector<16xf32>
        %max3A_466 = arith.maximumf %add3A_463, %max3A_465 : vector<16xf32>
        %mul3A_467 = arith.mulf %div3A_452, %max3A_466 : vector<16xf32>
        %add3A_468 = arith.addf %get3A_433, %mul3A_467 : vector<16xf32>
        %mul3A_469 = arith.mulf %add3A_468, %add3A_468 : vector<16xf32>
        %add3A_470 = arith.addf %add3A_429, %mul3A_469 : vector<16xf32>
        %get3A_471 = arith.index_cast %select_n3A_107 : i32 to index
        %get3A_472 = arith.index_cast %scan3A_178 : i32 to index
        %get3A_473 = arith.constant 112 : index
        %get3A_474 = tpu.vector_load %arg7[%get3A_471, %get3A_472, %get3A_473] {strides = array<i32>} : memref<3x8x656xf32, #tpu.memory_space<vmem>>, vector<16xf32>,
        %get3A_475 = arith.index_cast %select_n3A_107 : i32 to index
        %get3A_476 = arith.index_cast %scan3A_178 : i32 to index
        %get3A_477 = arith.constant 240 : index
        %get3A_478 = tpu.vector_load %arg7[%get3A_475, %get3A_476, %get3A_477] {strides = array<i32>} : memref<3x8x656xf32, #tpu.memory_space<vmem>>, vector<16xf32>,
        %get3A_479 = arith.index_cast %select_n3A_107 : i32 to index
        %get3A_480 = arith.index_cast %scan3A_178 : i32 to index
        %get3A_481 = arith.constant 240 : index
        %get3A_482 = tpu.vector_load %arg8[%get3A_479, %get3A_480, %get3A_481] {strides = array<i32>} : memref<3x8x656xf32, #tpu.memory_space<vmem>>, vector<16xf32>,
        %add3A_483 = arith.addf %get3A_478, %get3A_482 : vector<16xf32>
        %neg3A_484 = arith.constant 0.000000e+00 : f32
        %neg3A_485 = vector.broadcast %neg3A_484 : f32 to vector<16xf32>
        %neg3A_486 = arith.subf %neg3A_485, %add3A_483 : vector<16xf32>
        %exp3A_487 = math.exp %neg3A_486 : vector<16xf32>
        %add3A_488 = arith.constant 1.000000e+00 : f32
        %add3A_489 = vector.broadcast %add3A_488 : f32 to vector<16xf32>
        %add3A_490 = arith.addf %add3A_489, %exp3A_487 : vector<16xf32>
        %div3A_491 = arith.constant 1.000000e+00 : f32
        %div3A_492 = vector.broadcast %div3A_491 : f32 to vector<16xf32>
        %div3A_493 = arith.divf %div3A_492, %add3A_490 : vector<16xf32>
        %get3A_494 = arith.index_cast %select_n3A_107 : i32 to index
        %get3A_495 = arith.index_cast %scan3A_178 : i32 to index
        %get3A_496 = arith.constant 368 : index
        %get3A_497 = tpu.vector_load %arg7[%get3A_494, %get3A_495, %get3A_496] {strides = array<i32>} : memref<3x8x656xf32, #tpu.memory_space<vmem>>, vector<16xf32>,
        %get3A_498 = arith.index_cast %select_n3A_107 : i32 to index
        %get3A_499 = arith.index_cast %scan3A_178 : i32 to index
        %get3A_500 = arith.constant 368 : index
        %get3A_501 = tpu.vector_load %arg8[%get3A_498, %get3A_499, %get3A_500] {strides = array<i32>} : memref<3x8x656xf32, #tpu.memory_space<vmem>>, vector<16xf32>,
        %add3A_502 = arith.addf %get3A_497, %get3A_501 : vector<16xf32>
        %mul3A_503 = arith.mulf %get3A_474, %get3A_186 : vector<16xf32>
        %add3A_504 = arith.addf %add3A_502, %mul3A_503 : vector<16xf32>
        %max3A_505 = arith.constant 0.000000e+00 : f32
        %max3A_506 = vector.broadcast %max3A_505 : f32 to vector<16xf32>
        %max3A_507 = arith.maximumf %add3A_504, %max3A_506 : vector<16xf32>
        %mul3A_508 = arith.mulf %div3A_493, %max3A_507 : vector<16xf32>
        %add3A_509 = arith.addf %get3A_474, %mul3A_508 : vector<16xf32>
        %mul3A_510 = arith.mulf %add3A_509, %add3A_509 : vector<16xf32>
        %add3A_511 = arith.addf %add3A_470, %mul3A_510 : vector<16xf32>
        %reduce_sum3A = arith.constant true
        %reduce_sum3A_512 = vector.broadcast %reduce_sum3A : i1 to vector<16xi1>
        %reduce_sum3A_513 = tpu.scan <sum>, %add3A_511 masked %reduce_sum3A_512 : vector<16xf32>, vector<16xi1> -> vector<16xf32>
        %reduce_sum3A_514 = vector.extract %reduce_sum3A_513[15] : f32 from vector<16xf32>
        %max3A_515 = arith.constant 1.000000e-24 : f32
        %max3A_516 = arith.maximumf %reduce_sum3A_514, %max3A_515 : f32
        %broadcast_in_dim3A_517 = vector.broadcast %max3A_516 : f32 to vector<16xf32>
        %bitcast3A = vector.bitcast %broadcast_in_dim3A_517 : vector<16xf32> to vector<16xi32>
        %shift_right_arithmetic3A = arith.constant 1 : i32
        %shift_right_arithmetic3A_518 = vector.broadcast %shift_right_arithmetic3A : i32 to vector<16xi32>
        %shift_right_arithmetic3A_519 = arith.shrsi %bitcast3A, %shift_right_arithmetic3A_518 : vector<16xi32>
        %sub3A_520 = arith.constant 1597463007 : i32
        %sub3A_521 = vector.broadcast %sub3A_520 : i32 to vector<16xi32>
        %sub3A_522 = arith.subi %sub3A_521, %shift_right_arithmetic3A_519 : vector<16xi32>
        %bitcast3A_523 = vector.bitcast %sub3A_522 : vector<16xi32> to vector<16xf32>
        %mul3A_524 = arith.constant 5.000000e-01 : f32
        %mul3A_525 = vector.broadcast %mul3A_524 : f32 to vector<16xf32>
        %mul3A_526 = arith.mulf %mul3A_525, %broadcast_in_dim3A_517 : vector<16xf32>
        %mul3A_527 = arith.mulf %mul3A_526, %bitcast3A_523 : vector<16xf32>
        %mul3A_528 = arith.mulf %mul3A_527, %bitcast3A_523 : vector<16xf32>
        %sub3A_529 = arith.constant 1.500000e+00 : f32
        %sub3A_530 = vector.broadcast %sub3A_529 : f32 to vector<16xf32>
        %sub3A_531 = arith.subf %sub3A_530, %mul3A_528 : vector<16xf32>
        %mul3A_532 = arith.mulf %bitcast3A_523, %sub3A_531 : vector<16xf32>
        %mul3A_533 = arith.constant 5.000000e-01 : f32
        %mul3A_534 = vector.broadcast %mul3A_533 : f32 to vector<16xf32>
        %mul3A_535 = arith.mulf %mul3A_534, %broadcast_in_dim3A_517 : vector<16xf32>
        %mul3A_536 = arith.mulf %mul3A_535, %mul3A_532 : vector<16xf32>
        %mul3A_537 = arith.mulf %mul3A_536, %mul3A_532 : vector<16xf32>
        %sub3A_538 = arith.constant 1.500000e+00 : f32
        %sub3A_539 = vector.broadcast %sub3A_538 : f32 to vector<16xf32>
        %sub3A_540 = arith.subf %sub3A_539, %mul3A_537 : vector<16xf32>
        %mul3A_541 = arith.mulf %mul3A_532, %sub3A_540 : vector<16xf32>
        %mul3A_542 = arith.mulf %add3A_222, %mul3A_541 : vector<16xf32>
        %swap3A = arith.index_cast %select_n3A_123 : i32 to index
        %swap3A_543 = arith.index_cast %scan3A_178 : i32 to index
        %swap3A_544 = arith.constant 0 : index
        %swap3A_545 = tpu.vector_load %arg9[%swap3A, %swap3A_543, %swap3A_544] {strides = array<i32>} : memref<2x16x144xf32, #tpu.memory_space<vmem>>, vector<16xf32>,
        tpu.vector_store %arg9[%swap3A, %swap3A_543, %swap3A_544], %mul3A_542 {strides = array<i32>} : memref<2x16x144xf32, #tpu.memory_space<vmem>>, vector<16xf32>,
        %mul3A_546 = arith.mulf %add3A_263, %mul3A_541 : vector<16xf32>
        %swap3A_547 = arith.index_cast %select_n3A_123 : i32 to index
        %swap3A_548 = arith.index_cast %scan3A_178 : i32 to index
        %swap3A_549 = arith.constant 16 : index
        %swap3A_550 = tpu.vector_load %arg9[%swap3A_547, %swap3A_548, %swap3A_549] {strides = array<i32>} : memref<2x16x144xf32, #tpu.memory_space<vmem>>, vector<16xf32>,
        tpu.vector_store %arg9[%swap3A_547, %swap3A_548, %swap3A_549], %mul3A_546 {strides = array<i32>} : memref<2x16x144xf32, #tpu.memory_space<vmem>>, vector<16xf32>,
        %mul3A_551 = arith.mulf %add3A_304, %mul3A_541 : vector<16xf32>
        %swap3A_552 = arith.index_cast %select_n3A_123 : i32 to index
        %swap3A_553 = arith.index_cast %scan3A_178 : i32 to index
        %swap3A_554 = arith.constant 32 : index
        %swap3A_555 = tpu.vector_load %arg9[%swap3A_552, %swap3A_553, %swap3A_554] {strides = array<i32>} : memref<2x16x144xf32, #tpu.memory_space<vmem>>, vector<16xf32>,
        tpu.vector_store %arg9[%swap3A_552, %swap3A_553, %swap3A_554], %mul3A_551 {strides = array<i32>} : memref<2x16x144xf32, #tpu.memory_space<vmem>>, vector<16xf32>,
        %mul3A_556 = arith.mulf %add3A_345, %mul3A_541 : vector<16xf32>
        %swap3A_557 = arith.index_cast %select_n3A_123 : i32 to index
        %swap3A_558 = arith.index_cast %scan3A_178 : i32 to index
        %swap3A_559 = arith.constant 48 : index
        %swap3A_560 = tpu.vector_load %arg9[%swap3A_557, %swap3A_558, %swap3A_559] {strides = array<i32>} : memref<2x16x144xf32, #tpu.memory_space<vmem>>, vector<16xf32>,
        tpu.vector_store %arg9[%swap3A_557, %swap3A_558, %swap3A_559], %mul3A_556 {strides = array<i32>} : memref<2x16x144xf32, #tpu.memory_space<vmem>>, vector<16xf32>,
        %mul3A_561 = arith.mulf %add3A_386, %mul3A_541 : vector<16xf32>
        %swap3A_562 = arith.index_cast %select_n3A_123 : i32 to index
        %swap3A_563 = arith.index_cast %scan3A_178 : i32 to index
        %swap3A_564 = arith.constant 64 : index
        %swap3A_565 = tpu.vector_load %arg9[%swap3A_562, %swap3A_563, %swap3A_564] {strides = array<i32>} : memref<2x16x144xf32, #tpu.memory_space<vmem>>, vector<16xf32>,
        tpu.vector_store %arg9[%swap3A_562, %swap3A_563, %swap3A_564], %mul3A_561 {strides = array<i32>} : memref<2x16x144xf32, #tpu.memory_space<vmem>>, vector<16xf32>,
        %mul3A_566 = arith.mulf %add3A_427, %mul3A_541 : vector<16xf32>
        %swap3A_567 = arith.index_cast %select_n3A_123 : i32 to index
        %swap3A_568 = arith.index_cast %scan3A_178 : i32 to index
        %swap3A_569 = arith.constant 80 : index
        %swap3A_570 = tpu.vector_load %arg9[%swap3A_567, %swap3A_568, %swap3A_569] {strides = array<i32>} : memref<2x16x144xf32, #tpu.memory_space<vmem>>, vector<16xf32>,
        tpu.vector_store %arg9[%swap3A_567, %swap3A_568, %swap3A_569], %mul3A_566 {strides = array<i32>} : memref<2x16x144xf32, #tpu.memory_space<vmem>>, vector<16xf32>,
        %mul3A_571 = arith.mulf %add3A_468, %mul3A_541 : vector<16xf32>
        %swap3A_572 = arith.index_cast %select_n3A_123 : i32 to index
        %swap3A_573 = arith.index_cast %scan3A_178 : i32 to index
        %swap3A_574 = arith.constant 96 : index
        %swap3A_575 = tpu.vector_load %arg9[%swap3A_572, %swap3A_573, %swap3A_574] {strides = array<i32>} : memref<2x16x144xf32, #tpu.memory_space<vmem>>, vector<16xf32>,
        tpu.vector_store %arg9[%swap3A_572, %swap3A_573, %swap3A_574], %mul3A_571 {strides = array<i32>} : memref<2x16x144xf32, #tpu.memory_space<vmem>>, vector<16xf32>,
        %mul3A_576 = arith.mulf %add3A_509, %mul3A_541 : vector<16xf32>
        %swap3A_577 = arith.index_cast %select_n3A_123 : i32 to index
        %swap3A_578 = arith.index_cast %scan3A_178 : i32 to index
        %swap3A_579 = arith.constant 112 : index
        %swap3A_580 = tpu.vector_load %arg9[%swap3A_577, %swap3A_578, %swap3A_579] {strides = array<i32>} : memref<2x16x144xf32, #tpu.memory_space<vmem>>, vector<16xf32>,
        tpu.vector_store %arg9[%swap3A_577, %swap3A_578, %swap3A_579], %mul3A_576 {strides = array<i32>} : memref<2x16x144xf32, #tpu.memory_space<vmem>>, vector<16xf32>,
        %swap3A_581 = arith.index_cast %select_n3A_123 : i32 to index
        %swap3A_582 = arith.index_cast %scan3A_178 : i32 to index
        %swap3A_583 = arith.constant 128 : index
        %swap3A_584 = tpu.vector_load %arg9[%swap3A_581, %swap3A_582, %swap3A_583] {strides = array<i32>} : memref<2x16x144xf32, #tpu.memory_space<vmem>>, vector<16xf32>,
        tpu.vector_store %arg9[%swap3A_581, %swap3A_582, %swap3A_583], %broadcast_in_dim3A_3 {strides = array<i32>} : memref<2x16x144xf32, #tpu.memory_space<vmem>>, vector<16xf32>,
        %get3A_585 = arith.index_cast %select_n3A_107 : i32 to index
        %get3A_586 = arith.index_cast %scan3A_178 : i32 to index
        %get3A_587 = arith.constant 0 : index
        %get3A_588 = tpu.vector_load %arg8[%get3A_585, %get3A_586, %get3A_587] {strides = array<i32>} : memref<3x8x656xf32, #tpu.memory_space<vmem>>, vector<16xf32>,
        %get3A_589 = arith.index_cast %select_n3A_107 : i32 to index
        %get3A_590 = arith.index_cast %scan3A_178 : i32 to index
        %get3A_591 = arith.constant 384 : index
        %get3A_592 = tpu.vector_load %arg7[%get3A_589, %get3A_590, %get3A_591] {strides = array<i32>} : memref<3x8x656xf32, #tpu.memory_space<vmem>>, vector<16xf32>,
        %get3A_593 = arith.index_cast %select_n3A_107 : i32 to index
        %get3A_594 = arith.index_cast %scan3A_178 : i32 to index
        %get3A_595 = arith.constant 384 : index
        %get3A_596 = tpu.vector_load %arg8[%get3A_593, %get3A_594, %get3A_595] {strides = array<i32>} : memref<3x8x656xf32, #tpu.memory_space<vmem>>, vector<16xf32>,
        %add3A_597 = arith.addf %get3A_592, %get3A_596 : vector<16xf32>
        %neg3A_598 = arith.constant 0.000000e+00 : f32
        %neg3A_599 = vector.broadcast %neg3A_598 : f32 to vector<16xf32>
        %neg3A_600 = arith.subf %neg3A_599, %add3A_597 : vector<16xf32>
        %exp3A_601 = math.exp %neg3A_600 : vector<16xf32>
        %add3A_602 = arith.constant 1.000000e+00 : f32
        %add3A_603 = vector.broadcast %add3A_602 : f32 to vector<16xf32>
        %add3A_604 = arith.addf %add3A_603, %exp3A_601 : vector<16xf32>
        %div3A_605 = arith.constant 1.000000e+00 : f32
        %div3A_606 = vector.broadcast %div3A_605 : f32 to vector<16xf32>
        %div3A_607 = arith.divf %div3A_606, %add3A_604 : vector<16xf32>
        %get3A_608 = arith.index_cast %select_n3A_107 : i32 to index
        %get3A_609 = arith.index_cast %scan3A_178 : i32 to index
        %get3A_610 = arith.constant 512 : index
        %get3A_611 = tpu.vector_load %arg7[%get3A_608, %get3A_609, %get3A_610] {strides = array<i32>} : memref<3x8x656xf32, #tpu.memory_space<vmem>>, vector<16xf32>,
        %get3A_612 = arith.index_cast %select_n3A_107 : i32 to index
        %get3A_613 = arith.index_cast %scan3A_178 : i32 to index
        %get3A_614 = arith.constant 512 : index
        %get3A_615 = tpu.vector_load %arg8[%get3A_612, %get3A_613, %get3A_614] {strides = array<i32>} : memref<3x8x656xf32, #tpu.memory_space<vmem>>, vector<16xf32>,
        %add3A_616 = arith.addf %get3A_611, %get3A_615 : vector<16xf32>
        %mul3A_617 = arith.mulf %get3A_588, %get3A_182 : vector<16xf32>
        %add3A_618 = arith.addf %add3A_616, %mul3A_617 : vector<16xf32>
        %max3A_619 = arith.constant 0.000000e+00 : f32
        %max3A_620 = vector.broadcast %max3A_619 : f32 to vector<16xf32>
        %max3A_621 = arith.maximumf %add3A_618, %max3A_620 : vector<16xf32>
        %mul3A_622 = arith.mulf %div3A_607, %max3A_621 : vector<16xf32>
        %add3A_623 = arith.addf %get3A_588, %mul3A_622 : vector<16xf32>
        %mul3A_624 = arith.mulf %add3A_623, %add3A_623 : vector<16xf32>
        %add3A_625 = arith.addf %broadcast_in_dim3A_1, %mul3A_624 : vector<16xf32>
        %get3A_626 = arith.index_cast %select_n3A_107 : i32 to index
        %get3A_627 = arith.index_cast %scan3A_178 : i32 to index
        %get3A_628 = arith.constant 16 : index
        %get3A_629 = tpu.vector_load %arg8[%get3A_626, %get3A_627, %get3A_628] {strides = array<i32>} : memref<3x8x656xf32, #tpu.memory_space<vmem>>, vector<16xf32>,
        %get3A_630 = arith.index_cast %select_n3A_107 : i32 to index
        %get3A_631 = arith.index_cast %scan3A_178 : i32 to index
        %get3A_632 = arith.constant 400 : index
        %get3A_633 = tpu.vector_load %arg7[%get3A_630, %get3A_631, %get3A_632] {strides = array<i32>} : memref<3x8x656xf32, #tpu.memory_space<vmem>>, vector<16xf32>,
        %get3A_634 = arith.index_cast %select_n3A_107 : i32 to index
        %get3A_635 = arith.index_cast %scan3A_178 : i32 to index
        %get3A_636 = arith.constant 400 : index
        %get3A_637 = tpu.vector_load %arg8[%get3A_634, %get3A_635, %get3A_636] {strides = array<i32>} : memref<3x8x656xf32, #tpu.memory_space<vmem>>, vector<16xf32>,
        %add3A_638 = arith.addf %get3A_633, %get3A_637 : vector<16xf32>
        %neg3A_639 = arith.constant 0.000000e+00 : f32
        %neg3A_640 = vector.broadcast %neg3A_639 : f32 to vector<16xf32>
        %neg3A_641 = arith.subf %neg3A_640, %add3A_638 : vector<16xf32>
        %exp3A_642 = math.exp %neg3A_641 : vector<16xf32>
        %add3A_643 = arith.constant 1.000000e+00 : f32
        %add3A_644 = vector.broadcast %add3A_643 : f32 to vector<16xf32>
        %add3A_645 = arith.addf %add3A_644, %exp3A_642 : vector<16xf32>
        %div3A_646 = arith.constant 1.000000e+00 : f32
        %div3A_647 = vector.broadcast %div3A_646 : f32 to vector<16xf32>
        %div3A_648 = arith.divf %div3A_647, %add3A_645 : vector<16xf32>
        %get3A_649 = arith.index_cast %select_n3A_107 : i32 to index
        %get3A_650 = arith.index_cast %scan3A_178 : i32 to index
        %get3A_651 = arith.constant 528 : index
        %get3A_652 = tpu.vector_load %arg7[%get3A_649, %get3A_650, %get3A_651] {strides = array<i32>} : memref<3x8x656xf32, #tpu.memory_space<vmem>>, vector<16xf32>,
        %get3A_653 = arith.index_cast %select_n3A_107 : i32 to index
        %get3A_654 = arith.index_cast %scan3A_178 : i32 to index
        %get3A_655 = arith.constant 528 : index
        %get3A_656 = tpu.vector_load %arg8[%get3A_653, %get3A_654, %get3A_655] {strides = array<i32>} : memref<3x8x656xf32, #tpu.memory_space<vmem>>, vector<16xf32>,
        %add3A_657 = arith.addf %get3A_652, %get3A_656 : vector<16xf32>
        %mul3A_658 = arith.mulf %get3A_629, %get3A_182 : vector<16xf32>
        %add3A_659 = arith.addf %add3A_657, %mul3A_658 : vector<16xf32>
        %max3A_660 = arith.constant 0.000000e+00 : f32
        %max3A_661 = vector.broadcast %max3A_660 : f32 to vector<16xf32>
        %max3A_662 = arith.maximumf %add3A_659, %max3A_661 : vector<16xf32>
        %mul3A_663 = arith.mulf %div3A_648, %max3A_662 : vector<16xf32>
        %add3A_664 = arith.addf %get3A_629, %mul3A_663 : vector<16xf32>
        %mul3A_665 = arith.mulf %add3A_664, %add3A_664 : vector<16xf32>
        %add3A_666 = arith.addf %add3A_625, %mul3A_665 : vector<16xf32>
        %get3A_667 = arith.index_cast %select_n3A_107 : i32 to index
        %get3A_668 = arith.index_cast %scan3A_178 : i32 to index
        %get3A_669 = arith.constant 32 : index
        %get3A_670 = tpu.vector_load %arg8[%get3A_667, %get3A_668, %get3A_669] {strides = array<i32>} : memref<3x8x656xf32, #tpu.memory_space<vmem>>, vector<16xf32>,
        %get3A_671 = arith.index_cast %select_n3A_107 : i32 to index
        %get3A_672 = arith.index_cast %scan3A_178 : i32 to index
        %get3A_673 = arith.constant 416 : index
        %get3A_674 = tpu.vector_load %arg7[%get3A_671, %get3A_672, %get3A_673] {strides = array<i32>} : memref<3x8x656xf32, #tpu.memory_space<vmem>>, vector<16xf32>,
        %get3A_675 = arith.index_cast %select_n3A_107 : i32 to index
        %get3A_676 = arith.index_cast %scan3A_178 : i32 to index
        %get3A_677 = arith.constant 416 : index
        %get3A_678 = tpu.vector_load %arg8[%get3A_675, %get3A_676, %get3A_677] {strides = array<i32>} : memref<3x8x656xf32, #tpu.memory_space<vmem>>, vector<16xf32>,
        %add3A_679 = arith.addf %get3A_674, %get3A_678 : vector<16xf32>
        %neg3A_680 = arith.constant 0.000000e+00 : f32
        %neg3A_681 = vector.broadcast %neg3A_680 : f32 to vector<16xf32>
        %neg3A_682 = arith.subf %neg3A_681, %add3A_679 : vector<16xf32>
        %exp3A_683 = math.exp %neg3A_682 : vector<16xf32>
        %add3A_684 = arith.constant 1.000000e+00 : f32
        %add3A_685 = vector.broadcast %add3A_684 : f32 to vector<16xf32>
        %add3A_686 = arith.addf %add3A_685, %exp3A_683 : vector<16xf32>
        %div3A_687 = arith.constant 1.000000e+00 : f32
        %div3A_688 = vector.broadcast %div3A_687 : f32 to vector<16xf32>
        %div3A_689 = arith.divf %div3A_688, %add3A_686 : vector<16xf32>
        %get3A_690 = arith.index_cast %select_n3A_107 : i32 to index
        %get3A_691 = arith.index_cast %scan3A_178 : i32 to index
        %get3A_692 = arith.constant 544 : index
        %get3A_693 = tpu.vector_load %arg7[%get3A_690, %get3A_691, %get3A_692] {strides = array<i32>} : memref<3x8x656xf32, #tpu.memory_space<vmem>>, vector<16xf32>,
        %get3A_694 = arith.index_cast %select_n3A_107 : i32 to index
        %get3A_695 = arith.index_cast %scan3A_178 : i32 to index
        %get3A_696 = arith.constant 544 : index
        %get3A_697 = tpu.vector_load %arg8[%get3A_694, %get3A_695, %get3A_696] {strides = array<i32>} : memref<3x8x656xf32, #tpu.memory_space<vmem>>, vector<16xf32>,
        %add3A_698 = arith.addf %get3A_693, %get3A_697 : vector<16xf32>
        %mul3A_699 = arith.mulf %get3A_670, %get3A_182 : vector<16xf32>
        %add3A_700 = arith.addf %add3A_698, %mul3A_699 : vector<16xf32>
        %max3A_701 = arith.constant 0.000000e+00 : f32
        %max3A_702 = vector.broadcast %max3A_701 : f32 to vector<16xf32>
        %max3A_703 = arith.maximumf %add3A_700, %max3A_702 : vector<16xf32>
        %mul3A_704 = arith.mulf %div3A_689, %max3A_703 : vector<16xf32>
        %add3A_705 = arith.addf %get3A_670, %mul3A_704 : vector<16xf32>
        %mul3A_706 = arith.mulf %add3A_705, %add3A_705 : vector<16xf32>
        %add3A_707 = arith.addf %add3A_666, %mul3A_706 : vector<16xf32>
        %get3A_708 = arith.index_cast %select_n3A_107 : i32 to index
        %get3A_709 = arith.index_cast %scan3A_178 : i32 to index
        %get3A_710 = arith.constant 48 : index
        %get3A_711 = tpu.vector_load %arg8[%get3A_708, %get3A_709, %get3A_710] {strides = array<i32>} : memref<3x8x656xf32, #tpu.memory_space<vmem>>, vector<16xf32>,
        %get3A_712 = arith.index_cast %select_n3A_107 : i32 to index
        %get3A_713 = arith.index_cast %scan3A_178 : i32 to index
        %get3A_714 = arith.constant 432 : index
        %get3A_715 = tpu.vector_load %arg7[%get3A_712, %get3A_713, %get3A_714] {strides = array<i32>} : memref<3x8x656xf32, #tpu.memory_space<vmem>>, vector<16xf32>,
        %get3A_716 = arith.index_cast %select_n3A_107 : i32 to index
        %get3A_717 = arith.index_cast %scan3A_178 : i32 to index
        %get3A_718 = arith.constant 432 : index
        %get3A_719 = tpu.vector_load %arg8[%get3A_716, %get3A_717, %get3A_718] {strides = array<i32>} : memref<3x8x656xf32, #tpu.memory_space<vmem>>, vector<16xf32>,
        %add3A_720 = arith.addf %get3A_715, %get3A_719 : vector<16xf32>
        %neg3A_721 = arith.constant 0.000000e+00 : f32
        %neg3A_722 = vector.broadcast %neg3A_721 : f32 to vector<16xf32>
        %neg3A_723 = arith.subf %neg3A_722, %add3A_720 : vector<16xf32>
        %exp3A_724 = math.exp %neg3A_723 : vector<16xf32>
        %add3A_725 = arith.constant 1.000000e+00 : f32
        %add3A_726 = vector.broadcast %add3A_725 : f32 to vector<16xf32>
        %add3A_727 = arith.addf %add3A_726, %exp3A_724 : vector<16xf32>
        %div3A_728 = arith.constant 1.000000e+00 : f32
        %div3A_729 = vector.broadcast %div3A_728 : f32 to vector<16xf32>
        %div3A_730 = arith.divf %div3A_729, %add3A_727 : vector<16xf32>
        %get3A_731 = arith.index_cast %select_n3A_107 : i32 to index
        %get3A_732 = arith.index_cast %scan3A_178 : i32 to index
        %get3A_733 = arith.constant 560 : index
        %get3A_734 = tpu.vector_load %arg7[%get3A_731, %get3A_732, %get3A_733] {strides = array<i32>} : memref<3x8x656xf32, #tpu.memory_space<vmem>>, vector<16xf32>,
        %get3A_735 = arith.index_cast %select_n3A_107 : i32 to index
        %get3A_736 = arith.index_cast %scan3A_178 : i32 to index
        %get3A_737 = arith.constant 560 : index
        %get3A_738 = tpu.vector_load %arg8[%get3A_735, %get3A_736, %get3A_737] {strides = array<i32>} : memref<3x8x656xf32, #tpu.memory_space<vmem>>, vector<16xf32>,
        %add3A_739 = arith.addf %get3A_734, %get3A_738 : vector<16xf32>
        %mul3A_740 = arith.mulf %get3A_711, %get3A_182 : vector<16xf32>
        %add3A_741 = arith.addf %add3A_739, %mul3A_740 : vector<16xf32>
        %max3A_742 = arith.constant 0.000000e+00 : f32
        %max3A_743 = vector.broadcast %max3A_742 : f32 to vector<16xf32>
        %max3A_744 = arith.maximumf %add3A_741, %max3A_743 : vector<16xf32>
        %mul3A_745 = arith.mulf %div3A_730, %max3A_744 : vector<16xf32>
        %add3A_746 = arith.addf %get3A_711, %mul3A_745 : vector<16xf32>
        %mul3A_747 = arith.mulf %add3A_746, %add3A_746 : vector<16xf32>
        %add3A_748 = arith.addf %add3A_707, %mul3A_747 : vector<16xf32>
        %get3A_749 = arith.index_cast %select_n3A_107 : i32 to index
        %get3A_750 = arith.index_cast %scan3A_178 : i32 to index
        %get3A_751 = arith.constant 64 : index
        %get3A_752 = tpu.vector_load %arg8[%get3A_749, %get3A_750, %get3A_751] {strides = array<i32>} : memref<3x8x656xf32, #tpu.memory_space<vmem>>, vector<16xf32>,
        %get3A_753 = arith.index_cast %select_n3A_107 : i32 to index
        %get3A_754 = arith.index_cast %scan3A_178 : i32 to index
        %get3A_755 = arith.constant 448 : index
        %get3A_756 = tpu.vector_load %arg7[%get3A_753, %get3A_754, %get3A_755] {strides = array<i32>} : memref<3x8x656xf32, #tpu.memory_space<vmem>>, vector<16xf32>,
        %get3A_757 = arith.index_cast %select_n3A_107 : i32 to index
        %get3A_758 = arith.index_cast %scan3A_178 : i32 to index
        %get3A_759 = arith.constant 448 : index
        %get3A_760 = tpu.vector_load %arg8[%get3A_757, %get3A_758, %get3A_759] {strides = array<i32>} : memref<3x8x656xf32, #tpu.memory_space<vmem>>, vector<16xf32>,
        %add3A_761 = arith.addf %get3A_756, %get3A_760 : vector<16xf32>
        %neg3A_762 = arith.constant 0.000000e+00 : f32
        %neg3A_763 = vector.broadcast %neg3A_762 : f32 to vector<16xf32>
        %neg3A_764 = arith.subf %neg3A_763, %add3A_761 : vector<16xf32>
        %exp3A_765 = math.exp %neg3A_764 : vector<16xf32>
        %add3A_766 = arith.constant 1.000000e+00 : f32
        %add3A_767 = vector.broadcast %add3A_766 : f32 to vector<16xf32>
        %add3A_768 = arith.addf %add3A_767, %exp3A_765 : vector<16xf32>
        %div3A_769 = arith.constant 1.000000e+00 : f32
        %div3A_770 = vector.broadcast %div3A_769 : f32 to vector<16xf32>
        %div3A_771 = arith.divf %div3A_770, %add3A_768 : vector<16xf32>
        %get3A_772 = arith.index_cast %select_n3A_107 : i32 to index
        %get3A_773 = arith.index_cast %scan3A_178 : i32 to index
        %get3A_774 = arith.constant 576 : index
        %get3A_775 = tpu.vector_load %arg7[%get3A_772, %get3A_773, %get3A_774] {strides = array<i32>} : memref<3x8x656xf32, #tpu.memory_space<vmem>>, vector<16xf32>,
        %get3A_776 = arith.index_cast %select_n3A_107 : i32 to index
        %get3A_777 = arith.index_cast %scan3A_178 : i32 to index
        %get3A_778 = arith.constant 576 : index
        %get3A_779 = tpu.vector_load %arg8[%get3A_776, %get3A_777, %get3A_778] {strides = array<i32>} : memref<3x8x656xf32, #tpu.memory_space<vmem>>, vector<16xf32>,
        %add3A_780 = arith.addf %get3A_775, %get3A_779 : vector<16xf32>
        %mul3A_781 = arith.mulf %get3A_752, %get3A_182 : vector<16xf32>
        %add3A_782 = arith.addf %add3A_780, %mul3A_781 : vector<16xf32>
        %max3A_783 = arith.constant 0.000000e+00 : f32
        %max3A_784 = vector.broadcast %max3A_783 : f32 to vector<16xf32>
        %max3A_785 = arith.maximumf %add3A_782, %max3A_784 : vector<16xf32>
        %mul3A_786 = arith.mulf %div3A_771, %max3A_785 : vector<16xf32>
        %add3A_787 = arith.addf %get3A_752, %mul3A_786 : vector<16xf32>
        %mul3A_788 = arith.mulf %add3A_787, %add3A_787 : vector<16xf32>
        %add3A_789 = arith.addf %add3A_748, %mul3A_788 : vector<16xf32>
        %get3A_790 = arith.index_cast %select_n3A_107 : i32 to index
        %get3A_791 = arith.index_cast %scan3A_178 : i32 to index
        %get3A_792 = arith.constant 80 : index
        %get3A_793 = tpu.vector_load %arg8[%get3A_790, %get3A_791, %get3A_792] {strides = array<i32>} : memref<3x8x656xf32, #tpu.memory_space<vmem>>, vector<16xf32>,
        %get3A_794 = arith.index_cast %select_n3A_107 : i32 to index
        %get3A_795 = arith.index_cast %scan3A_178 : i32 to index
        %get3A_796 = arith.constant 464 : index
        %get3A_797 = tpu.vector_load %arg7[%get3A_794, %get3A_795, %get3A_796] {strides = array<i32>} : memref<3x8x656xf32, #tpu.memory_space<vmem>>, vector<16xf32>,
        %get3A_798 = arith.index_cast %select_n3A_107 : i32 to index
        %get3A_799 = arith.index_cast %scan3A_178 : i32 to index
        %get3A_800 = arith.constant 464 : index
        %get3A_801 = tpu.vector_load %arg8[%get3A_798, %get3A_799, %get3A_800] {strides = array<i32>} : memref<3x8x656xf32, #tpu.memory_space<vmem>>, vector<16xf32>,
        %add3A_802 = arith.addf %get3A_797, %get3A_801 : vector<16xf32>
        %neg3A_803 = arith.constant 0.000000e+00 : f32
        %neg3A_804 = vector.broadcast %neg3A_803 : f32 to vector<16xf32>
        %neg3A_805 = arith.subf %neg3A_804, %add3A_802 : vector<16xf32>
        %exp3A_806 = math.exp %neg3A_805 : vector<16xf32>
        %add3A_807 = arith.constant 1.000000e+00 : f32
        %add3A_808 = vector.broadcast %add3A_807 : f32 to vector<16xf32>
        %add3A_809 = arith.addf %add3A_808, %exp3A_806 : vector<16xf32>
        %div3A_810 = arith.constant 1.000000e+00 : f32
        %div3A_811 = vector.broadcast %div3A_810 : f32 to vector<16xf32>
        %div3A_812 = arith.divf %div3A_811, %add3A_809 : vector<16xf32>
        %get3A_813 = arith.index_cast %select_n3A_107 : i32 to index
        %get3A_814 = arith.index_cast %scan3A_178 : i32 to index
        %get3A_815 = arith.constant 592 : index
        %get3A_816 = tpu.vector_load %arg7[%get3A_813, %get3A_814, %get3A_815] {strides = array<i32>} : memref<3x8x656xf32, #tpu.memory_space<vmem>>, vector<16xf32>,
        %get3A_817 = arith.index_cast %select_n3A_107 : i32 to index
        %get3A_818 = arith.index_cast %scan3A_178 : i32 to index
        %get3A_819 = arith.constant 592 : index
        %get3A_820 = tpu.vector_load %arg8[%get3A_817, %get3A_818, %get3A_819] {strides = array<i32>} : memref<3x8x656xf32, #tpu.memory_space<vmem>>, vector<16xf32>,
        %add3A_821 = arith.addf %get3A_816, %get3A_820 : vector<16xf32>
        %mul3A_822 = arith.mulf %get3A_793, %get3A_182 : vector<16xf32>
        %add3A_823 = arith.addf %add3A_821, %mul3A_822 : vector<16xf32>
        %max3A_824 = arith.constant 0.000000e+00 : f32
        %max3A_825 = vector.broadcast %max3A_824 : f32 to vector<16xf32>
        %max3A_826 = arith.maximumf %add3A_823, %max3A_825 : vector<16xf32>
        %mul3A_827 = arith.mulf %div3A_812, %max3A_826 : vector<16xf32>
        %add3A_828 = arith.addf %get3A_793, %mul3A_827 : vector<16xf32>
        %mul3A_829 = arith.mulf %add3A_828, %add3A_828 : vector<16xf32>
        %add3A_830 = arith.addf %add3A_789, %mul3A_829 : vector<16xf32>
        %get3A_831 = arith.index_cast %select_n3A_107 : i32 to index
        %get3A_832 = arith.index_cast %scan3A_178 : i32 to index
        %get3A_833 = arith.constant 96 : index
        %get3A_834 = tpu.vector_load %arg8[%get3A_831, %get3A_832, %get3A_833] {strides = array<i32>} : memref<3x8x656xf32, #tpu.memory_space<vmem>>, vector<16xf32>,
        %get3A_835 = arith.index_cast %select_n3A_107 : i32 to index
        %get3A_836 = arith.index_cast %scan3A_178 : i32 to index
        %get3A_837 = arith.constant 480 : index
        %get3A_838 = tpu.vector_load %arg7[%get3A_835, %get3A_836, %get3A_837] {strides = array<i32>} : memref<3x8x656xf32, #tpu.memory_space<vmem>>, vector<16xf32>,
        %get3A_839 = arith.index_cast %select_n3A_107 : i32 to index
        %get3A_840 = arith.index_cast %scan3A_178 : i32 to index
        %get3A_841 = arith.constant 480 : index
        %get3A_842 = tpu.vector_load %arg8[%get3A_839, %get3A_840, %get3A_841] {strides = array<i32>} : memref<3x8x656xf32, #tpu.memory_space<vmem>>, vector<16xf32>,
        %add3A_843 = arith.addf %get3A_838, %get3A_842 : vector<16xf32>
        %neg3A_844 = arith.constant 0.000000e+00 : f32
        %neg3A_845 = vector.broadcast %neg3A_844 : f32 to vector<16xf32>
        %neg3A_846 = arith.subf %neg3A_845, %add3A_843 : vector<16xf32>
        %exp3A_847 = math.exp %neg3A_846 : vector<16xf32>
        %add3A_848 = arith.constant 1.000000e+00 : f32
        %add3A_849 = vector.broadcast %add3A_848 : f32 to vector<16xf32>
        %add3A_850 = arith.addf %add3A_849, %exp3A_847 : vector<16xf32>
        %div3A_851 = arith.constant 1.000000e+00 : f32
        %div3A_852 = vector.broadcast %div3A_851 : f32 to vector<16xf32>
        %div3A_853 = arith.divf %div3A_852, %add3A_850 : vector<16xf32>
        %get3A_854 = arith.index_cast %select_n3A_107 : i32 to index
        %get3A_855 = arith.index_cast %scan3A_178 : i32 to index
        %get3A_856 = arith.constant 608 : index
        %get3A_857 = tpu.vector_load %arg7[%get3A_854, %get3A_855, %get3A_856] {strides = array<i32>} : memref<3x8x656xf32, #tpu.memory_space<vmem>>, vector<16xf32>,
        %get3A_858 = arith.index_cast %select_n3A_107 : i32 to index
        %get3A_859 = arith.index_cast %scan3A_178 : i32 to index
        %get3A_860 = arith.constant 608 : index
        %get3A_861 = tpu.vector_load %arg8[%get3A_858, %get3A_859, %get3A_860] {strides = array<i32>} : memref<3x8x656xf32, #tpu.memory_space<vmem>>, vector<16xf32>,
        %add3A_862 = arith.addf %get3A_857, %get3A_861 : vector<16xf32>
        %mul3A_863 = arith.mulf %get3A_834, %get3A_182 : vector<16xf32>
        %add3A_864 = arith.addf %add3A_862, %mul3A_863 : vector<16xf32>
        %max3A_865 = arith.constant 0.000000e+00 : f32
        %max3A_866 = vector.broadcast %max3A_865 : f32 to vector<16xf32>
        %max3A_867 = arith.maximumf %add3A_864, %max3A_866 : vector<16xf32>
        %mul3A_868 = arith.mulf %div3A_853, %max3A_867 : vector<16xf32>
        %add3A_869 = arith.addf %get3A_834, %mul3A_868 : vector<16xf32>
        %mul3A_870 = arith.mulf %add3A_869, %add3A_869 : vector<16xf32>
        %add3A_871 = arith.addf %add3A_830, %mul3A_870 : vector<16xf32>
        %get3A_872 = arith.index_cast %select_n3A_107 : i32 to index
        %get3A_873 = arith.index_cast %scan3A_178 : i32 to index
        %get3A_874 = arith.constant 112 : index
        %get3A_875 = tpu.vector_load %arg8[%get3A_872, %get3A_873, %get3A_874] {strides = array<i32>} : memref<3x8x656xf32, #tpu.memory_space<vmem>>, vector<16xf32>,
        %get3A_876 = arith.index_cast %select_n3A_107 : i32 to index
        %get3A_877 = arith.index_cast %scan3A_178 : i32 to index
        %get3A_878 = arith.constant 496 : index
        %get3A_879 = tpu.vector_load %arg7[%get3A_876, %get3A_877, %get3A_878] {strides = array<i32>} : memref<3x8x656xf32, #tpu.memory_space<vmem>>, vector<16xf32>,
        %get3A_880 = arith.index_cast %select_n3A_107 : i32 to index
        %get3A_881 = arith.index_cast %scan3A_178 : i32 to index
        %get3A_882 = arith.constant 496 : index
        %get3A_883 = tpu.vector_load %arg8[%get3A_880, %get3A_881, %get3A_882] {strides = array<i32>} : memref<3x8x656xf32, #tpu.memory_space<vmem>>, vector<16xf32>,
        %add3A_884 = arith.addf %get3A_879, %get3A_883 : vector<16xf32>
        %neg3A_885 = arith.constant 0.000000e+00 : f32
        %neg3A_886 = vector.broadcast %neg3A_885 : f32 to vector<16xf32>
        %neg3A_887 = arith.subf %neg3A_886, %add3A_884 : vector<16xf32>
        %exp3A_888 = math.exp %neg3A_887 : vector<16xf32>
        %add3A_889 = arith.constant 1.000000e+00 : f32
        %add3A_890 = vector.broadcast %add3A_889 : f32 to vector<16xf32>
        %add3A_891 = arith.addf %add3A_890, %exp3A_888 : vector<16xf32>
        %div3A_892 = arith.constant 1.000000e+00 : f32
        %div3A_893 = vector.broadcast %div3A_892 : f32 to vector<16xf32>
        %div3A_894 = arith.divf %div3A_893, %add3A_891 : vector<16xf32>
        %get3A_895 = arith.index_cast %select_n3A_107 : i32 to index
        %get3A_896 = arith.index_cast %scan3A_178 : i32 to index
        %get3A_897 = arith.constant 624 : index
        %get3A_898 = tpu.vector_load %arg7[%get3A_895, %get3A_896, %get3A_897] {strides = array<i32>} : memref<3x8x656xf32, #tpu.memory_space<vmem>>, vector<16xf32>,
        %get3A_899 = arith.index_cast %select_n3A_107 : i32 to index
        %get3A_900 = arith.index_cast %scan3A_178 : i32 to index
        %get3A_901 = arith.constant 624 : index
        %get3A_902 = tpu.vector_load %arg8[%get3A_899, %get3A_900, %get3A_901] {strides = array<i32>} : memref<3x8x656xf32, #tpu.memory_space<vmem>>, vector<16xf32>,
        %add3A_903 = arith.addf %get3A_898, %get3A_902 : vector<16xf32>
        %mul3A_904 = arith.mulf %get3A_875, %get3A_182 : vector<16xf32>
        %add3A_905 = arith.addf %add3A_903, %mul3A_904 : vector<16xf32>
        %max3A_906 = arith.constant 0.000000e+00 : f32
        %max3A_907 = vector.broadcast %max3A_906 : f32 to vector<16xf32>
        %max3A_908 = arith.maximumf %add3A_905, %max3A_907 : vector<16xf32>
        %mul3A_909 = arith.mulf %div3A_894, %max3A_908 : vector<16xf32>
        %add3A_910 = arith.addf %get3A_875, %mul3A_909 : vector<16xf32>
        %mul3A_911 = arith.mulf %add3A_910, %add3A_910 : vector<16xf32>
        %add3A_912 = arith.addf %add3A_871, %mul3A_911 : vector<16xf32>
        %reduce_sum3A_913 = arith.constant true
        %reduce_sum3A_914 = vector.broadcast %reduce_sum3A_913 : i1 to vector<16xi1>
        %reduce_sum3A_915 = tpu.scan <sum>, %add3A_912 masked %reduce_sum3A_914 : vector<16xf32>, vector<16xi1> -> vector<16xf32>
        %reduce_sum3A_916 = vector.extract %reduce_sum3A_915[15] : f32 from vector<16xf32>
        %max3A_917 = arith.constant 1.000000e-24 : f32
        %max3A_918 = arith.maximumf %reduce_sum3A_916, %max3A_917 : f32
        %broadcast_in_dim3A_919 = vector.broadcast %max3A_918 : f32 to vector<16xf32>
        %bitcast3A_920 = vector.bitcast %broadcast_in_dim3A_919 : vector<16xf32> to vector<16xi32>
        %shift_right_arithmetic3A_921 = arith.constant 1 : i32
        %shift_right_arithmetic3A_922 = vector.broadcast %shift_right_arithmetic3A_921 : i32 to vector<16xi32>
        %shift_right_arithmetic3A_923 = arith.shrsi %bitcast3A_920, %shift_right_arithmetic3A_922 : vector<16xi32>
        %sub3A_924 = arith.constant 1597463007 : i32
        %sub3A_925 = vector.broadcast %sub3A_924 : i32 to vector<16xi32>
        %sub3A_926 = arith.subi %sub3A_925, %shift_right_arithmetic3A_923 : vector<16xi32>
        %bitcast3A_927 = vector.bitcast %sub3A_926 : vector<16xi32> to vector<16xf32>
        %mul3A_928 = arith.constant 5.000000e-01 : f32
        %mul3A_929 = vector.broadcast %mul3A_928 : f32 to vector<16xf32>
        %mul3A_930 = arith.mulf %mul3A_929, %broadcast_in_dim3A_919 : vector<16xf32>
        %mul3A_931 = arith.mulf %mul3A_930, %bitcast3A_927 : vector<16xf32>
        %mul3A_932 = arith.mulf %mul3A_931, %bitcast3A_927 : vector<16xf32>
        %sub3A_933 = arith.constant 1.500000e+00 : f32
        %sub3A_934 = vector.broadcast %sub3A_933 : f32 to vector<16xf32>
        %sub3A_935 = arith.subf %sub3A_934, %mul3A_932 : vector<16xf32>
        %mul3A_936 = arith.mulf %bitcast3A_927, %sub3A_935 : vector<16xf32>
        %mul3A_937 = arith.constant 5.000000e-01 : f32
        %mul3A_938 = vector.broadcast %mul3A_937 : f32 to vector<16xf32>
        %mul3A_939 = arith.mulf %mul3A_938, %broadcast_in_dim3A_919 : vector<16xf32>
        %mul3A_940 = arith.mulf %mul3A_939, %mul3A_936 : vector<16xf32>
        %mul3A_941 = arith.mulf %mul3A_940, %mul3A_936 : vector<16xf32>
        %sub3A_942 = arith.constant 1.500000e+00 : f32
        %sub3A_943 = vector.broadcast %sub3A_942 : f32 to vector<16xf32>
        %sub3A_944 = arith.subf %sub3A_943, %mul3A_941 : vector<16xf32>
        %mul3A_945 = arith.mulf %mul3A_936, %sub3A_944 : vector<16xf32>
        %mul3A_946 = arith.mulf %add3A_623, %mul3A_945 : vector<16xf32>
        %add3A_947 = arith.constant 8 : i32
        %add3A_948 = arith.addi %add3A_947, %scan3A_178 : i32
        %swap3A_949 = arith.index_cast %select_n3A_123 : i32 to index
        %swap3A_950 = arith.index_cast %add3A_948 : i32 to index
        %swap3A_951 = arith.constant 0 : index
        %swap3A_952 = tpu.vector_load %arg9[%swap3A_949, %swap3A_950, %swap3A_951] {strides = array<i32>} : memref<2x16x144xf32, #tpu.memory_space<vmem>>, vector<16xf32>,
        tpu.vector_store %arg9[%swap3A_949, %swap3A_950, %swap3A_951], %mul3A_946 {strides = array<i32>} : memref<2x16x144xf32, #tpu.memory_space<vmem>>, vector<16xf32>,
        %mul3A_953 = arith.mulf %add3A_664, %mul3A_945 : vector<16xf32>
        %add3A_954 = arith.constant 8 : i32
        %add3A_955 = arith.addi %add3A_954, %scan3A_178 : i32
        %swap3A_956 = arith.index_cast %select_n3A_123 : i32 to index
        %swap3A_957 = arith.index_cast %add3A_955 : i32 to index
        %swap3A_958 = arith.constant 16 : index
        %swap3A_959 = tpu.vector_load %arg9[%swap3A_956, %swap3A_957, %swap3A_958] {strides = array<i32>} : memref<2x16x144xf32, #tpu.memory_space<vmem>>, vector<16xf32>,
        tpu.vector_store %arg9[%swap3A_956, %swap3A_957, %swap3A_958], %mul3A_953 {strides = array<i32>} : memref<2x16x144xf32, #tpu.memory_space<vmem>>, vector<16xf32>,
        %mul3A_960 = arith.mulf %add3A_705, %mul3A_945 : vector<16xf32>
        %add3A_961 = arith.constant 8 : i32
        %add3A_962 = arith.addi %add3A_961, %scan3A_178 : i32
        %swap3A_963 = arith.index_cast %select_n3A_123 : i32 to index
        %swap3A_964 = arith.index_cast %add3A_962 : i32 to index
        %swap3A_965 = arith.constant 32 : index
        %swap3A_966 = tpu.vector_load %arg9[%swap3A_963, %swap3A_964, %swap3A_965] {strides = array<i32>} : memref<2x16x144xf32, #tpu.memory_space<vmem>>, vector<16xf32>,
        tpu.vector_store %arg9[%swap3A_963, %swap3A_964, %swap3A_965], %mul3A_960 {strides = array<i32>} : memref<2x16x144xf32, #tpu.memory_space<vmem>>, vector<16xf32>,
        %mul3A_967 = arith.mulf %add3A_746, %mul3A_945 : vector<16xf32>
        %add3A_968 = arith.constant 8 : i32
        %add3A_969 = arith.addi %add3A_968, %scan3A_178 : i32
        %swap3A_970 = arith.index_cast %select_n3A_123 : i32 to index
        %swap3A_971 = arith.index_cast %add3A_969 : i32 to index
        %swap3A_972 = arith.constant 48 : index
        %swap3A_973 = tpu.vector_load %arg9[%swap3A_970, %swap3A_971, %swap3A_972] {strides = array<i32>} : memref<2x16x144xf32, #tpu.memory_space<vmem>>, vector<16xf32>,
        tpu.vector_store %arg9[%swap3A_970, %swap3A_971, %swap3A_972], %mul3A_967 {strides = array<i32>} : memref<2x16x144xf32, #tpu.memory_space<vmem>>, vector<16xf32>,
        %mul3A_974 = arith.mulf %add3A_787, %mul3A_945 : vector<16xf32>
        %add3A_975 = arith.constant 8 : i32
        %add3A_976 = arith.addi %add3A_975, %scan3A_178 : i32
        %swap3A_977 = arith.index_cast %select_n3A_123 : i32 to index
        %swap3A_978 = arith.index_cast %add3A_976 : i32 to index
        %swap3A_979 = arith.constant 64 : index
        %swap3A_980 = tpu.vector_load %arg9[%swap3A_977, %swap3A_978, %swap3A_979] {strides = array<i32>} : memref<2x16x144xf32, #tpu.memory_space<vmem>>, vector<16xf32>,
        tpu.vector_store %arg9[%swap3A_977, %swap3A_978, %swap3A_979], %mul3A_974 {strides = array<i32>} : memref<2x16x144xf32, #tpu.memory_space<vmem>>, vector<16xf32>,
        %mul3A_981 = arith.mulf %add3A_828, %mul3A_945 : vector<16xf32>
        %add3A_982 = arith.constant 8 : i32
        %add3A_983 = arith.addi %add3A_982, %scan3A_178 : i32
        %swap3A_984 = arith.index_cast %select_n3A_123 : i32 to index
        %swap3A_985 = arith.index_cast %add3A_983 : i32 to index
        %swap3A_986 = arith.constant 80 : index
        %swap3A_987 = tpu.vector_load %arg9[%swap3A_984, %swap3A_985, %swap3A_986] {strides = array<i32>} : memref<2x16x144xf32, #tpu.memory_space<vmem>>, vector<16xf32>,
        tpu.vector_store %arg9[%swap3A_984, %swap3A_985, %swap3A_986], %mul3A_981 {strides = array<i32>} : memref<2x16x144xf32, #tpu.memory_space<vmem>>, vector<16xf32>,
        %mul3A_988 = arith.mulf %add3A_869, %mul3A_945 : vector<16xf32>
        %add3A_989 = arith.constant 8 : i32
        %add3A_990 = arith.addi %add3A_989, %scan3A_178 : i32
        %swap3A_991 = arith.index_cast %select_n3A_123 : i32 to index
        %swap3A_992 = arith.index_cast %add3A_990 : i32 to index
        %swap3A_993 = arith.constant 96 : index
        %swap3A_994 = tpu.vector_load %arg9[%swap3A_991, %swap3A_992, %swap3A_993] {strides = array<i32>} : memref<2x16x144xf32, #tpu.memory_space<vmem>>, vector<16xf32>,
        tpu.vector_store %arg9[%swap3A_991, %swap3A_992, %swap3A_993], %mul3A_988 {strides = array<i32>} : memref<2x16x144xf32, #tpu.memory_space<vmem>>, vector<16xf32>,
        %mul3A_995 = arith.mulf %add3A_910, %mul3A_945 : vector<16xf32>
        %add3A_996 = arith.constant 8 : i32
        %add3A_997 = arith.addi %add3A_996, %scan3A_178 : i32
        %swap3A_998 = arith.index_cast %select_n3A_123 : i32 to index
        %swap3A_999 = arith.index_cast %add3A_997 : i32 to index
        %swap3A_1000 = arith.constant 112 : index
        %swap3A_1001 = tpu.vector_load %arg9[%swap3A_998, %swap3A_999, %swap3A_1000] {strides = array<i32>} : memref<2x16x144xf32, #tpu.memory_space<vmem>>, vector<16xf32>,
        tpu.vector_store %arg9[%swap3A_998, %swap3A_999, %swap3A_1000], %mul3A_995 {strides = array<i32>} : memref<2x16x144xf32, #tpu.memory_space<vmem>>, vector<16xf32>,
        %add3A_1002 = arith.constant 8 : i32
        %add3A_1003 = arith.addi %add3A_1002, %scan3A_178 : i32
        %swap3A_1004 = arith.index_cast %select_n3A_123 : i32 to index
        %swap3A_1005 = arith.index_cast %add3A_1003 : i32 to index
        %swap3A_1006 = arith.constant 128 : index
        %swap3A_1007 = tpu.vector_load %arg9[%swap3A_1004, %swap3A_1005, %swap3A_1006] {strides = array<i32>} : memref<2x16x144xf32, #tpu.memory_space<vmem>>, vector<16xf32>,
        tpu.vector_store %arg9[%swap3A_1004, %swap3A_1005, %swap3A_1006], %broadcast_in_dim3A_3 {strides = array<i32>} : memref<2x16x144xf32, #tpu.memory_space<vmem>>, vector<16xf32>,
        %scan3A_1008 = arith.constant 0 : i32
        scf.yield %scan3A_1008 : i32
      }
      %scan3A_166 = arith.constant 8 : i32
      %eq3A_167 = arith.constant 0 : i32
      %eq3A_168 = arith.cmpi eq, %select_n3A_123, %eq3A_167 : i32
      %convert_element_type3A_169 = arith.extui %eq3A_168 : i1 to i32
      %cond3A_170 = arith.constant 0 : i32
      %cond3A_171 = arith.cmpi ne, %convert_element_type3A_169, %cond3A_170 : i32
      scf.if %cond3A_171 {
        %dma_start3A = arith.constant 0 : i32
        %dma_start3A_178 = arith.constant 0 : i32
        %dma_start3A_179 = tpu.memref_slice %arg9[%select_n3A_123, %dma_start3A, %dma_start3A_178] : memref<2x16x144xf32, #tpu.memory_space<vmem>> -> memref<1x16x144xf32, #tpu.memory_space<vmem>>
        %dma_start3A_180 = tpu.memref_squeeze %dma_start3A_179 : memref<1x16x144xf32, #tpu.memory_space<vmem>> -> memref<16x144xf32, #tpu.memory_space<vmem>>
        %dma_start3A_181 = arith.constant 0 : i32
        %dma_start3A_182 = tpu.memref_slice %arg6[%select_n3A_70, %dma_start3A_181] : memref<250x16xi32, #tpu.memory_space<vmem>> -> memref<1x16xi32, #tpu.memory_space<vmem>>
        %dma_start3A_183 = tpu.memref_squeeze %dma_start3A_182 : memref<1x16xi32, #tpu.memory_space<vmem>> -> memref<16xi32, #tpu.memory_space<vmem>>
        %dma_start3A_184 = arith.constant 0 : i32
        %dma_start3A_185 = arith.constant 0 : i32
        %dma_start3A_186 = tpu.memref_slice %arg11[%dma_start3A_184, %dma_start3A_185] : memref<10000x144xf32, #tpu.memory_space<vmem_shared>> -> memref<10000x144xf32, #tpu.memory_space<vmem_shared>>
        tpu.enqueue_indirect_dma source(%dma_start3A_180 : memref<16x144xf32, #tpu.memory_space<vmem>>) target(%dma_start3A_186 : memref<10000x144xf32, #tpu.memory_space<vmem_shared>>) offsets(%dma_start3A_183 : memref<16xi32, #tpu.memory_space<vmem>>) semaphore(%arg15 : memref<!tpu.dma_semaphore, #tpu.memory_space<semaphore_mem>>) {add = true}
      } else {
      }
      %eq3A_172 = arith.constant 1 : i32
      %eq3A_173 = arith.cmpi eq, %select_n3A_123, %eq3A_172 : i32
      %convert_element_type3A_174 = arith.extui %eq3A_173 : i1 to i32
      %cond3A_175 = arith.constant 0 : i32
      %cond3A_176 = arith.cmpi ne, %convert_element_type3A_174, %cond3A_175 : i32
      scf.if %cond3A_176 {
        %dma_start3A = arith.constant 0 : i32
        %dma_start3A_178 = arith.constant 0 : i32
        %dma_start3A_179 = tpu.memref_slice %arg9[%select_n3A_123, %dma_start3A, %dma_start3A_178] : memref<2x16x144xf32, #tpu.memory_space<vmem>> -> memref<1x16x144xf32, #tpu.memory_space<vmem>>
        %dma_start3A_180 = tpu.memref_squeeze %dma_start3A_179 : memref<1x16x144xf32, #tpu.memory_space<vmem>> -> memref<16x144xf32, #tpu.memory_space<vmem>>
        %dma_start3A_181 = arith.constant 0 : i32
        %dma_start3A_182 = tpu.memref_slice %arg6[%select_n3A_70, %dma_start3A_181] : memref<250x16xi32, #tpu.memory_space<vmem>> -> memref<1x16xi32, #tpu.memory_space<vmem>>
        %dma_start3A_183 = tpu.memref_squeeze %dma_start3A_182 : memref<1x16xi32, #tpu.memory_space<vmem>> -> memref<16xi32, #tpu.memory_space<vmem>>
        %dma_start3A_184 = arith.constant 0 : i32
        %dma_start3A_185 = arith.constant 0 : i32
        %dma_start3A_186 = tpu.memref_slice %arg11[%dma_start3A_184, %dma_start3A_185] : memref<10000x144xf32, #tpu.memory_space<vmem_shared>> -> memref<10000x144xf32, #tpu.memory_space<vmem_shared>>
        tpu.enqueue_indirect_dma source(%dma_start3A_180 : memref<16x144xf32, #tpu.memory_space<vmem>>) target(%dma_start3A_186 : memref<10000x144xf32, #tpu.memory_space<vmem_shared>>) offsets(%dma_start3A_183 : memref<16xi32, #tpu.memory_space<vmem>>) semaphore(%arg16 : memref<!tpu.dma_semaphore, #tpu.memory_space<semaphore_mem>>) {add = true}
      } else {
      }
      %scan3A_177 = arith.constant 0 : i32
      scf.yield %scan3A_177 : i32
    }
    %scan3A_25 = arith.constant 1250 : i32
    %dma_wait3A = arith.constant 0 : i32
    %dma_wait3A_26 = arith.constant 0 : i32
    %dma_wait3A_27 = arith.constant 0 : i32
    %dma_wait3A_28 = arith.constant 0 : i32
    %dma_wait3A_29 = tpu.memref_slice %arg9[%dma_wait3A, %dma_wait3A_27, %dma_wait3A_28] : memref<2x16x144xf32, #tpu.memory_space<vmem>> -> memref<1x16x144xf32, #tpu.memory_space<vmem>>
    %dma_wait3A_30 = tpu.memref_squeeze %dma_wait3A_29 : memref<1x16x144xf32, #tpu.memory_space<vmem>> -> memref<16x144xf32, #tpu.memory_space<vmem>>
    %dma_wait3A_31 = arith.constant 0 : i32
    %dma_wait3A_32 = tpu.memref_slice %arg6[%dma_wait3A_26, %dma_wait3A_31] : memref<250x16xi32, #tpu.memory_space<vmem>> -> memref<1x16xi32, #tpu.memory_space<vmem>>
    %dma_wait3A_33 = tpu.memref_squeeze %dma_wait3A_32 : memref<1x16xi32, #tpu.memory_space<vmem>> -> memref<16xi32, #tpu.memory_space<vmem>>
    %dma_wait3A_34 = arith.constant 0 : i32
    %dma_wait3A_35 = arith.constant 0 : i32
    %dma_wait3A_36 = tpu.memref_slice %arg11[%dma_wait3A_34, %dma_wait3A_35] : memref<10000x144xf32, #tpu.memory_space<vmem_shared>> -> memref<10000x144xf32, #tpu.memory_space<vmem_shared>>
    tpu.wait_indirect_dma semaphore(%arg15 : memref<!tpu.dma_semaphore, #tpu.memory_space<semaphore_mem>>) src(%dma_wait3A_30 : memref<16x144xf32, #tpu.memory_space<vmem>>) dst(%dma_wait3A_36 : memref<10000x144xf32, #tpu.memory_space<vmem_shared>>)
    %dma_wait3A_37 = arith.constant 0 : i32
    %dma_wait3A_38 = arith.constant 0 : i32
    %dma_wait3A_39 = arith.constant 0 : i32
    %dma_wait3A_40 = arith.constant 0 : i32
    %dma_wait3A_41 = tpu.memref_slice %arg9[%dma_wait3A_37, %dma_wait3A_39, %dma_wait3A_40] : memref<2x16x144xf32, #tpu.memory_space<vmem>> -> memref<1x16x144xf32, #tpu.memory_space<vmem>>
    %dma_wait3A_42 = tpu.memref_squeeze %dma_wait3A_41 : memref<1x16x144xf32, #tpu.memory_space<vmem>> -> memref<16x144xf32, #tpu.memory_space<vmem>>
    %dma_wait3A_43 = arith.constant 0 : i32
    %dma_wait3A_44 = tpu.memref_slice %arg6[%dma_wait3A_38, %dma_wait3A_43] : memref<250x16xi32, #tpu.memory_space<vmem>> -> memref<1x16xi32, #tpu.memory_space<vmem>>
    %dma_wait3A_45 = tpu.memref_squeeze %dma_wait3A_44 : memref<1x16xi32, #tpu.memory_space<vmem>> -> memref<16xi32, #tpu.memory_space<vmem>>
    %dma_wait3A_46 = arith.constant 0 : i32
    %dma_wait3A_47 = arith.constant 0 : i32
    %dma_wait3A_48 = tpu.memref_slice %arg11[%dma_wait3A_46, %dma_wait3A_47] : memref<10000x144xf32, #tpu.memory_space<vmem_shared>> -> memref<10000x144xf32, #tpu.memory_space<vmem_shared>>
    tpu.wait_indirect_dma semaphore(%arg16 : memref<!tpu.dma_semaphore, #tpu.memory_space<semaphore_mem>>) src(%dma_wait3A_42 : memref<16x144xf32, #tpu.memory_space<vmem>>) dst(%dma_wait3A_48 : memref<10000x144xf32, #tpu.memory_space<vmem_shared>>)
    %barrier3A_49 = arith.constant 0 : index
    tpu.barrier barrier_id(%barrier3A_49)
    %mul3A_50 = arith.constant 625 : i32
    %mul3A_51 = arith.muli %arg1, %mul3A_50 : i32
    %eq3A = arith.constant 0 : i32
    %eq3A_52 = arith.cmpi eq, %arg0, %eq3A : i32
    %convert_element_type3A = arith.extui %eq3A_52 : i1 to i32
    %cond3A = arith.constant 0 : i32
    %cond3A_53 = arith.cmpi ne, %convert_element_type3A, %cond3A : i32
    scf.if %cond3A_53 {
      %run_scoped3A = arith.constant 0 : i32
      "tpu.region"() ({
        %run_scoped3A_59 = tpu.sem_alloc : memref<!tpu.dma_semaphore, #tpu.memory_space<semaphore_mem>>
        %dma_start3A = arith.constant 0 : i32
        %dma_start3A_60 = tpu.memref_slice %arg5[%run_scoped3A, %mul3A_51, %dma_start3A] : memref<2x10000x144xf32, #tpu.memory_space<hbm>> -> memref<1x625x144xf32, #tpu.memory_space<hbm>>
        %dma_start3A_61 = tpu.memref_squeeze %dma_start3A_60 : memref<1x625x144xf32, #tpu.memory_space<hbm>> -> memref<625x144xf32, #tpu.memory_space<hbm>>
        %dma_start3A_62 = arith.constant 0 : i32
        %dma_start3A_63 = tpu.memref_slice %arg11[%mul3A_51, %dma_start3A_62] : memref<10000x144xf32, #tpu.memory_space<vmem_shared>> -> memref<625x144xf32, #tpu.memory_space<vmem_shared>>
        tpu.enqueue_dma source(%dma_start3A_63 : memref<625x144xf32, #tpu.memory_space<vmem_shared>>) target(%dma_start3A_61 : memref<625x144xf32, #tpu.memory_space<hbm>>) target_semaphore(%run_scoped3A_59 : memref<!tpu.dma_semaphore, #tpu.memory_space<semaphore_mem>>)
        %dma_wait3A_64 = arith.constant 0 : i32
        %dma_wait3A_65 = tpu.memref_slice %arg5[%run_scoped3A, %mul3A_51, %dma_wait3A_64] : memref<2x10000x144xf32, #tpu.memory_space<hbm>> -> memref<1x625x144xf32, #tpu.memory_space<hbm>>
        %dma_wait3A_66 = tpu.memref_squeeze %dma_wait3A_65 : memref<1x625x144xf32, #tpu.memory_space<hbm>> -> memref<625x144xf32, #tpu.memory_space<hbm>>
        %dma_wait3A_67 = arith.constant 0 : i32
        %dma_wait3A_68 = tpu.memref_slice %arg11[%mul3A_51, %dma_wait3A_67] : memref<10000x144xf32, #tpu.memory_space<vmem_shared>> -> memref<625x144xf32, #tpu.memory_space<vmem_shared>>
        tpu.wait_dma2 semaphore(%run_scoped3A_59 : memref<!tpu.dma_semaphore, #tpu.memory_space<semaphore_mem>>) src(%dma_wait3A_68 : memref<625x144xf32, #tpu.memory_space<vmem_shared>>) dst(%dma_wait3A_66 : memref<625x144xf32, #tpu.memory_space<hbm>>)
        tpu.yield
      }) : () -> ()
    } else {
    }
    %eq3A_54 = arith.constant 1 : i32
    %eq3A_55 = arith.cmpi eq, %arg0, %eq3A_54 : i32
    %convert_element_type3A_56 = arith.extui %eq3A_55 : i1 to i32
    %cond3A_57 = arith.constant 0 : i32
    %cond3A_58 = arith.cmpi ne, %convert_element_type3A_56, %cond3A_57 : i32
    scf.if %cond3A_58 {
      %run_scoped3A = arith.constant 1 : i32
      "tpu.region"() ({
        %run_scoped3A_59 = tpu.sem_alloc : memref<!tpu.dma_semaphore, #tpu.memory_space<semaphore_mem>>
        %dma_start3A = arith.constant 0 : i32
        %dma_start3A_60 = tpu.memref_slice %arg5[%run_scoped3A, %mul3A_51, %dma_start3A] : memref<2x10000x144xf32, #tpu.memory_space<hbm>> -> memref<1x625x144xf32, #tpu.memory_space<hbm>>
        %dma_start3A_61 = tpu.memref_squeeze %dma_start3A_60 : memref<1x625x144xf32, #tpu.memory_space<hbm>> -> memref<625x144xf32, #tpu.memory_space<hbm>>
        %dma_start3A_62 = arith.constant 0 : i32
        %dma_start3A_63 = tpu.memref_slice %arg11[%mul3A_51, %dma_start3A_62] : memref<10000x144xf32, #tpu.memory_space<vmem_shared>> -> memref<625x144xf32, #tpu.memory_space<vmem_shared>>
        tpu.enqueue_dma source(%dma_start3A_63 : memref<625x144xf32, #tpu.memory_space<vmem_shared>>) target(%dma_start3A_61 : memref<625x144xf32, #tpu.memory_space<hbm>>) target_semaphore(%run_scoped3A_59 : memref<!tpu.dma_semaphore, #tpu.memory_space<semaphore_mem>>)
        %dma_wait3A_64 = arith.constant 0 : i32
        %dma_wait3A_65 = tpu.memref_slice %arg5[%run_scoped3A, %mul3A_51, %dma_wait3A_64] : memref<2x10000x144xf32, #tpu.memory_space<hbm>> -> memref<1x625x144xf32, #tpu.memory_space<hbm>>
        %dma_wait3A_66 = tpu.memref_squeeze %dma_wait3A_65 : memref<1x625x144xf32, #tpu.memory_space<hbm>> -> memref<625x144xf32, #tpu.memory_space<hbm>>
        %dma_wait3A_67 = arith.constant 0 : i32
        %dma_wait3A_68 = tpu.memref_slice %arg11[%mul3A_51, %dma_wait3A_67] : memref<10000x144xf32, #tpu.memory_space<vmem_shared>> -> memref<625x144xf32, #tpu.memory_space<vmem_shared>>
        tpu.wait_dma2 semaphore(%run_scoped3A_59 : memref<!tpu.dma_semaphore, #tpu.memory_space<semaphore_mem>>) src(%dma_wait3A_68 : memref<625x144xf32, #tpu.memory_space<vmem_shared>>) dst(%dma_wait3A_66 : memref<625x144xf32, #tpu.memory_space<hbm>>)
        tpu.yield
      }) : () -> ()
    } else {
    }
    return
  }
}

module attributes {stable_mosaic.version = 14 : i64} {
  func.func @_prep_body(%arg0: i32, %arg1: memref<1000x128xf32, #tpu.memory_space<vmem>>, %arg2: memref<1000x64xf32, #tpu.memory_space<vmem>>, %arg3: memref<128x128xf32, #tpu.memory_space<vmem>>, %arg4: memref<64x128xf32, #tpu.memory_space<vmem>>, %arg5: memref<128x128xf32, #tpu.memory_space<vmem>>, %arg6: memref<64x128xf32, #tpu.memory_space<vmem>>, %arg7: memref<128x128xf32, #tpu.memory_space<vmem>>, %arg8: memref<128x128xf32, #tpu.memory_space<vmem>>, %arg9: memref<128x128xf32, #tpu.memory_space<vmem>>, %arg10: memref<128x128xf32, #tpu.memory_space<vmem>>, %arg11: memref<1x128xf32, #tpu.memory_space<vmem>>, %arg12: memref<128x128xf32, #tpu.memory_space<vmem>>, %arg13: memref<128x128xf32, #tpu.memory_space<vmem>>, %arg14: memref<128x128xf32, #tpu.memory_space<vmem>>, %arg15: memref<128x128xf32, #tpu.memory_space<vmem>>, %arg16: memref<1x128xf32, #tpu.memory_space<vmem>>, %arg17: memref<1000x656xf32, #tpu.memory_space<vmem>>, %arg18: memref<1000x656xf32, #tpu.memory_space<vmem>>) attributes {dimension_semantics = [#tpu.dimension_semantics<arbitrary>], iteration_bounds = array<i64: 10>, scalar_prefetch = 0 : i64, scratch_operands = 0 : i64, tpu.core_type = #tpu.core_type<tc>, window_params = [{transform_indices = @transform_0, window_bounds = array<i64: 1000, 128>}, {transform_indices = @transform_1, window_bounds = array<i64: 1000, 64>}, {pipeline_mode = #tpu.pipeline_mode<synchronous>, transform_indices = @transform_2, window_bounds = array<i64: 128, 128>}, {pipeline_mode = #tpu.pipeline_mode<synchronous>, transform_indices = @transform_3, window_bounds = array<i64: 64, 128>}, {pipeline_mode = #tpu.pipeline_mode<synchronous>, transform_indices = @transform_4, window_bounds = array<i64: 128, 128>}, {pipeline_mode = #tpu.pipeline_mode<synchronous>, transform_indices = @transform_5, window_bounds = array<i64: 64, 128>}, {pipeline_mode = #tpu.pipeline_mode<synchronous>, transform_indices = @transform_6, window_bounds = array<i64: 128, 128>}, {pipeline_mode = #tpu.pipeline_mode<synchronous>, transform_indices = @transform_7, window_bounds = array<i64: 128, 128>}, {pipeline_mode = #tpu.pipeline_mode<synchronous>, transform_indices = @transform_8, window_bounds = array<i64: 128, 128>}, {pipeline_mode = #tpu.pipeline_mode<synchronous>, transform_indices = @transform_9, window_bounds = array<i64: 128, 128>}, {pipeline_mode = #tpu.pipeline_mode<synchronous>, transform_indices = @transform_10, window_bounds = array<i64: 1, 128>}, {pipeline_mode = #tpu.pipeline_mode<synchronous>, transform_indices = @transform_11, window_bounds = array<i64: 128, 128>}, {pipeline_mode = #tpu.pipeline_mode<synchronous>, transform_indices = @transform_12, window_bounds = array<i64: 128, 128>}, {pipeline_mode = #tpu.pipeline_mode<synchronous>, transform_indices = @transform_13, window_bounds = array<i64: 128, 128>}, {pipeline_mode = #tpu.pipeline_mode<synchronous>, transform_indices = @transform_14, window_bounds = array<i64: 128, 128>}, {pipeline_mode = #tpu.pipeline_mode<synchronous>, transform_indices = @transform_15, window_bounds = array<i64: 1, 128>}, {transform_indices = @transform_16, window_bounds = array<i64: 1000, 656>}, {transform_indices = @transform_17, window_bounds = array<i64: 1000, 656>}]} {
    %get3A = arith.constant 0 : index
    %get3A_0 = arith.constant 0 : index
    %get3A_1 = vector.load %arg1[%get3A, %get3A_0] : memref<1000x128xf32, #tpu.memory_space<vmem>>, vector<1000x128xf32>
    %get3A_2 = arith.constant 0 : index
    %get3A_3 = arith.constant 0 : index
    %get3A_4 = vector.load %arg2[%get3A_2, %get3A_3] : memref<1000x64xf32, #tpu.memory_space<vmem>>, vector<1000x64xf32>
    %get3A_5 = arith.constant 0 : index
    %get3A_6 = arith.constant 0 : index
    %get3A_7 = vector.load %arg3[%get3A_5, %get3A_6] : memref<128x128xf32, #tpu.memory_space<vmem>>, vector<128x128xf32>
    %dot_general3A = arith.constant dense<0.000000e+00> : vector<1000x128xf32>
    %dot_general3A_8 = tpu.matmul %get3A_1, %get3A_7, %dot_general3A {dimension_numbers = #tpu.dot_dimension_numbers<[1], [0], [0], [1], [0, 0, 1, 1], [], []>, transpose_lhs_hint = false} : vector<1000x128xf32>, vector<128x128xf32>, vector<1000x128xf32> -> vector<1000x128xf32>
    %get3A_9 = arith.constant 0 : index
    %get3A_10 = arith.constant 0 : index
    %get3A_11 = vector.load %arg4[%get3A_9, %get3A_10] : memref<64x128xf32, #tpu.memory_space<vmem>>, vector<64x128xf32>
    %dot_general3A_12 = arith.constant dense<0.000000e+00> : vector<1000x128xf32>
    %dot_general3A_13 = tpu.matmul %get3A_4, %get3A_11, %dot_general3A_12 {dimension_numbers = #tpu.dot_dimension_numbers<[1], [0], [0], [1], [0, 0, 1, 1], [], []>, transpose_lhs_hint = false} : vector<1000x64xf32>, vector<64x128xf32>, vector<1000x128xf32> -> vector<1000x128xf32>
    %add3A = arith.addf %dot_general3A_8, %dot_general3A_13 : vector<1000x128xf32>
    %logistic3A = arith.negf %add3A : vector<1000x128xf32>
    %logistic3A_14 = math.exp %logistic3A : vector<1000x128xf32>
    %logistic3A_15 = arith.constant 1.000000e+00 : f32
    %logistic3A_16 = vector.broadcast %logistic3A_15 : f32 to vector<1000x128xf32>
    %logistic3A_17 = arith.addf %logistic3A_16, %logistic3A_14 : vector<1000x128xf32>
    %logistic3A_18 = arith.divf %logistic3A_16, %logistic3A_17 : vector<1000x128xf32>
    %get3A_19 = arith.constant 0 : index
    %get3A_20 = arith.constant 0 : index
    %get3A_21 = vector.load %arg5[%get3A_19, %get3A_20] : memref<128x128xf32, #tpu.memory_space<vmem>>, vector<128x128xf32>
    %dot_general3A_22 = arith.constant dense<0.000000e+00> : vector<1000x128xf32>
    %dot_general3A_23 = tpu.matmul %get3A_1, %get3A_21, %dot_general3A_22 {dimension_numbers = #tpu.dot_dimension_numbers<[1], [0], [0], [1], [0, 0, 1, 1], [], []>, transpose_lhs_hint = false} : vector<1000x128xf32>, vector<128x128xf32>, vector<1000x128xf32> -> vector<1000x128xf32>
    %get3A_24 = arith.constant 0 : index
    %get3A_25 = arith.constant 0 : index
    %get3A_26 = vector.load %arg6[%get3A_24, %get3A_25] : memref<64x128xf32, #tpu.memory_space<vmem>>, vector<64x128xf32>
    %dot_general3A_27 = arith.constant dense<0.000000e+00> : vector<1000x128xf32>
    %dot_general3A_28 = tpu.matmul %get3A_4, %get3A_26, %dot_general3A_27 {dimension_numbers = #tpu.dot_dimension_numbers<[1], [0], [0], [1], [0, 0, 1, 1], [], []>, transpose_lhs_hint = false} : vector<1000x64xf32>, vector<64x128xf32>, vector<1000x128xf32> -> vector<1000x128xf32>
    %add3A_29 = arith.addf %dot_general3A_23, %dot_general3A_28 : vector<1000x128xf32>
    %max3A = arith.constant 0.000000e+00 : f32
    %max3A_30 = vector.broadcast %max3A : f32 to vector<1000x128xf32>
    %max3A_31 = arith.maximumf %add3A_29, %max3A_30 : vector<1000x128xf32>
    %mul3A = arith.mulf %logistic3A_18, %max3A_31 : vector<1000x128xf32>
    %add3A_32 = arith.addf %get3A_1, %mul3A : vector<1000x128xf32>
    %mul3A_33 = arith.mulf %add3A_32, %add3A_32 : vector<1000x128xf32>
    %reduce_sum3A = arith.constant dense<0.000000e+00> : vector<1000xf32>
    %reduce_sum3A_34 = vector.multi_reduction <add>, %mul3A_33, %reduce_sum3A [1] : vector<1000x128xf32> to vector<1000xf32>
    %broadcast_in_dim3A = vector.shape_cast %reduce_sum3A_34 : vector<1000xf32> to vector<1000x1xf32>
    %sqrt3A = math.sqrt %broadcast_in_dim3A : vector<1000x1xf32>
    %max3A_35 = arith.constant 9.99999996E-13 : f32
    %max3A_36 = vector.broadcast %max3A_35 : f32 to vector<1000x1xf32>
    %max3A_37 = arith.maximumf %sqrt3A, %max3A_36 : vector<1000x1xf32>
    %div3A = vector.broadcast %max3A_37 : vector<1000x1xf32> to vector<1000x128xf32>
    %div3A_38 = arith.divf %add3A_32, %div3A : vector<1000x128xf32>
    %swap3A = arith.constant 0 : index
    %swap3A_39 = arith.constant 0 : index
    %swap3A_40 = vector.load %arg17[%swap3A, %swap3A_39] : memref<1000x656xf32, #tpu.memory_space<vmem>>, vector<1000x128xf32>
    tpu.vector_store %arg17[%swap3A, %swap3A_39], %div3A_38 {strides = array<i32>} : memref<1000x656xf32, #tpu.memory_space<vmem>>, vector<1000x128xf32>,
    %get3A_41 = arith.constant 0 : index
    %get3A_42 = arith.constant 0 : index
    %get3A_43 = vector.load %arg7[%get3A_41, %get3A_42] : memref<128x128xf32, #tpu.memory_space<vmem>>, vector<128x128xf32>
    %dot_general3A_44 = arith.constant dense<0.000000e+00> : vector<1000x128xf32>
    %dot_general3A_45 = tpu.matmul %div3A_38, %get3A_43, %dot_general3A_44 {dimension_numbers = #tpu.dot_dimension_numbers<[1], [0], [0], [1], [0, 0, 1, 1], [], []>, transpose_lhs_hint = false} : vector<1000x128xf32>, vector<128x128xf32>, vector<1000x128xf32> -> vector<1000x128xf32>
    %swap3A_46 = arith.constant 0 : index
    %swap3A_47 = arith.constant 128 : index
    %swap3A_48 = vector.load %arg17[%swap3A_46, %swap3A_47] : memref<1000x656xf32, #tpu.memory_space<vmem>>, vector<1000x128xf32>
    tpu.vector_store %arg17[%swap3A_46, %swap3A_47], %dot_general3A_45 {strides = array<i32>} : memref<1000x656xf32, #tpu.memory_space<vmem>>, vector<1000x128xf32>,
    %get3A_49 = arith.constant 0 : index
    %get3A_50 = arith.constant 0 : index
    %get3A_51 = vector.load %arg8[%get3A_49, %get3A_50] : memref<128x128xf32, #tpu.memory_space<vmem>>, vector<128x128xf32>
    %dot_general3A_52 = arith.constant dense<0.000000e+00> : vector<1000x128xf32>
    %dot_general3A_53 = tpu.matmul %div3A_38, %get3A_51, %dot_general3A_52 {dimension_numbers = #tpu.dot_dimension_numbers<[1], [0], [0], [1], [0, 0, 1, 1], [], []>, transpose_lhs_hint = false} : vector<1000x128xf32>, vector<128x128xf32>, vector<1000x128xf32> -> vector<1000x128xf32>
    %swap3A_54 = arith.constant 0 : index
    %swap3A_55 = arith.constant 256 : index
    %swap3A_56 = vector.load %arg17[%swap3A_54, %swap3A_55] : memref<1000x656xf32, #tpu.memory_space<vmem>>, vector<1000x128xf32>
    tpu.vector_store %arg17[%swap3A_54, %swap3A_55], %dot_general3A_53 {strides = array<i32>} : memref<1000x656xf32, #tpu.memory_space<vmem>>, vector<1000x128xf32>,
    %get3A_57 = arith.constant 0 : index
    %get3A_58 = arith.constant 0 : index
    %get3A_59 = vector.load %arg9[%get3A_57, %get3A_58] : memref<128x128xf32, #tpu.memory_space<vmem>>, vector<128x128xf32>
    %dot_general3A_60 = arith.constant dense<0.000000e+00> : vector<1000x128xf32>
    %dot_general3A_61 = tpu.matmul %div3A_38, %get3A_59, %dot_general3A_60 {dimension_numbers = #tpu.dot_dimension_numbers<[1], [0], [0], [1], [0, 0, 1, 1], [], []>, transpose_lhs_hint = false} : vector<1000x128xf32>, vector<128x128xf32>, vector<1000x128xf32> -> vector<1000x128xf32>
    %swap3A_62 = arith.constant 0 : index
    %swap3A_63 = arith.constant 384 : index
    %swap3A_64 = vector.load %arg17[%swap3A_62, %swap3A_63] : memref<1000x656xf32, #tpu.memory_space<vmem>>, vector<1000x128xf32>
    tpu.vector_store %arg17[%swap3A_62, %swap3A_63], %dot_general3A_61 {strides = array<i32>} : memref<1000x656xf32, #tpu.memory_space<vmem>>, vector<1000x128xf32>,
    %get3A_65 = arith.constant 0 : index
    %get3A_66 = arith.constant 0 : index
    %get3A_67 = vector.load %arg10[%get3A_65, %get3A_66] : memref<128x128xf32, #tpu.memory_space<vmem>>, vector<128x128xf32>
    %dot_general3A_68 = arith.constant dense<0.000000e+00> : vector<1000x128xf32>
    %dot_general3A_69 = tpu.matmul %div3A_38, %get3A_67, %dot_general3A_68 {dimension_numbers = #tpu.dot_dimension_numbers<[1], [0], [0], [1], [0, 0, 1, 1], [], []>, transpose_lhs_hint = false} : vector<1000x128xf32>, vector<128x128xf32>, vector<1000x128xf32> -> vector<1000x128xf32>
    %swap3A_70 = arith.constant 0 : index
    %swap3A_71 = arith.constant 512 : index
    %swap3A_72 = vector.load %arg17[%swap3A_70, %swap3A_71] : memref<1000x656xf32, #tpu.memory_space<vmem>>, vector<1000x128xf32>
    tpu.vector_store %arg17[%swap3A_70, %swap3A_71], %dot_general3A_69 {strides = array<i32>} : memref<1000x656xf32, #tpu.memory_space<vmem>>, vector<1000x128xf32>,
    %get3A_73 = arith.constant 0 : index
    %get3A_74 = arith.constant 0 : index
    %get3A_75 = vector.load %arg11[%get3A_73, %get3A_74] : memref<1x128xf32, #tpu.memory_space<vmem>>, vector<1x128xf32>
    %mul3A_76 = vector.broadcast %get3A_75 : vector<1x128xf32> to vector<1000x128xf32>
    %mul3A_77 = arith.mulf %div3A_38, %mul3A_76 : vector<1000x128xf32>
    %reduce_sum3A_78 = arith.constant dense<0.000000e+00> : vector<1000xf32>
    %reduce_sum3A_79 = vector.multi_reduction <add>, %mul3A_77, %reduce_sum3A_78 [1] : vector<1000x128xf32> to vector<1000xf32>
    %broadcast_in_dim3A_80 = vector.shape_cast %reduce_sum3A_79 : vector<1000xf32> to vector<1000x1xf32>
    %broadcast_in_dim3A_81 = vector.shape_cast %broadcast_in_dim3A_80 : vector<1000x1xf32> to vector<1000x1xf32>
    %broadcast_in_dim3A_82 = vector.broadcast %broadcast_in_dim3A_81 : vector<1000x1xf32> to vector<1000x16xf32>
    %swap3A_83 = arith.constant 0 : index
    %swap3A_84 = arith.constant 640 : index
    %swap3A_85 = vector.load %arg17[%swap3A_83, %swap3A_84] : memref<1000x656xf32, #tpu.memory_space<vmem>>, vector<1000x16xf32>
    tpu.vector_store %arg17[%swap3A_83, %swap3A_84], %broadcast_in_dim3A_82 {strides = array<i32>} : memref<1000x656xf32, #tpu.memory_space<vmem>>, vector<1000x16xf32>,
    %swap3A_86 = arith.constant 0 : index
    %swap3A_87 = arith.constant 0 : index
    %swap3A_88 = vector.load %arg18[%swap3A_86, %swap3A_87] : memref<1000x656xf32, #tpu.memory_space<vmem>>, vector<1000x128xf32>
    tpu.vector_store %arg18[%swap3A_86, %swap3A_87], %div3A_38 {strides = array<i32>} : memref<1000x656xf32, #tpu.memory_space<vmem>>, vector<1000x128xf32>,
    %get3A_89 = arith.constant 0 : index
    %get3A_90 = arith.constant 0 : index
    %get3A_91 = vector.load %arg12[%get3A_89, %get3A_90] : memref<128x128xf32, #tpu.memory_space<vmem>>, vector<128x128xf32>
    %dot_general3A_92 = arith.constant dense<0.000000e+00> : vector<1000x128xf32>
    %dot_general3A_93 = tpu.matmul %div3A_38, %get3A_91, %dot_general3A_92 {dimension_numbers = #tpu.dot_dimension_numbers<[1], [0], [0], [1], [0, 0, 1, 1], [], []>, transpose_lhs_hint = false} : vector<1000x128xf32>, vector<128x128xf32>, vector<1000x128xf32> -> vector<1000x128xf32>
    %swap3A_94 = arith.constant 0 : index
    %swap3A_95 = arith.constant 128 : index
    %swap3A_96 = vector.load %arg18[%swap3A_94, %swap3A_95] : memref<1000x656xf32, #tpu.memory_space<vmem>>, vector<1000x128xf32>
    tpu.vector_store %arg18[%swap3A_94, %swap3A_95], %dot_general3A_93 {strides = array<i32>} : memref<1000x656xf32, #tpu.memory_space<vmem>>, vector<1000x128xf32>,
    %get3A_97 = arith.constant 0 : index
    %get3A_98 = arith.constant 0 : index
    %get3A_99 = vector.load %arg13[%get3A_97, %get3A_98] : memref<128x128xf32, #tpu.memory_space<vmem>>, vector<128x128xf32>
    %dot_general3A_100 = arith.constant dense<0.000000e+00> : vector<1000x128xf32>
    %dot_general3A_101 = tpu.matmul %div3A_38, %get3A_99, %dot_general3A_100 {dimension_numbers = #tpu.dot_dimension_numbers<[1], [0], [0], [1], [0, 0, 1, 1], [], []>, transpose_lhs_hint = false} : vector<1000x128xf32>, vector<128x128xf32>, vector<1000x128xf32> -> vector<1000x128xf32>
    %swap3A_102 = arith.constant 0 : index
    %swap3A_103 = arith.constant 256 : index
    %swap3A_104 = vector.load %arg18[%swap3A_102, %swap3A_103] : memref<1000x656xf32, #tpu.memory_space<vmem>>, vector<1000x128xf32>
    tpu.vector_store %arg18[%swap3A_102, %swap3A_103], %dot_general3A_101 {strides = array<i32>} : memref<1000x656xf32, #tpu.memory_space<vmem>>, vector<1000x128xf32>,
    %get3A_105 = arith.constant 0 : index
    %get3A_106 = arith.constant 0 : index
    %get3A_107 = vector.load %arg14[%get3A_105, %get3A_106] : memref<128x128xf32, #tpu.memory_space<vmem>>, vector<128x128xf32>
    %dot_general3A_108 = arith.constant dense<0.000000e+00> : vector<1000x128xf32>
    %dot_general3A_109 = tpu.matmul %div3A_38, %get3A_107, %dot_general3A_108 {dimension_numbers = #tpu.dot_dimension_numbers<[1], [0], [0], [1], [0, 0, 1, 1], [], []>, transpose_lhs_hint = false} : vector<1000x128xf32>, vector<128x128xf32>, vector<1000x128xf32> -> vector<1000x128xf32>
    %swap3A_110 = arith.constant 0 : index
    %swap3A_111 = arith.constant 384 : index
    %swap3A_112 = vector.load %arg18[%swap3A_110, %swap3A_111] : memref<1000x656xf32, #tpu.memory_space<vmem>>, vector<1000x128xf32>
    tpu.vector_store %arg18[%swap3A_110, %swap3A_111], %dot_general3A_109 {strides = array<i32>} : memref<1000x656xf32, #tpu.memory_space<vmem>>, vector<1000x128xf32>,
    %get3A_113 = arith.constant 0 : index
    %get3A_114 = arith.constant 0 : index
    %get3A_115 = vector.load %arg15[%get3A_113, %get3A_114] : memref<128x128xf32, #tpu.memory_space<vmem>>, vector<128x128xf32>
    %dot_general3A_116 = arith.constant dense<0.000000e+00> : vector<1000x128xf32>
    %dot_general3A_117 = tpu.matmul %div3A_38, %get3A_115, %dot_general3A_116 {dimension_numbers = #tpu.dot_dimension_numbers<[1], [0], [0], [1], [0, 0, 1, 1], [], []>, transpose_lhs_hint = false} : vector<1000x128xf32>, vector<128x128xf32>, vector<1000x128xf32> -> vector<1000x128xf32>
    %swap3A_118 = arith.constant 0 : index
    %swap3A_119 = arith.constant 512 : index
    %swap3A_120 = vector.load %arg18[%swap3A_118, %swap3A_119] : memref<1000x656xf32, #tpu.memory_space<vmem>>, vector<1000x128xf32>
    tpu.vector_store %arg18[%swap3A_118, %swap3A_119], %dot_general3A_117 {strides = array<i32>} : memref<1000x656xf32, #tpu.memory_space<vmem>>, vector<1000x128xf32>,
    %get3A_121 = arith.constant 0 : index
    %get3A_122 = arith.constant 0 : index
    %get3A_123 = vector.load %arg16[%get3A_121, %get3A_122] : memref<1x128xf32, #tpu.memory_space<vmem>>, vector<1x128xf32>
    %mul3A_124 = vector.broadcast %get3A_123 : vector<1x128xf32> to vector<1000x128xf32>
    %mul3A_125 = arith.mulf %div3A_38, %mul3A_124 : vector<1000x128xf32>
    %reduce_sum3A_126 = arith.constant dense<0.000000e+00> : vector<1000xf32>
    %reduce_sum3A_127 = vector.multi_reduction <add>, %mul3A_125, %reduce_sum3A_126 [1] : vector<1000x128xf32> to vector<1000xf32>
    %broadcast_in_dim3A_128 = vector.shape_cast %reduce_sum3A_127 : vector<1000xf32> to vector<1000x1xf32>
    %broadcast_in_dim3A_129 = vector.shape_cast %broadcast_in_dim3A_128 : vector<1000x1xf32> to vector<1000x1xf32>
    %broadcast_in_dim3A_130 = vector.broadcast %broadcast_in_dim3A_129 : vector<1000x1xf32> to vector<1000x16xf32>
    %swap3A_131 = arith.constant 0 : index
    %swap3A_132 = arith.constant 640 : index
    %swap3A_133 = vector.load %arg18[%swap3A_131, %swap3A_132] : memref<1000x656xf32, #tpu.memory_space<vmem>>, vector<1000x16xf32>
    tpu.vector_store %arg18[%swap3A_131, %swap3A_132], %broadcast_in_dim3A_130 {strides = array<i32>} : memref<1000x656xf32, #tpu.memory_space<vmem>>, vector<1000x16xf32>,
    return
  }
  func.func @transform_0(%arg0: i32) -> (i32, i32) {
    %c0_i32 = arith.constant 0 : i32
    %c0_i32_0 = arith.constant 0 : i32
    return %arg0, %c0_i32 : i32, i32
  }
  func.func @transform_1(%arg0: i32) -> (i32, i32) {
    %c0_i32 = arith.constant 0 : i32
    %c0_i32_0 = arith.constant 0 : i32
    return %arg0, %c0_i32 : i32, i32
  }
  func.func @transform_2(%arg0: i32) -> (i32, i32) {
    %c0_i32 = arith.constant 0 : i32
    %c0_i32_0 = arith.constant 0 : i32
    %c0_i32_1 = arith.constant 0 : i32
    return %c0_i32, %c0_i32_0 : i32, i32
  }
  func.func @transform_3(%arg0: i32) -> (i32, i32) {
    %c0_i32 = arith.constant 0 : i32
    %c0_i32_0 = arith.constant 0 : i32
    %c0_i32_1 = arith.constant 0 : i32
    return %c0_i32, %c0_i32_0 : i32, i32
  }
  func.func @transform_4(%arg0: i32) -> (i32, i32) {
    %c0_i32 = arith.constant 0 : i32
    %c0_i32_0 = arith.constant 0 : i32
    %c0_i32_1 = arith.constant 0 : i32
    return %c0_i32, %c0_i32_0 : i32, i32
  }
  func.func @transform_5(%arg0: i32) -> (i32, i32) {
    %c0_i32 = arith.constant 0 : i32
    %c0_i32_0 = arith.constant 0 : i32
    %c0_i32_1 = arith.constant 0 : i32
    return %c0_i32, %c0_i32_0 : i32, i32
  }
  func.func @transform_6(%arg0: i32) -> (i32, i32) {
    %c0_i32 = arith.constant 0 : i32
    %c0_i32_0 = arith.constant 0 : i32
    %c0_i32_1 = arith.constant 0 : i32
    return %c0_i32, %c0_i32_0 : i32, i32
  }
  func.func @transform_7(%arg0: i32) -> (i32, i32) {
    %c0_i32 = arith.constant 0 : i32
    %c0_i32_0 = arith.constant 0 : i32
    %c0_i32_1 = arith.constant 0 : i32
    return %c0_i32, %c0_i32_0 : i32, i32
  }
  func.func @transform_8(%arg0: i32) -> (i32, i32) {
    %c0_i32 = arith.constant 0 : i32
    %c0_i32_0 = arith.constant 0 : i32
    %c0_i32_1 = arith.constant 0 : i32
    return %c0_i32, %c0_i32_0 : i32, i32
  }
  func.func @transform_9(%arg0: i32) -> (i32, i32) {
    %c0_i32 = arith.constant 0 : i32
    %c0_i32_0 = arith.constant 0 : i32
    %c0_i32_1 = arith.constant 0 : i32
    return %c0_i32, %c0_i32_0 : i32, i32
  }
  func.func @transform_10(%arg0: i32) -> (i32, i32) {
    %c0_i32 = arith.constant 0 : i32
    %c0_i32_0 = arith.constant 0 : i32
    %c0_i32_1 = arith.constant 0 : i32
    return %c0_i32, %c0_i32_0 : i32, i32
  }
  func.func @transform_11(%arg0: i32) -> (i32, i32) {
    %c0_i32 = arith.constant 0 : i32
    %c0_i32_0 = arith.constant 0 : i32
    %c0_i32_1 = arith.constant 0 : i32
    return %c0_i32, %c0_i32_0 : i32, i32
  }
  func.func @transform_12(%arg0: i32) -> (i32, i32) {
    %c0_i32 = arith.constant 0 : i32
    %c0_i32_0 = arith.constant 0 : i32
    %c0_i32_1 = arith.constant 0 : i32
    return %c0_i32, %c0_i32_0 : i32, i32
  }
  func.func @transform_13(%arg0: i32) -> (i32, i32) {
    %c0_i32 = arith.constant 0 : i32
    %c0_i32_0 = arith.constant 0 : i32
    %c0_i32_1 = arith.constant 0 : i32
    return %c0_i32, %c0_i32_0 : i32, i32
  }
  func.func @transform_14(%arg0: i32) -> (i32, i32) {
    %c0_i32 = arith.constant 0 : i32
    %c0_i32_0 = arith.constant 0 : i32
    %c0_i32_1 = arith.constant 0 : i32
    return %c0_i32, %c0_i32_0 : i32, i32
  }
  func.func @transform_15(%arg0: i32) -> (i32, i32) {
    %c0_i32 = arith.constant 0 : i32
    %c0_i32_0 = arith.constant 0 : i32
    %c0_i32_1 = arith.constant 0 : i32
    return %c0_i32, %c0_i32_0 : i32, i32
  }
  func.func @transform_16(%arg0: i32) -> (i32, i32) {
    %c0_i32 = arith.constant 0 : i32
    %c0_i32_0 = arith.constant 0 : i32
    return %arg0, %c0_i32 : i32, i32
  }
  func.func @transform_17(%arg0: i32) -> (i32, i32) {
    %c0_i32 = arith.constant 0 : i32
    %c0_i32_0 = arith.constant 0 : i32
    return %arg0, %c0_i32 : i32, i32
  }
}

module attributes {stable_mosaic.version = 14 : i64} {
  func.func @_fin_body(%arg0: i32, %arg1: memref<2x1000x144xf32, #tpu.memory_space<vmem>>, %arg2: memref<1000x128xf32, #tpu.memory_space<vmem>>, %arg3: memref<1000x128xf32, #tpu.memory_space<vmem>>) attributes {dimension_semantics = [#tpu.dimension_semantics<arbitrary>], iteration_bounds = array<i64: 10>, scalar_prefetch = 0 : i64, scratch_operands = 0 : i64, tpu.core_type = #tpu.core_type<tc>, window_params = [{transform_indices = @transform_0, window_bounds = array<i64: 2, 1000, 144>}, {transform_indices = @transform_1, window_bounds = array<i64: 1000, 128>}, {transform_indices = @transform_2, window_bounds = array<i64: 1000, 128>}]} {
    %get3A = arith.constant 0 : index
    %get3A_0 = arith.constant 0 : index
    %get3A_1 = arith.constant 0 : index
    %get3A_2 = vector.load %arg1[%get3A, %get3A_0, %get3A_1] : memref<2x1000x144xf32, #tpu.memory_space<vmem>>, vector<1x1000x144xf32>
    %get3A_3 = vector.shape_cast %get3A_2 : vector<1x1000x144xf32> to vector<1000x144xf32>
    %slice3A = vector.extract_strided_slice %get3A_3 {offsets = [0, 0], sizes = [1000, 128], strides = [1, 1]} : vector<1000x144xf32> to vector<1000x128xf32>
    %get3A_4 = arith.constant 1 : index
    %get3A_5 = arith.constant 0 : index
    %get3A_6 = arith.constant 0 : index
    %get3A_7 = vector.load %arg1[%get3A_4, %get3A_5, %get3A_6] : memref<2x1000x144xf32, #tpu.memory_space<vmem>>, vector<1x1000x144xf32>
    %get3A_8 = vector.shape_cast %get3A_7 : vector<1x1000x144xf32> to vector<1000x144xf32>
    %slice3A_9 = vector.extract_strided_slice %get3A_8 {offsets = [0, 0], sizes = [1000, 128], strides = [1, 1]} : vector<1000x144xf32> to vector<1000x128xf32>
    %add3A = arith.addf %slice3A, %slice3A_9 : vector<1000x128xf32>
    %get3A_10 = arith.constant 0 : index
    %get3A_11 = arith.constant 0 : index
    %get3A_12 = arith.constant 0 : index
    %get3A_13 = vector.load %arg1[%get3A_10, %get3A_11, %get3A_12] : memref<2x1000x144xf32, #tpu.memory_space<vmem>>, vector<1x1000x144xf32>
    %get3A_14 = vector.shape_cast %get3A_13 : vector<1x1000x144xf32> to vector<1000x144xf32>
    %slice3A_15 = vector.extract_strided_slice %get3A_14 {offsets = [0, 128], sizes = [1000, 16], strides = [1, 1]} : vector<1000x144xf32> to vector<1000x16xf32>
    %get3A_16 = arith.constant 1 : index
    %get3A_17 = arith.constant 0 : index
    %get3A_18 = arith.constant 0 : index
    %get3A_19 = vector.load %arg1[%get3A_16, %get3A_17, %get3A_18] : memref<2x1000x144xf32, #tpu.memory_space<vmem>>, vector<1x1000x144xf32>
    %get3A_20 = vector.shape_cast %get3A_19 : vector<1x1000x144xf32> to vector<1000x144xf32>
    %slice3A_21 = vector.extract_strided_slice %get3A_20 {offsets = [0, 128], sizes = [1000, 16], strides = [1, 1]} : vector<1000x144xf32> to vector<1000x16xf32>
    %add3A_22 = arith.addf %slice3A_15, %slice3A_21 : vector<1000x16xf32>
    %reduce_max3A = arith.constant dense<0xFF800000> : vector<1000xf32>
    %reduce_max3A_23 = vector.multi_reduction <maximumf>, %add3A_22, %reduce_max3A [1] : vector<1000x16xf32> to vector<1000xf32>
    %broadcast_in_dim3A = vector.shape_cast %reduce_max3A_23 : vector<1000xf32> to vector<1000x1xf32>
    %get3A_24 = arith.constant 0 : index
    %get3A_25 = arith.constant 0 : index
    %get3A_26 = vector.load %arg2[%get3A_24, %get3A_25] : memref<1000x128xf32, #tpu.memory_space<vmem>>, vector<1000x128xf32>
    %gt3A = arith.constant 0.000000e+00 : f32
    %gt3A_27 = vector.broadcast %gt3A : f32 to vector<1000x1xf32>
    %gt3A_28 = arith.cmpf ogt, %broadcast_in_dim3A, %gt3A_27 : vector<1000x1xf32>
    %max3A = arith.constant 1.000000e+00 : f32
    %max3A_29 = vector.broadcast %max3A : f32 to vector<1000x1xf32>
    %max3A_30 = arith.maximumf %broadcast_in_dim3A, %max3A_29 : vector<1000x1xf32>
    %div3A = vector.broadcast %max3A_30 : vector<1000x1xf32> to vector<1000x128xf32>
    %div3A_31 = arith.divf %add3A, %div3A : vector<1000x128xf32>
    %broadcast_in_dim3A_32 = vector.shape_cast %gt3A_28 : vector<1000x1xi1> to vector<1000x1xi1>
    %broadcast_in_dim3A_33 = vector.broadcast %broadcast_in_dim3A_32 : vector<1000x1xi1> to vector<1000x128xi1>
    %select_n3A = arith.select %broadcast_in_dim3A_33, %div3A_31, %get3A_26 : vector<1000x128xi1>, vector<1000x128xf32>
    %mul3A = arith.mulf %select_n3A, %select_n3A : vector<1000x128xf32>
    %reduce_sum3A = arith.constant dense<0.000000e+00> : vector<1000xf32>
    %reduce_sum3A_34 = vector.multi_reduction <add>, %mul3A, %reduce_sum3A [1] : vector<1000x128xf32> to vector<1000xf32>
    %broadcast_in_dim3A_35 = vector.shape_cast %reduce_sum3A_34 : vector<1000xf32> to vector<1000x1xf32>
    %sqrt3A = math.sqrt %broadcast_in_dim3A_35 : vector<1000x1xf32>
    %max3A_36 = arith.constant 9.99999996E-13 : f32
    %max3A_37 = vector.broadcast %max3A_36 : f32 to vector<1000x1xf32>
    %max3A_38 = arith.maximumf %sqrt3A, %max3A_37 : vector<1000x1xf32>
    %div3A_39 = vector.broadcast %max3A_38 : vector<1000x1xf32> to vector<1000x128xf32>
    %div3A_40 = arith.divf %select_n3A, %div3A_39 : vector<1000x128xf32>
    %swap3A = arith.constant 0 : index
    %swap3A_41 = arith.constant 0 : index
    %swap3A_42 = vector.load %arg3[%swap3A, %swap3A_41] : memref<1000x128xf32, #tpu.memory_space<vmem>>, vector<1000x128xf32>
    tpu.vector_store %arg3[%swap3A, %swap3A_41], %div3A_40 {strides = array<i32>} : memref<1000x128xf32, #tpu.memory_space<vmem>>, vector<1000x128xf32>,
    return
  }
  func.func @transform_0(%arg0: i32) -> (i32, i32, i32) {
    %c0_i32 = arith.constant 0 : i32
    %c0_i32_0 = arith.constant 0 : i32
    %c0_i32_1 = arith.constant 0 : i32
    return %c0_i32, %arg0, %c0_i32_0 : i32, i32, i32
  }
  func.func @transform_1(%arg0: i32) -> (i32, i32) {
    %c0_i32 = arith.constant 0 : i32
    %c0_i32_0 = arith.constant 0 : i32
    return %arg0, %c0_i32 : i32, i32
  }
  func.func @transform_2(%arg0: i32) -> (i32, i32) {
    %c0_i32 = arith.constant 0 : i32
    %c0_i32_0 = arith.constant 0 : i32
    return %arg0, %c0_i32 : i32, i32
  }
}

</mosaic_0001>

<sc_bundles>
// kernel: kernel.5.cloned.1.call-start
scs
__scs_entry_jumppad:
0x0: {  	(pc) =	sbr.rel $0x88, $3  }
0x1: {  	(tag) =	ssettag $0x0;
	lr =	simm.s32 $0x1  }
0x2: {  	[smem:$0x3F92] =	sst lr;
	_ =	strace $0xD0000000  }
0x3: {  	_ = 	snop  }
0x4: {  	_ = 	snop  }
0x5: {  	_ = 	snop  }
0x6: {  	_ = 	snop  }
0x7: {  	_ = 	snop  }
__scs_overlays_trampoline_lowered:
0x8: {  	[smem:$0x3FA1] =	sst s0  }
0x9: {  	[smem:$0x3FA2] =	sst s1  }
0xa: {  	[smem:$0x3FA3] =	sst s2  }
0xb: {  	[smem:$0x3FA4] =	sst s3  }
0xc: {  	[smem:$0x3FA5] =	sst s4  }
0xd: {  	[smem:$0x3FA6] =	sst s5  }
0xe: {  	[smem:$0x3FA7] =	sst s6  }
0xf: {  	[smem:$0x3FA8] =	sst s7  }
0x10: {  	[smem:$0x3FA9] =	sst s8  }
0x11: {  	[smem:$0x3FAA] =	sst s9;
	s0 =	simm.s32 @!p0 $0x0  }
0x12: {  	s1 =	sld [smem:$0x3F90];
	s0 =	simm.s32 @p0 $0x1  }
0x13: {  	[smem:$0x3FAB] =	sst s0;
	s0 =	simm.s32 @!p1 $0x0  }
0x14: {  	s2 =	sld [smem:$0x3F8F];
	s0 =	simm.s32 @p1 $0x1  }
0x15: {  	[smem:$0x3FAC] =	sst s0;
	s0 =	simm.s32 @!p2 $0x0  }
0x16: {  	s3 =	sld [smem:$0x3FDB];
	s0 =	simm.s32 @p2 $0x1  }
0x17: {  	s4 =	simm.s32 $0x1BF5;
	[smem:$0x3FAE] =	sst s0  }
0x18: {  	s0 =	sld [smem:$0x3F91];
	_ =	swait.ge [sflag:s4], $0x0  }
0x19: {  	s7 =	sld [smem:$0x3F92]  }
0x1a: {  	s8 =	sadd.s32 $0xFFFFE003, lr  }
0x1b: {  	s9 =	sadd.s32 $0xFFFFFEF7, lr;
	s5 =	simm.s32 $0xFFFFFFFF;
	p2 =	slt.u32 s8, $0xFFFFF086  }
0x1c: {  	p1 =	slt.u32 s9, $0xF7A;
	s5 =	simm.s32 @!p2 $0x0  }
0x1d: {  	s5 =	simm.s32 @p1 $0x1;
	p0 =	seq.s32 s7, s2  }
0x1e: {  	s7 =	smul.u32 @!p0 $0xF7A, s2;
	p2 =	seq.s32 @!p0 s5, $0x0  }
0x1f: {  	s9 =	smul.u32 $0xF7A, s1;
	s8 =	simm.s32 @!p0 $0x1BF5;
	p2 =	por !p2, p0  }
0x20: {  	[sflag:s8] =	ssyncset.s32 @!p0 $0xFFFFF086;
	s6 =	sadd.s32 @!p0 s3, s7;
	s7 =	simm.s32 @!p0 $0x108  }
0x21: {  	s3 =	sadd.s32 s3, s9;
	s6 =	sadd.s32 @!p0 $0x88, s6;
	s7 =	simm.s32 @p2 $0x1082  }
0x22: {  	[simem:s7], [sflag:s8] =	dma.local @!p0 [hbm:s6], $0xF7A  }
0x23: {  	s9 =	sor.u32 $0xD0000000, s2;
	s6 =	simm.s32 $0x108;
	_ =	swait.ge @!p0 [sflag:s8], $0x0  }
0x24: {  	s3 =	sadd.s32 $0x88, s3;
	s6 =	simm.s32 @!p1 $0x1082;
	[sflag:s4] =	ssyncset.s32 $0xFFFFF086  }
0x25: {  	[simem:s6], [sflag:s4] =	dma.local [hbm:s3], $0xF7A  }
0x26: {  	[smem:$0x3F92] =	sst s1;
	(tag) =	ssettag s2;
	_ =	strace s9  }
0x27: {  	s1 =	sld [smem:$0x3FA2]  }
0x28: {  	s2 =	sld [smem:$0x3FA3]  }
0x29: {  	s4 =	sld [smem:$0x3FA5]  }
0x2a: {  	p0 =	seq.s32 s5, $0x0;
	s5 =	sld [smem:$0x3FA6]  }
0x2b: {  	s6 =	sld [smem:$0x3FA7]  }
0x2c: {  	s7 =	sld [smem:$0x3FA8]  }
0x2d: {  	s3 =	simm.s32 $0x108;
	s8 =	sld [smem:$0x3FA9]  }
0x2e: {  	s3 =	simm.s32 @!p0 $0x1082;
	s9 =	sld [smem:$0x3FAA]  }
0x2f: {  	lr =	sadd.s32 s0, s3;
	s0 =	sld [smem:$0x3FA1]  }
0x30: {  	s3 =	sld [smem:$0x3FA4]  }
0x31: {  	[smem:$0x3FAD] =	sst s10  }
0x32: {  	s10 =	sld [smem:$0x3FAB];
	_ =	sdelay $0x3  }
0x33: {  	p0 =	seq.s32 s10, $0x1;
	s10 =	sld [smem:$0x3FAD];
	_ =	sdelay $0x3  }
0x34: {  	[smem:$0x3FAD] =	sst s10  }
0x35: {  	s10 =	sld [smem:$0x3FAC];
	_ =	sdelay $0x3  }
0x36: {  	p1 =	seq.s32 s10, $0x1;
	s10 =	sld [smem:$0x3FAD];
	_ =	sdelay $0x3  }
0x37: {  	[smem:$0x3FAD] =	sst s10  }
0x38: {  	s10 =	sld [smem:$0x3FAE]  }
0x39: {  	_ = 	snop;
	(pc) =	sbr.ind lr, $3  }
0x3a: {  	_ = 	snop  }
0x3b: {  	_ = 	snop  }
0x3c: {  	p2 =	seq.s32 s10, $0x1;
	s10 =	sld [smem:$0x3FAD]  }
0x3d: {  	_ =	shalt  }
0x3e: {  	_ =	shalt  }
0x3f: {  	_ =	shalt  }
0x40: {  	_ =	shalt  }
0x41: {  	_ =	shalt  }
0x42: {  	_ =	shalt  }
0x43: {  	_ =	shalt  }
0x44: {  	_ =	shalt  }
0x45: {  	_ =	shalt  }
0x46: {  	_ =	shalt  }
0x47: {  	_ =	shalt  }
0x48: {  	_ =	shalt  }
0x49: {  	_ =	shalt  }
0x4a: {  	_ =	shalt  }
0x4b: {  	_ =	shalt  }
0x4c: {  	_ =	shalt  }
0x4d: {  	_ =	shalt  }
0x4e: {  	_ =	shalt  }
0x4f: {  	_ =	shalt  }
0x50: {  	_ =	shalt  }
0x51: {  	_ =	shalt  }
0x52: {  	_ =	shalt  }
0x53: {  	_ =	shalt  }
0x54: {  	_ =	shalt  }
0x55: {  	_ =	shalt  }
0x56: {  	_ =	shalt  }
0x57: {  	_ =	shalt  }
0x58: {  	_ =	shalt  }
0x59: {  	_ =	shalt  }
0x5a: {  	_ =	shalt  }
0x5b: {  	_ =	shalt  }
0x5c: {  	_ =	shalt  }
0x5d: {  	_ =	shalt  }
0x5e: {  	_ =	shalt  }
0x5f: {  	_ =	shalt  }
0x60: {  	_ =	shalt  }
0x61: {  	_ =	shalt  }
0x62: {  	_ =	shalt  }
0x63: {  	_ =	shalt  }
0x64: {  	_ =	shalt  }
0x65: {  	_ =	shalt  }
0x66: {  	_ =	shalt  }
0x67: {  	_ =	shalt  }
0x68: {  	_ =	shalt  }
0x69: {  	_ =	shalt  }
0x6a: {  	_ =	shalt  }
0x6b: {  	_ =	shalt  }
0x6c: {  	_ =	shalt  }
0x6d: {  	_ =	shalt  }
0x6e: {  	_ =	shalt  }
0x6f: {  	_ =	shalt  }
0x70: {  	_ =	shalt  }
0x71: {  	_ =	shalt  }
0x72: {  	_ =	shalt  }
0x73: {  	_ =	shalt  }
0x74: {  	_ =	shalt  }
0x75: {  	_ =	shalt  }
0x76: {  	_ =	shalt  }
0x77: {  	_ =	shalt  }
0x78: {  	_ =	shalt  }
0x79: {  	_ =	shalt  }
0x7a: {  	_ =	shalt  }
0x7b: {  	_ =	shalt  }
0x7c: {  	_ =	shalt  }
0x7d: {  	_ =	shalt  }
0x7e: {  	_ =	shalt  }
0x7f: {  	_ =	shalt  }
0x80: {  	_ =	shalt  }
0x81: {  	_ =	shalt  }
0x82: {  	_ =	shalt  }
0x83: {  	_ =	shalt  }
0x84: {  	_ =	shalt  }
0x85: {  	_ =	shalt  }
0x86: {  	_ =	shalt  }
0x87: {  	_ =	shalt  }
.Lfunc_end0:
.L_simem_size_0:
called_computation_lowered:
.L_overlay_start_0:
0x88: {  	s2 =	sld [smem:$0x3FD9]  }
0x89: {  	s3 =	sld [smem:$0x3FFE];
	_ =	sdelay $0x1  }
0x8a: {  	s1 =	srdreg.scid  }
0x8b: {  	s0 =	sand.u32 $0x1, s1  }
0x8c: {  	s17 =	sshll.u32 s0, $0xA;
	s2 =	sadd.s32 s3, s2  }
0x8d: {  	s2 =	sadd.s32 s2, s17  }
0x8e: {  	[smem:$0x3FB9] =	sst s2  }
0x8f: {  	_ = 	snop  }
0x90: {  	s2 =	sld [smem:$0x3FD0];
	(tm) =	ssettm $0x1  }
0x91: {  	s18 =	sld [smem:$0x3FFB];
	_ =	sdelay $0x3  }
0x92: {  	_ =	strace s18  }
0x93: {  	s3 =	sld [smem:$0x3FFC];
	_ =	sdelay $0x3  }
0x94: {  	_ =	strace s3  }
0x95: {  	s3 =	sld [smem:$0x3FFD];
	_ =	sdelay $0x3  }
0x96: {  	_ =	strace s3  }
0x97: {  	_ =	strace $0x8FFFFFFF  }
0x98: {  	s19 =	sld [smem:$0x3FDB];
	_ =	sdelay $0x1  }
0x99: {  	s4 =	simm.s32 $_scs_section_size  }
0x9a: {  	s5 =	simm.s32 $_size__tile_overlayer_lowered;
	s6 =	simm.s32 $_tile_overlayer_lowered  }
0x9b: {  	s22 =	simm.s32 $0x1BFF;
	s21 =	sshll.u32 s6, $0x1;
	s3 =	sadd.s32 s4, s19  }
0x9c: {  	s7 =	simm.s32 $0x0;
	s20 =	sshll.u32 s5, $0x1;
	s5 =	sadd.s32 s21, s3  }
0x9d: {  	[timem:s7], [sflag:s22] =	dma.local [hbm:s5], s20  }
0x9e: {  	_ =	swait.ge [sflag:s22], s20  }
0x9f: {  	s4 =	ssub.s32 $0x0, s20;
	[sflag:s22] =	ssyncset.done $0x0  }
0xa0: {  	[sflag:s22] =	ssyncadd.s32 s4;
	_ =	sdelay $0x1  }
0xa1: {  	s23 =	simm.s32 $0x1B8B  }
0xa2: {  	_ =	swait.ge [sflag:s23], $0x1  }
0xa3: {  	[sflag:s23] =	ssyncset.done $0x0  }
0xa4: {  	s25 =	simm.s32 $0x1B8E;
	s24 =	sld [smem:$0x3FFE];
	[sflag:s23] =	ssyncadd.s32 $0xFFFFFFFF  }
0xa5: {  	s26 =	simm.s32 $execute0_lowered;
	[smem:$0x3FD2] =	sst s25  }
0xa6: {  	s5 =	sshll.u32 s26, $0x1;
	_ =	strace $0x80000046;
	[dreg:$0x1] =	wrdreg $0xFFFFFFFF  }
0xa7: {  	s28 =	simm.s32 $_size_execute0_lowered;
	s3 =	sadd.s32 s3, s5;
	[dreg:$0x0] =	wrdreg $0x0  }
0xa8: {  	s5 =	sshll.u32 s28, $0x1;
	[dreg:$0x2] =	wrdreg s3  }
0xa9: {  	[dreg:$0x3] =	wrdreg s5  }
0xaa: {  	[dreg:$0x4] =	wrdreg $0xC0  }
0xab: {  	_ =	task [dreg:s7], $0x5FFFF  }
0xac: {  	[dreg:$0x1] =	wrdreg $0xFFFFFFFF  }
0xad: {  	[dreg:$0x0] =	wrdreg $0x60  }
0xae: {  	[dreg:$0x2] =	wrdreg s24  }
0xaf: {  	[dreg:$0x3] =	wrdreg s2  }
0xb0: {  	[dreg:$0x4] =	wrdreg $0x9F700  }
0xb1: {  	[dreg:$0x5] =	wrdreg $0x9  }
0xb2: {  	_ =	task.clear_ibuf [dreg:s7], $0x6FFFF;
	_ =	strace $0x90000046  }
0xb3: {  	s29 =	simm.s32 $0x9;
	_ =	strace $0x80000048  }
0xb4: {  	_ =	swait.ge [sflag:s29], $0x1  }
0xb5: {  	[sflag:s29] =	ssyncadd.s32 $0xFFFFFFFF  }
0xb6: {  	_ =	strace $0x90000048  }
0xb7: {  	_ =	sfence  }
0xb8: {  	s30 =	sld [smem:$0x0];
	_ =	sdelay $0x2  }
0xb9: {  	s31 =	sshll.u32 s1, $0xD;
	s1 =	sshrl.u32 s1, $0x2  }
0xba: {  	s3 =	sand.u32 $0x4000, s31;
	s1 =	sadd.s32 s1, s30  }
0xbb: {  	s0 =	sor.u32 s3, s0;
	s1 =	sshll.u32 s1, $0x11  }
0xbc: {  	s0 =	sor.u32 s1, s0  }
0xbd: {  	s0 =	sadd.s32 $0x8F2B, s0  }
0xbe: {  	[sflag:s0] =	ssyncadd.remote.s32 $0x1  }
0xbf: {  	_ =	sfence.sel $0xFFFF  }
0xc0: {  	[dreg:$0x0] =	wrdreg $0xFFFFFFFF;
	(pc) =	sbr.abs _section_cstart, $3  }
0xc1: {  	[dreg:$0x1] =	wrdreg $0xFFFFFFFF  }
0xc2: {  	_ =	task.clear_ibuf [dreg:s7], $0x2FFFF;
	_ =	strace $0x9FFFFFFF  }
0xc3: {  	(tm) =	ssettm $0x7FFFFFFF  }
tec
execute0_lowered:
.L_overlay_start_1:
0x0: {  	(tag) =	ssettag $0x1  }
0x1: {  	s0 =	rddreg [dreg:$0x0]  }
0x2: {  	s1 =	rddreg [dreg:$0x1]  }
0x3: {  	s3 =	rddreg [dreg:$0x2];
	s4 =	simm.s32 $0x0;
	s12 =	stileid.u32  }
0x4: {  	s2 =	srdreg.scid;
	s13 =	simm.s32 $0x8;
	s14 =	simm.s32 $0x38A0  }
0x5: {  	s15 =	simm.s32 $0x7620;
	s16 =	simm.s32 $0x10;
	s17 =	simm.s32 $0x18  }
0x6: {  	s18 =	simm.s32 $0x20;
	s19 =	simm.s32 $0x28;
	s20 =	simm.s32 $0x2420  }
0x7: {  	s21 =	simm.s32 $0x61A0;
	s22 =	simm.s32 $0xFA0;
	s23 =	simm.s32 $0x4D20  }
0x8: {  	s28 =	simm.s32 $0x0;
	[smem:$0x7FF] =	sst s4;
	s7 =	smul.u32 $0x15F90, s12  }
0x9: {  	s2 =	sand.u32 $0x1, s2;
	s5 =	sadd.s32 $0xC00, s0;
	s6 =	sadd.s32 $0x1D5800, s0  }
0xa: {  	s10 =	sshll.u32 s12, $0x1;
	s26 =	smul.u32 $0x57E40, s12;
	s12 =	simm.s32 $0x6  }
0xb: {  	_ =	strace $0x80000047;
	p0 =	seq.s32 s2, $0x1;
	s25 =	ssub.s32 $0x2, s2  }
0xc: {  	s2 =	sor.u32 s2, s10;
	s8 =	sadd.s32 $0x15F900, s7;
	s9 =	sadd.s32 s7, s3  }
0xd: {  	s11 =	sshrl.u32 s25, $0x1;
	s30 =	sshrl.u32 s26, $0x2;
	s7 =	smov.u32 @p0 s8  }
0xe: {  	s8 =	ssub.s32 s25, s11;
	s31 =	sshrl.u32 s9, $0x3;
	s7 =	sshrl.u32 s7, $0x3  }
0xf: {  	s29 =	smax.u32 s8, $0x1;
	[dreg:$0x6] =	wrdreg s31;
	s0 =	sadd.s32 s7, s0  }
0x10: {  	s10 =	sadd.s32 s30, s3;
	[dreg:$0x4] =	wrdreg s29;
	s0 =	sadd.s32 $0x29DC00, s0  }
0x11: {  	v0 =	vimm.f32 $0.0e+00;
	v1 =	vimm.f32 $1.000000000e+00;
	s11 =	simm.s32 $0x9CA0;
	s7 =	smul.u32 $0x4E2, s2;
	[dreg:$0x5] =	wrdreg s0  }
.LBB2_1:
0x12: {  	[tilespmem:$0x9CA0] =	vst v0  }
0x13: {  	[tilespmem:$0x9CB0] =	vst v0  }
0x14: {  	[tilespmem:$0x9CC0] =	vst v0  }
0x15: {  	[tilespmem:$0x9CD0] =	vst v0  }
0x16: {  	[tilespmem:$0x9CE0] =	vst v0  }
0x17: {  	[tilespmem:$0x9CF0] =	vst v0  }
0x18: {  	[tilespmem:$0x9D00] =	vst v0  }
0x19: {  	[tilespmem:$0x9D10] =	vst v0  }
0x1a: {  	[tilespmem:$0x9D20] =	vst v0  }
0x1b: {  	[tilespmem:$0x9D30] =	vst v0  }
0x1c: {  	[tilespmem:$0x9D40] =	vst v0  }
0x1d: {  	[tilespmem:$0x9D50] =	vst v0  }
0x1e: {  	[tilespmem:$0x9D60] =	vst v0  }
0x1f: {  	[tilespmem:$0x9D70] =	vst v0  }
0x20: {  	[tilespmem:$0x9D80] =	vst v0  }
0x21: {  	[tilespmem:$0x9D90] =	vst v0  }
0x22: {  	[tilespmem:$0x9DA0] =	vst v0  }
0x23: {  	[tilespmem:$0x9DB0] =	vst v0  }
0x24: {  	[tilespmem:$0x9DC0] =	vst v0  }
0x25: {  	[tilespmem:$0x9DD0] =	vst v0  }
0x26: {  	[tilespmem:$0x9DE0] =	vst v0  }
0x27: {  	[tilespmem:$0x9DF0] =	vst v0  }
0x28: {  	[tilespmem:$0x9E00] =	vst v0  }
0x29: {  	[tilespmem:$0x9E10] =	vst v0  }
0x2a: {  	[tilespmem:$0x9E20] =	vst v0  }
0x2b: {  	[tilespmem:$0x9E30] =	vst v0  }
0x2c: {  	[tilespmem:$0x9E40] =	vst v0  }
0x2d: {  	[tilespmem:$0x9E50] =	vst v0  }
0x2e: {  	[tilespmem:$0x9E60] =	vst v0  }
0x2f: {  	[tilespmem:$0x9E70] =	vst v0  }
0x30: {  	[tilespmem:$0x9E80] =	vst v0  }
0x31: {  	[tilespmem:$0x9E90] =	vst v0  }
0x32: {  	[tilespmem:$0x9EA0] =	vst v0  }
0x33: {  	[tilespmem:$0x9EB0] =	vst v0  }
0x34: {  	[tilespmem:$0x9EC0] =	vst v0  }
0x35: {  	[tilespmem:$0x9ED0] =	vst v0  }
0x36: {  	[tilespmem:$0x9EE0] =	vst v0  }
0x37: {  	[tilespmem:$0x9EF0] =	vst v0  }
0x38: {  	[tilespmem:$0x9F00] =	vst v0  }
0x39: {  	[tilespmem:$0x9F10] =	vst v0  }
0x3a: {  	[tilespmem:$0x9F20] =	vst v0  }
0x3b: {  	[tilespmem:$0x9F30] =	vst v0  }
0x3c: {  	[tilespmem:$0x9F40] =	vst v0  }
0x3d: {  	[tilespmem:$0x9F50] =	vst v0  }
0x3e: {  	[tilespmem:$0x9F60] =	vst v0;
	s0 =	sadd.s32 $0x0, s10  }
0x3f: {  	[spmem:s0] =	stream.linear.scatter [tilespmem:s11], [sflag:$0x6], $0x2D0, $0x38;
	[tilespmem:$0x1FF00] =	vst v63  }
0x40: {  	s0 =	simm.s32 $0xB40;
	_ =	swait.ge [sflag:s12], $0x2D0  }
.LBB2_2:
0x41: {  	s2 =	sshra.s32 s0, $0x2;
	[sflag:s12] =	ssyncset.done $0x0;
	p0 =	sne.s32 s0, $0x57300  }
.Ltmp0:
0x42: {  	s2 =	sadd.s32 s2, s10;
	[sflag:s12] =	ssyncadd.s32 $0xFFFFFD30;
	(pc) =	sbr.rel @p0 .LBB2_2-.Ltmp0, $3  }
0x43: {  	[spmem:s2] =	stream.linear.scatter [tilespmem:s11], [sflag:$0x6], $0x2D0, $0x38;
	[tilespmem:$0x1FF00] =	vst v63  }
0x44: {  	s0 =	sadd.s32 $0xB40, s0;
	_ =	sdelay $0x1  }
0x45: {  	_ =	swait.ge [sflag:s12], $0x2D0  }
0x46: {  	[sflag:s12] =	ssyncset.done $0x0  }
0x47: {  	s29 =	simm.s32 $0x0;
	[sflag:s12] =	ssyncadd.s32 $0xFFFFFD30  }
0x48: {  	s30 =	simm.s32 $0x0;
	s31 =	simm.s32 $0x0;
	[bflag:$0x0] =	sbarrier.arrive $0xFFFF  }
.LBB2_4:
0x49: {  	s0 =	sand.u32 $0xFFFE, s31  }
0x4a: {  	s0 =	sshrl.u32 s0, $0x1  }
0x4b: {  	s0 =	smul.u32 $0x8313, s0;
	_ =	sdelay $0x1  }
0x4c: {  	s0 =	sshrl.u32 s0, $0x16  }
0x4d: {  	s0 =	smul.u32 $0xFA, s0;
	_ =	sdelay $0x1  }
0x4e: {  	s0 =	ssub.s32 s31, s0  }
0x4f: {  	s0 =	sand.u32 $0xFFFF, s0  }
0x50: {  	s2 =	smul.u32 $0xAAAB, s31;
	p0 =	sne.s32 s0, $0x0  }
.Ltmp1:
0x51: {  	_ = 	snop;
	(pc) =	sbr.rel @!p0 .LBB2_5-.Ltmp1, $3  }
0x52: {  	s2 =	sshrl.u32 s2, $0x11  }
0x53: {  	s2 =	smul.u32 $0x3, s2;
	_ =	sdelay $0x1  }
0x54: {  	s2 =	ssub.s32 s31, s2  }
0x55: {  	p0 =	sgt.u32 s0, $0xF7  }
.Ltmp2:
0x56: {  	_ = 	snop;
	(pc) =	sbr.rel @p0 .LBB2_18-.Ltmp2, $1  }
0x57: {  	_ =	sdelay $0x3  }
0x58: {  	s8 =	sadd.s32 $0x2, s31  }
0x59: {  	s9 =	sand.u32 $0xFFFF, s8  }
0x5a: {  	s9 =	smul.u32 $0xAAAB, s9;
	_ =	sdelay $0x1  }
0x5b: {  	s9 =	sshrl.u32 s9, $0x11  }
0x5c: {  	s9 =	smul.u32 $0x3, s9;
	_ =	sdelay $0x1  }
0x5d: {  	s8 =	ssub.s32 s8, s9  }
0x5e: {  	s24 =	sand.u32 $0xFFFF, s8  }
0x5f: {  	p0 =	seq.s32 s24, $0x2  }
.Ltmp3:
0x60: {  	_ = 	snop;
	(pc) =	sbr.rel @p0 .LBB2_17-.Ltmp3, $3  }
0x61: {  	_ =	sdelay $0x1  }
0x62: {  	s26 =	sshll.u32 s0, $0x4  }
0x63: {  	s9 =	sadd.s32 $0x20, s26;
	s8 =	sadd.s32 $0x28, s26  }
0x64: {  	p0 =	seq.s32 s24, $0x1  }
0x65: {  	[tilespmem:s20], [sflag:$0x2] =	stream.indirect.gather @p0 [hbm4b:s5+s13], $0x290, s9, s13, $0xb8;
	[tilespmem:$0x1FF00] =	vst v63  }
0x66: {  	_ = 	snop  }
0x67: {  	[tilespmem:s21], [sflag:$0x2] =	stream.indirect.gather @p0 [hbm4b:s6+s13], $0x290, s8, s13, $0xb8;
	[tilespmem:$0x1FF00] =	vst v63  }
.Ltmp4:
0x68: {  	_ = 	snop;
	(pc) =	sbr.rel .LBB2_18-.Ltmp4, $4  }
0x69: {  	_ = 	snop  }
0x6a: {  	[tilespmem:s22], [sflag:$0x1] =	stream.indirect.gather @!p0 [hbm4b:s5+s13], $0x290, s9, s13, $0xb8;
	[tilespmem:$0x1FF00] =	vst v63  }
0x6b: {  	_ = 	snop  }
0x6c: {  	[tilespmem:s23], [sflag:$0x1] =	stream.indirect.gather @!p0 [hbm4b:s6+s13], $0x290, s8, s13, $0xb8;
	[tilespmem:$0x1FF00] =	vst v63  }
.LBB2_5:
0x6d: {  	p0 =	slt.u32 s31, $0x2  }
0x6e: {  	s8 =	simm.s32 @!p0 $0x4  }
0x6f: {  	_ =	swait.ge @!p0 [sflag:s8], $0x900  }
0x70: {  	[sflag:s8] =	ssyncset.done @!p0 $0x0  }
0x71: {  	[sflag:s8] =	ssyncadd.s32 @!p0 $0xFFFFF700;
	s8 =	simm.s32 @!p0 $0x5  }
0x72: {  	_ =	swait.ge @!p0 [sflag:s8], $0x900  }
0x73: {  	s9 =	sadd.s32 s7, s31;
	[sflag:s8] =	ssyncset.done @!p0 $0x0  }
0x74: {  	s9 =	sshll.u32 s9, $0x1;
	[sflag:s8] =	ssyncadd.s32 @!p0 $0xFFFFF700;
	s8 =	sand.u32 $0xFFFF, s2  }
0x75: {  	s9 =	sand.u32 $0x1FFFFFFC, s9;
	p0 =	seq.s32 s8, $0x2  }
.Ltmp5:
0x76: {  	s26 =	sadd.s32 s1, s9;
	(pc) =	sbr.rel @p0 .LBB2_7-.Ltmp5, $4  }
0x77: {  	[tilespmem:s4], [sflag:$0x6] =	stream.linear.gather [hbm4b:s26+s4], $0xFA0, $0x38;
	[tilespmem:$0x1FF00] =	vst v63  }
0x78: {  	_ =	swait.ge [sflag:s12], $0xFA0  }
0x79: {  	[sflag:s12] =	ssyncset.done $0x0  }
0x7a: {  	[sflag:s12] =	ssyncadd.s32 $0xFFFFF060  }
0x7b: {  	p0 =	seq.s32 s8, $0x1  }
0x7c: {  	[tilespmem:s20], [sflag:$0x2] =	stream.indirect.gather @p0 [hbm4b:s5+s13], $0x290, s4, s13, $0xb8;
	[tilespmem:$0x1FF00] =	vst v63  }
0x7d: {  	_ = 	snop  }
0x7e: {  	[tilespmem:s21], [sflag:$0x2] =	stream.indirect.gather @p0 [hbm4b:s6+s13], $0x290, s13, s13, $0xb8;
	[tilespmem:$0x1FF00] =	vst v63  }
.Ltmp6:
0x7f: {  	_ = 	snop;
	(pc) =	sbr.rel .LBB2_8-.Ltmp6, $4  }
0x80: {  	_ = 	snop  }
0x81: {  	[tilespmem:s22], [sflag:$0x1] =	stream.indirect.gather @!p0 [hbm4b:s5+s13], $0x290, s4, s13, $0xb8;
	[tilespmem:$0x1FF00] =	vst v63  }
0x82: {  	_ = 	snop  }
0x83: {  	[tilespmem:s23], [sflag:$0x1] =	stream.indirect.gather @!p0 [hbm4b:s6+s13], $0x290, s13, s13, $0xb8;
	[tilespmem:$0x1FF00] =	vst v63  }
.LBB2_7:
0x84: {  	[tilespmem:s14], [sflag:$0x3] =	stream.indirect.gather [hbm4b:s5+s13], $0x290, s4, s13, $0xb8;
	[tilespmem:$0x1FF00] =	vst v63  }
0x85: {  	_ = 	snop  }
0x86: {  	[tilespmem:s15], [sflag:$0x3] =	stream.indirect.gather [hbm4b:s6+s13], $0x290, s13, s13, $0xb8;
	[tilespmem:$0x1FF00] =	vst v63  }
.LBB2_8:
0x87: {  	s8 =	sadd.s32 $0x1, s31  }
0x88: {  	s9 =	sand.u32 $0xFFFF, s8  }
0x89: {  	s9 =	smul.u32 $0xAAAB, s9;
	_ =	sdelay $0x1  }
0x8a: {  	s9 =	sshrl.u32 s9, $0x11  }
0x8b: {  	s9 =	smul.u32 $0x3, s9;
	_ =	sdelay $0x1  }
0x8c: {  	s8 =	ssub.s32 s8, s9  }
0x8d: {  	s8 =	sand.u32 $0xFFFF, s8  }
0x8e: {  	p0 =	seq.s32 s8, $0x2  }
.Ltmp7:
0x8f: {  	_ = 	snop;
	(pc) =	sbr.rel @p0 .LBB2_10-.Ltmp7, $1  }
0x90: {  	_ =	sdelay $0x3  }
0x91: {  	p0 =	seq.s32 s8, $0x1  }
0x92: {  	[tilespmem:s20], [sflag:$0x2] =	stream.indirect.gather @p0 [hbm4b:s5+s13], $0x290, s16, s13, $0xb8;
	[tilespmem:$0x1FF00] =	vst v63  }
0x93: {  	_ = 	snop  }
0x94: {  	[tilespmem:s21], [sflag:$0x2] =	stream.indirect.gather @p0 [hbm4b:s6+s13], $0x290, s17, s13, $0xb8;
	[tilespmem:$0x1FF00] =	vst v63  }
.Ltmp8:
0x95: {  	_ = 	snop;
	(pc) =	sbr.rel .LBB2_11-.Ltmp8, $4  }
0x96: {  	_ = 	snop  }
0x97: {  	[tilespmem:s22], [sflag:$0x1] =	stream.indirect.gather @!p0 [hbm4b:s5+s13], $0x290, s16, s13, $0xb8;
	[tilespmem:$0x1FF00] =	vst v63  }
0x98: {  	_ = 	snop  }
0x99: {  	[tilespmem:s23], [sflag:$0x1] =	stream.indirect.gather @!p0 [hbm4b:s6+s13], $0x290, s17, s13, $0xb8;
	[tilespmem:$0x1FF00] =	vst v63  }
.LBB2_10:
0x9a: {  	[tilespmem:s14], [sflag:$0x3] =	stream.indirect.gather [hbm4b:s5+s13], $0x290, s16, s13, $0xb8;
	[tilespmem:$0x1FF00] =	vst v63  }
0x9b: {  	_ = 	snop  }
0x9c: {  	[tilespmem:s15], [sflag:$0x3] =	stream.indirect.gather [hbm4b:s6+s13], $0x290, s17, s13, $0xb8;
	[tilespmem:$0x1FF00] =	vst v63  }
.LBB2_11:
0x9d: {  	s8 =	sadd.s32 $0x2, s31  }
0x9e: {  	s9 =	sand.u32 $0xFFFF, s8  }
0x9f: {  	s9 =	smul.u32 $0xAAAB, s9;
	_ =	sdelay $0x1  }
0xa0: {  	s9 =	sshrl.u32 s9, $0x11  }
0xa1: {  	s9 =	smul.u32 $0x3, s9;
	_ =	sdelay $0x1  }
0xa2: {  	s8 =	ssub.s32 s8, s9  }
0xa3: {  	s8 =	sand.u32 $0xFFFF, s8  }
0xa4: {  	p0 =	seq.s32 s8, $0x2  }
.Ltmp9:
0xa5: {  	_ = 	snop;
	(pc) =	sbr.rel @p0 .LBB2_13-.Ltmp9, $1  }
0xa6: {  	_ =	sdelay $0x3  }
0xa7: {  	p0 =	seq.s32 s8, $0x1  }
0xa8: {  	[tilespmem:s20], [sflag:$0x2] =	stream.indirect.gather @p0 [hbm4b:s5+s13], $0x290, s18, s13, $0xb8;
	[tilespmem:$0x1FF00] =	vst v63  }
0xa9: {  	_ = 	snop  }
0xaa: {  	[tilespmem:s21], [sflag:$0x2] =	stream.indirect.gather @p0 [hbm4b:s6+s13], $0x290, s19, s13, $0xb8;
	[tilespmem:$0x1FF00] =	vst v63  }
.Ltmp10:
0xab: {  	_ = 	snop;
	(pc) =	sbr.rel .LBB2_18-.Ltmp10, $4  }
0xac: {  	_ = 	snop  }
0xad: {  	[tilespmem:s22], [sflag:$0x1] =	stream.indirect.gather @!p0 [hbm4b:s5+s13], $0x290, s18, s13, $0xb8;
	[tilespmem:$0x1FF00] =	vst v63  }
0xae: {  	_ = 	snop  }
0xaf: {  	[tilespmem:s23], [sflag:$0x1] =	stream.indirect.gather @!p0 [hbm4b:s6+s13], $0x290, s19, s13, $0xb8;
	[tilespmem:$0x1FF00] =	vst v63  }
.LBB2_13:
.Ltmp11:
0xb0: {  	(pc) =	sbr.rel .LBB2_18-.Ltmp11, $4  }
0xb1: {  	_ = 	snop  }
0xb2: {  	[tilespmem:s14], [sflag:$0x3] =	stream.indirect.gather [hbm4b:s5+s13], $0x290, s18, s13, $0xb8;
	[tilespmem:$0x1FF00] =	vst v63  }
0xb3: {  	_ = 	snop  }
0xb4: {  	[tilespmem:s15], [sflag:$0x3] =	stream.indirect.gather [hbm4b:s6+s13], $0x290, s19, s13, $0xb8;
	[tilespmem:$0x1FF00] =	vst v63  }
.LBB2_17:
0xb5: {  	[tilespmem:s14], [sflag:$0x3] =	stream.indirect.gather [hbm4b:s5+s13], $0x290, s9, s13, $0xb8;
	[tilespmem:$0x1FF00] =	vst v63  }
0xb6: {  	_ = 	snop  }
0xb7: {  	[tilespmem:s15], [sflag:$0x3] =	stream.indirect.gather [hbm4b:s6+s13], $0x290, s8, s13, $0xb8;
	[tilespmem:$0x1FF00] =	vst v63  }
.LBB2_18:
0xb8: {  	s2 =	sand.u32 $0xFFFF, s2  }
0xb9: {  	p0 =	seq.s32 s2, $0x0  }
0xba: {  	p1 =	seq.s32 @!p0 s2, $0x2  }
0xbb: {  	p1 =	por !p1, p0  }
0xbc: {  	s2 =	simm.s32 @!p1 $0x3  }
0xbd: {  	s2 =	simm.s32 @p1 $0x2  }
0xbe: {  	s8 =	sand.u32 $0xFFFF, s29;
	s2 =	simm.s32 @p0 $0x1  }
0xbf: {  	s8 =	smul.u32 $0xAAAB, s8;
	_ =	swait.ge [sflag:s2], $0x1480  }
0xc0: {  	p0 =	slt.u32 s0, $0x2;
	[sflag:s2] =	ssyncset.done $0x0  }
0xc1: {  	s8 =	sshrl.u32 s8, $0x11;
	s9 =	sand.u32 @!p0 $0x1, s31;
	[sflag:s2] =	ssyncadd.s32 $0xFFFFEB80  }
0xc2: {  	s8 =	smul.u32 $0x3D80, s8;
	p1 =	seq.s32 @!p0 s9, $0x1;
	_ =	swait.ge [sflag:s2], $0x1480  }
0xc3: {  	s9 =	simm.s32 @!p0 $0x5;
	p1 =	por !p1, p0;
	[sflag:s2] =	ssyncset.done $0x0  }
0xc4: {  	s9 =	simm.s32 @p1 $0x4;
	[sflag:s2] =	ssyncadd.s32 $0xFFFFEB80  }
0xc5: {  	s24 =	ssub.s32 s30, s8;
	_ =	swait.ge @!p0 [sflag:s9], $0x900  }
0xc6: {  	s8 =	sand.u32 $0xFFFF, s24;
	[sflag:s9] =	ssyncset.done @!p0 $0x0  }
0xc7: {  	s2 =	sadd.s32 $0x4E60, s8;
	[sflag:s9] =	ssyncadd.s32 @!p0 $0xFFFFF700  }
0xc8: {  	s8 =	sadd.s32 $0x10E0, s8;
	v2 =	vld [tilespmem:s2+$0xFFFFFF50]  }
0xc9: {  	v3 =	vld [tilespmem:s8+$0xFFFFFF50]  }
0xca: {  	v5 =	vld [tilespmem:s2+$0xFFFFFF40]  }
0xcb: {  	v6 =	vld [tilespmem:s8+$0xFFFFFF40]  }
0xcc: {  	v7 =	vld [tilespmem:s2+$0xFFFFFF60]  }
0xcd: {  	v8 =	vld [tilespmem:s8+$0xFFFFFF60]  }
0xce: {  	v4 =	vld [tilespmem:s2+$0xFFFFFFF0];
	v2 =	vadd.f32 v2, v3  }
0xcf: {  	v9 =	vld [tilespmem:s8+$0xFFFFFF70]  }
0xd0: {  	v3 =	vld [tilespmem:s2+$0xFFFFFF70];
	v5 =	vadd.f32 v5, v6;
	v2 =	vsub.f32 $0.0e+00, v2  }
0xd1: {  	v10 =	vld [tilespmem:s2+$0xFFFFFF80]  }
0xd2: {  	v7 =	vadd.f32 v7, v8;
	v8 =	vld [tilespmem:s8+$0xFFFFFF80];
	v5 =	vsub.f32 $0.0e+00, v5;
	v2 =	vmul.f32 $1.442695020e+00, v2  }
0xd3: {  	v11 =	vld [tilespmem:s2+$0xFFFFFFE0]  }
0xd4: {  	v12 =	vld [tilespmem:s8+$0xFFFFFF90];
	(erf) = vpow2.f32 v2;
	v2 =	vmul.f32 $1.442695020e+00, v5  }
0xd5: {  	v3 =	vadd.f32 v3, v9;
	v5 =	vsub.f32 $0.0e+00, v7;
	v7 =	vld [tilespmem:s2+$0xFFFFFF90]  }
0xd6: {  	v13 =	vld [tilespmem:s8+$0xFFFFFEE0];
	(erf) = vpow2.f32 v2  }
0xd7: {  	v8 =	vadd.f32 v10, v8;
	v10 =	vld [tilespmem:s8+$0xFFFFFFA0];
	v3 =	vsub.f32 $0.0e+00, v3;
	v5 =	vmul.f32 $1.442695020e+00, v5  }
0xd8: {  	v2 =	vld [tilespmem:s2+$0xFFFFFFA0]  }
0xd9: {  	v3 =	vmul.f32 $1.442695020e+00, v3;
	(erf) = vpow2.f32 v5;
	v5 =	vld [tilespmem:s2+$0xFFFFFFB0]  }
0xda: {  	v7 =	vadd.f32 v7, v12;
	v12 =	vld [tilespmem:s8+$0xFFFFFFB0]  }
0xdb: {  	v15 =	vld [tilespmem:s2+$0xFFFFFFD0];
	v8 =	vsub.f32 $0.0e+00, v8;
	(erf) = vpow2.f32 v3  }
0xdc: {  	v17 =	vld [tilespmem:s8+$0xFFFFFFE0]  }
0xdd: {  	v6 =	vld [tilespmem:s8+$0xFFFFFFF0];
	v8 =	vmul.f32 $1.442695020e+00, v8;
	v7 =	vsub.f32 $0.0e+00, v7;
	v14 =	vpop (erf)  }
0xde: {  	v9 =	vld [tilespmem:s2+$0xFFFFFFC0];
	v2 =	vadd.f32 v2, v10;
	v10 =	vadd.f32 $1.000000000e+00, v14  }
0xdf: {  	v3 =	vld [tilespmem:s8+$0xFFFFFFC0];
	(erf) = vpow2.f32 v8;
	v7 =	vmul.f32 $1.442695020e+00, v7;
	v5 =	vadd.f32 v5, v12;
	v12 =	vpop (erf)  }
0xe0: {  	v8 =	vld [tilespmem:s8+$0xFFFFFFD0];
	v2 =	vsub.f32 $0.0e+00, v2;
	(erf) = vrcp.f32 v10;
	v12 =	vadd.f32 $1.000000000e+00, v12  }
0xe1: {  	v10 =	vld [tilespmem:s2+$0x140];
	(erf) = vpow2.f32 v7  }
0xe2: {  	v14 =	vld [tilespmem:s8+$0xFFFFFED0];
	v2 =	vmul.f32 $1.442695020e+00, v2;
	v5 =	vsub.f32 $0.0e+00, v5;
	v16 =	vpop (erf)  }
0xe3: {  	v7 =	vld [tilespmem:s8+$0xFFFFFEC0];
	v16 =	vadd.f32 $1.000000000e+00, v16;
	(erf) = vrcp.f32 v12  }
0xe4: {  	v5 =	vmul.f32 $1.442695020e+00, v5;
	(erf) = vpow2.f32 v2;
	v12 =	vpop (erf)  }
0xe5: {  	v2 =	vld [tilespmem:s8+$0xFFFFFEF0];
	(erf) = vrcp.f32 v16;
	v12 =	vadd.f32 $1.000000000e+00, v12  }
0xe6: {  	v34 =	vld [tilespmem:s8+$0xFFFFFF20];
	v8 =	vadd.f32 v15, v8;
	(erf) = vpow2.f32 v5;
	v15 =	vmul.f32 v13, v10  }
0xe7: {  	v35 =	vld [tilespmem:s2+$0x0];
	v11 =	vadd.f32 v11, v17;
	v33 =	vmul.f32 v14, v10  }
0xe8: {  	v20 =	vld [tilespmem:s8+$0x0];
	v4 =	vadd.f32 v4, v6;
	v3 =	vadd.f32 v9, v3;
	v9 =	vmul.f32 v7, v10;
	v19 =	vpop (erf)  }
0xe9: {  	v6 =	vld [tilespmem:s8+$0xFFFFFF10];
	v19 =	vadd.f32 $1.000000000e+00, v19;
	(erf) = vrcp.f32 v12;
	v8 =	vadd.f32 v8, v33;
	v12 =	vpop (erf)  }
0xea: {  	v18 =	vld [tilespmem:s2+$0x10];
	v11 =	vadd.f32 v11, v15;
	v3 =	vadd.f32 v3, v9;
	v9 =	vmul.f32 v2, v10;
	v15 =	vpop (erf)  }
0xeb: {  	v22 =	vld [tilespmem:s8+$0xFFFFFF00];
	v8 =	vmax.f32 v8, $0.0e+00;
	(erf) = vrcp.f32 v19;
	v15 =	vadd.f32 $1.000000000e+00, v15  }
0xec: {  	v3 =	vmax.f32 v3, $0.0e+00;
	v8 =	vmul.f32 v12, v8;
	v4 =	vadd.f32 v4, v9;
	v9 =	vld [tilespmem:s8+$0x10];
	v12 =	vpop (erf)  }
0xed: {  	v38 =	vld [tilespmem:s8+$0xFFFFFF30];
	v16 =	vadd.f32 v35, v20;
	v3 =	vmul.f32 v12, v3;
	v12 =	vpop (erf);
	(erf) = vrcp.f32 v15  }
0xee: {  	v21 =	vmul.f32 v6, v10;
	v36 =	vmul.f32 v34, v10;
	v12 =	vadd.f32 $1.000000000e+00, v12;
	v23 =	vpop (erf)  }
0xef: {  	v11 =	vmax.f32 v11, $0.0e+00;
	v8 =	vadd.f32 v8, v14;
	v14 =	vld [tilespmem:s8+$0x20];
	v3 =	vadd.f32 v3, v7;
	v7 =	vpop (erf)  }
0xf0: {  	v15 =	vld [tilespmem:s2+$0x20];
	v11 =	vmul.f32 v23, v11;
	v7 =	vadd.f32 $1.000000000e+00, v7;
	(erf) = vrcp.f32 v12  }
0xf1: {  	v24 =	vld [tilespmem:s8+$0x30];
	v4 =	vmax.f32 v4, $0.0e+00;
	v12 =	vmul.f32 v22, v10;
	v9 =	vadd.f32 v18, v9  }
0xf2: {  	v5 =	vld [tilespmem:s2+$0x30];
	v10 =	vmul.f32 v38, v10;
	v11 =	vadd.f32 v11, v13;
	v13 =	vpop (erf);
	(erf) = vrcp.f32 v7  }
0xf3: {  	v37 =	vmul.f32 v3, v3;
	v4 =	vmul.f32 v13, v4;
	v12 =	vadd.f32 v16, v12  }
0xf4: {  	v7 =	vmul.f32 v8, v8;
	v9 =	vadd.f32 v9, v21;
	v13 =	vmul.f32 v11, v11  }
0xf5: {  	v39 =	vpop (erf);
	v4 =	vadd.f32 v4, v2;
	v2 =	vadd.f32 v15, v14;
	v12 =	vmax.f32 v12, $0.0e+00  }
0xf6: {  	v7 =	vadd.f32 v7, v37;
	v9 =	vmax.f32 v9, $0.0e+00;
	v12 =	vmul.f32 v39, v12;
	v14 =	vpop (erf)  }
0xf7: {  	v5 =	vadd.f32 v5, v24;
	v2 =	vadd.f32 v2, v36;
	v9 =	vmul.f32 v14, v9  }
0xf8: {  	v7 =	vadd.f32 v13, v7;
	v12 =	vadd.f32 v12, v22;
	v14 =	vmul.f32 v4, v4  }
0xf9: {  	v5 =	vadd.f32 v5, v10;
	v2 =	vmax.f32 v2, $0.0e+00;
	v10 =	vpop (erf);
	v6 =	vadd.f32 v9, v6  }
0xfa: {  	v9 =	vmul.f32 v12, v12;
	v2 =	vmul.f32 v10, v2;
	v7 =	vadd.f32 v14, v7  }
0xfb: {  	v5 =	vmax.f32 v5, $0.0e+00;
	v13 =	vpop (erf);
	v10 =	vmul.f32 v6, v6  }
0xfc: {  	v14 =	vadd.f32 v2, v34;
	v2 =	vadd.f32 v9, v7;
	v5 =	vmul.f32 v13, v5;
	_ =	sdelay $0x1  }
0xfd: {  	v2 =	vadd.f32 v10, v2;
	v7 =	vmul.f32 v14, v14;
	v9 =	vadd.f32 v5, v38;
	_ =	sdelay $0x1  }
0xfe: {  	v2 =	vadd.f32 v7, v2;
	v5 =	vmul.f32 v9, v9;
	_ =	sdelay $0x1  }
0xff: {  	v2 =	vadd.f32 v5, v2;
	_ =	sdelay $0x1  }
0x100: {  	(xrf2) =	vadd.scan.msk.f32 $0xffff, v2;
	_ =	sdelay $0x9  }
0x101: {  	v2, _, _ =	vpop (xrf2)  }
0x102: {  	(v2sf) =	vpush v2, $0xF;
	_ =	sdelay $0xe  }
0x103: {  	s25 =	spop (v2sf)  }
0x104: {  	s9 =	smax.f32 s25, $1.000000020e-24  }
0x105: {  	v2 =	vmov s9  }
0x106: {  	v5 =	vshra.s32 v2, $0x1;
	v2 =	vmul.f32 $5.000000000e-01, v2  }
0x107: {  	v5 =	vsub.s32 $0x5F3759DF, v5  }
0x108: {  	v7 =	vmul.f32 v5, v2;
	_ =	sdelay $0x1  }
0x109: {  	v7 =	vmul.f32 v5, v7;
	_ =	sdelay $0x1  }
0x10a: {  	v7 =	vsub.f32 $1.500000000e+00, v7;
	_ =	sdelay $0x1  }
0x10b: {  	v5 =	vmul.f32 v5, v7;
	_ =	sdelay $0x1  }
0x10c: {  	v2 =	vmul.f32 v5, v2;
	_ =	sdelay $0x1  }
0x10d: {  	s26 =	sand.u32 $0x1, s31;
	v2 =	vmul.f32 v2, v5  }
0x10e: {  	p0 =	seq.s32 s26, $0x1;
	s9 =	simm.s32 $0x93A0  }
0x10f: {  	s9 =	simm.s32 @!p0 $0x8AA0;
	v7 =	vsub.f32 $1.500000000e+00, v2  }
0x110: {  	v2 =	vmov s9  }
0x111: {  	v7 =	vmul.f32 v7, v5;
	_ =	sdelay $0x1  }
0x112: {  	v3 =	vmul.f32 v7, v3  }
0x113: {  	s24 =	simm.s32 $0x0;
	v8 =	vmul.f32 v7, v8  }
0x114: {  	v5 =	vld [tilespmem:s8+$0x140];
	v10 =	vmul.f32 v7, v11;
	[tilespmem:v2+s24+$0x0 ss:$0x1] =	vst.idx.msk $0xffff, v3  }
0x115: {  	v3 =	vmul.f32 v7, v4;
	[tilespmem:v2+s24+$0x10 ss:$0x1] =	vst.idx.msk $0xffff, v8  }
0x116: {  	v4 =	vmul.f32 v7, v12;
	[tilespmem:v2+s24+$0x20 ss:$0x1] =	vst.idx.msk $0xffff, v10  }
0x117: {  	v6 =	vmul.f32 v7, v6;
	[tilespmem:v2+s24+$0x30 ss:$0x1] =	vst.idx.msk $0xffff, v3  }
0x118: {  	v3 =	vmul.f32 v7, v14;
	[tilespmem:v2+s24+$0x40 ss:$0x1] =	vst.idx.msk $0xffff, v4  }
0x119: {  	v4 =	vmul.f32 v7, v9;
	[tilespmem:v2+s24+$0x50 ss:$0x1] =	vst.idx.msk $0xffff, v6  }
0x11a: {  	[tilespmem:v2+s24+$0x60 ss:$0x1] =	vst.idx.msk $0xffff, v3  }
0x11b: {  	[tilespmem:v2+s24+$0x70 ss:$0x1] =	vst.idx.msk $0xffff, v4  }
0x11c: {  	[tilespmem:v2+s24+$0x80 ss:$0x1] =	vst.idx.msk $0xffff, v1  }
0x11d: {  	v3 =	vld [tilespmem:s8+$0x40]  }
0x11e: {  	v4 =	vld [tilespmem:s2+$0x40];
	_ =	sdelay $0x1  }
0x11f: {  	v6 =	vld [tilespmem:s2+$0x50]  }
0x120: {  	v7 =	vld [tilespmem:s8+$0x50]  }
0x121: {  	v8 =	vld [tilespmem:s8+$0x60]  }
0x122: {  	v9 =	vld [tilespmem:s2+$0x70];
	v3 =	vadd.f32 v4, v3  }
0x123: {  	v10 =	vld [tilespmem:s8+$0x70]  }
0x124: {  	v4 =	vld [tilespmem:s2+$0x60];
	v3 =	vsub.f32 $0.0e+00, v3;
	_ =	sdelay $0x1  }
0x125: {  	v11 =	vld [tilespmem:s8+$0x90];
	v6 =	vadd.f32 v6, v7;
	v3 =	vmul.f32 $1.442695020e+00, v3  }
0x126: {  	v12 =	vld [tilespmem:s2+$0xA0]  }
0x127: {  	v7 =	vld [tilespmem:s2+$0x80];
	(erf) = vpow2.f32 v3;
	v3 =	vsub.f32 $0.0e+00, v6  }
0x128: {  	v9 =	vadd.f32 v9, v10;
	v10 =	vld [tilespmem:s8+$0xA0];
	v4 =	vadd.f32 v4, v8  }
0x129: {  	v6 =	vld [tilespmem:s8+$0x80];
	v3 =	vmul.f32 $1.442695020e+00, v3  }
0x12a: {  	v8 =	vld [tilespmem:s2+$0x90];
	v4 =	vsub.f32 $0.0e+00, v4  }
0x12b: {  	(erf) = vpow2.f32 v3  }
0x12c: {  	v4 =	vmul.f32 $1.442695020e+00, v4  }
0x12d: {  	v10 =	vadd.f32 v12, v10  }
0x12e: {  	v3 =	vsub.f32 $0.0e+00, v9;
	(erf) = vpow2.f32 v4;
	v4 =	vadd.f32 v7, v6;
	v6 =	vld [tilespmem:s2+$0xB0]  }
0x12f: {  	v7 =	vadd.f32 v8, v11;
	v8 =	vld [tilespmem:s8+$0xB0]  }
0x130: {  	v13 =	vld [tilespmem:s8+$0xD0];
	v10 =	vsub.f32 $0.0e+00, v10;
	v3 =	vmul.f32 $1.442695020e+00, v3;
	v4 =	vsub.f32 $0.0e+00, v4;
	v9 =	vpop (erf)  }
0x131: {  	v12 =	vld [tilespmem:s2+$0xFFFFFEC0];
	v7 =	vsub.f32 $0.0e+00, v7;
	v9 =	vadd.f32 $1.000000000e+00, v9  }
0x132: {  	v11 =	vld [tilespmem:s2+$0xC0];
	(erf) = vpow2.f32 v3;
	v4 =	vmul.f32 $1.442695020e+00, v4  }
0x133: {  	v3 =	vld [tilespmem:s8+$0xC0];
	v7 =	vmul.f32 $1.442695020e+00, v7;
	(erf) = vrcp.f32 v9  }
0x134: {  	v15 =	vld [tilespmem:s2+$0xFFFFFEE0];
	(erf) = vpow2.f32 v4;
	v4 =	vadd.f32 v6, v8;
	v8 =	vmul.f32 $1.442695020e+00, v10;
	v10 =	vpop (erf)  }
0x135: {  	v41 =	vld [tilespmem:s2+$0x100];
	(erf) = vpow2.f32 v7;
	v7 =	vadd.f32 $1.000000000e+00, v10  }
0x136: {  	v10 =	vld [tilespmem:s2+$0xD0];
	(erf) = vpow2.f32 v8  }
0x137: {  	v14 =	vpop (erf);
	v4 =	vsub.f32 $0.0e+00, v4;
	v8 =	vld [tilespmem:s2+$0xFFFFFED0];
	(erf) = vrcp.f32 v7;
	v7 =	vmul.f32 v12, v5  }
0x138: {  	v42 =	vld [tilespmem:s8+$0x100];
	v3 =	vadd.f32 v11, v3;
	v14 =	vadd.f32 $1.000000000e+00, v14  }
0x139: {  	v43 =	vld [tilespmem:s2+$0x110];
	v4 =	vmul.f32 $1.442695020e+00, v4  }
0x13a: {  	v46 =	vld [tilespmem:s2+$0xFFFFFF00];
	(erf) = vrcp.f32 v14;
	v3 =	vadd.f32 v3, v7  }
0x13b: {  	v6 =	vld [tilespmem:s2+$0xE0];
	v10 =	vadd.f32 v10, v13;
	v7 =	vpop (erf);
	(erf) = vpow2.f32 v4  }
0x13c: {  	v11 =	vld [tilespmem:s8+$0xE0];
	v3 =	vmax.f32 v3, $0.0e+00;
	v13 =	vmul.f32 v8, v5;
	v4 =	vadd.f32 $1.000000000e+00, v7  }
0x13d: {  	v9 =	vld [tilespmem:s2+$0xF0]  }
0x13e: {  	v40 =	vpop (erf);
	v10 =	vadd.f32 v10, v13;
	v13 =	vld [tilespmem:s8+$0x110]  }
0x13f: {  	v14 =	vld [tilespmem:s8+$0xF0];
	v16 =	vmul.f32 v40, v3;
	v3 =	vpop (erf)  }
0x140: {  	v7 =	vld [tilespmem:s2+$0xFFFFFEF0];
	(erf) = vrcp.f32 v4;
	v3 =	vadd.f32 $1.000000000e+00, v3;
	v4 =	vpop (erf)  }
0x141: {  	v56 =	vmul.f32 v46, v5;
	v6 =	vadd.f32 v6, v11;
	v4 =	vadd.f32 $1.000000000e+00, v4  }
0x142: {  	v11 =	vmul.f32 v15, v5;
	v44 =	vpop (erf);
	(erf) = vrcp.f32 v3;
	v3 =	vmax.f32 v10, $0.0e+00  }
0x143: {  	v10 =	vld [tilespmem:s2+$0xFFFFFF10];
	v20 =	vadd.f32 $1.000000000e+00, v44;
	v45 =	vpop (erf);
	v13 =	vadd.f32 v43, v13;
	(erf) = vrcp.f32 v4  }
0x144: {  	v48 =	vld [tilespmem:s8+$0x120];
	v3 =	vmul.f32 v45, v3;
	v4 =	vadd.f32 v6, v11;
	v6 =	vadd.f32 v9, v14  }
0x145: {  	v51 =	vld [tilespmem:s2+$0x130];
	v11 =	vmul.f32 v7, v5;
	v14 =	vadd.f32 v41, v42;
	v47 =	vpop (erf);
	(erf) = vrcp.f32 v20  }
0x146: {  	v9 =	vld [tilespmem:s2+$0x120];
	v49 =	vpop (erf);
	v3 =	vadd.f32 v3, v8;
	v8 =	vmax.f32 v4, $0.0e+00;
	v4 =	vadd.f32 v16, v12  }
0x147: {  	v12 =	vld [tilespmem:s2+$0xFFFFFF20];
	v50 =	vadd.f32 $1.000000000e+00, v49;
	v11 =	vadd.f32 v6, v11;
	v8 =	vmul.f32 v47, v8  }
0x148: {  	v54 =	vld [tilespmem:s8+$0x130];
	v14 =	vadd.f32 v14, v56;
	v53 =	vmul.f32 v10, v5;
	v52 =	vmul.f32 v3, v3  }
0x149: {  	v55 =	vmul.f32 v4, v4;
	(erf) = vrcp.f32 v50;
	v6 =	vadd.f32 v8, v15;
	v15 =	vld [tilespmem:s2+$0xFFFFFF30]  }
0x14a: {  	v11 =	vmax.f32 v11, $0.0e+00;
	v14 =	vmax.f32 v14, $0.0e+00;
	v8 =	vadd.f32 v13, v53;
	v13 =	vpop (erf)  }
0x14b: {  	v9 =	vadd.f32 v9, v48;
	v57 =	vadd.f32 v52, v55;
	v11 =	vmul.f32 v13, v11;
	v58 =	vpop (erf)  }
0x14c: {  	v59 =	vmul.f32 v6, v6;
	v8 =	vmax.f32 v8, $0.0e+00;
	v60 =	vmul.f32 v12, v5;
	v13 =	vpop (erf)  }
0x14d: {  	v7 =	vadd.f32 v11, v7;
	v13 =	vmul.f32 v13, v8;
	v8 =	vmul.f32 v58, v14  }
0x14e: {  	v9 =	vadd.f32 v9, v60;
	v11 =	vmul.f32 v15, v5;
	v14 =	vadd.f32 v51, v54  }
0x14f: {  	v16 =	vadd.f32 v59, v57;
	v61 =	vmul.f32 v7, v7;
	v8 =	vadd.f32 v8, v46  }
0x150: {  	v62 =	vpop (erf);
	v9 =	vmax.f32 v9, $0.0e+00;
	v5 =	vadd.f32 v13, v10;
	v10 =	vadd.f32 v14, v11  }
0x151: {  	v11 =	vadd.f32 v61, v16;
	v9 =	vmul.f32 v62, v9;
	v13 =	vmul.f32 v8, v8  }
0x152: {  	v63 =	vpop (erf);
	v14 =	vmul.f32 v5, v5;
	v10 =	vmax.f32 v10, $0.0e+00  }
0x153: {  	v9 =	vadd.f32 v9, v12;
	v10 =	vmul.f32 v63, v10;
	v11 =	vadd.f32 v13, v11;
	_ =	sdelay $0x1  }
0x154: {  	v12 =	vmul.f32 v9, v9;
	v10 =	vadd.f32 v10, v15;
	v11 =	vadd.f32 v14, v11;
	_ =	sdelay $0x1  }
0x155: {  	v11 =	vadd.f32 v12, v11;
	v12 =	vmul.f32 v10, v10;
	_ =	sdelay $0x1  }
0x156: {  	v11 =	vadd.f32 v12, v11;
	_ =	sdelay $0x1  }
0x157: {  	(xrf2) =	vadd.scan.msk.f32 $0xffff, v11;
	_ =	sdelay $0x9  }
0x158: {  	v11, _, _ =	vpop (xrf2)  }
0x159: {  	(v2sf) =	vpush v11, $0xF;
	_ =	sdelay $0xe  }
0x15a: {  	s25 =	spop (v2sf)  }
0x15b: {  	s25 =	smax.f32 s25, $1.000000020e-24  }
0x15c: {  	v11 =	vmov s25  }
0x15d: {  	v12 =	vshra.s32 v11, $0x1;
	v11 =	vmul.f32 $5.000000000e-01, v11  }
0x15e: {  	v12 =	vsub.s32 $0x5F3759DF, v12  }
0x15f: {  	v13 =	vmul.f32 v12, v11;
	_ =	sdelay $0x1  }
0x160: {  	v13 =	vmul.f32 v12, v13;
	_ =	sdelay $0x1  }
0x161: {  	s25 =	simm.s32 $0x240;
	v13 =	vsub.f32 $1.500000000e+00, v13  }
.LBB2_19:
0x162: {  	_ = 	snop  }
0x163: {  	p1 =	sne.s32 s25, $0xFC0;
	s8 =	sadd.s32 $0x290, s8;
	s2 =	sadd.s32 $0x290, s2;
	v12 =	vmul.f32 v12, v13  }
0x164: {  	s26 =	smov.u32 s25;
	s25 =	sadd.s32 $0x240, s25  }
0x165: {  	v11 =	vmul.f32 v12, v11;
	_ =	sdelay $0x1  }
0x166: {  	v11 =	vmul.f32 v11, v12;
	_ =	sdelay $0x1  }
0x167: {  	v11 =	vsub.f32 $1.500000000e+00, v11;
	_ =	sdelay $0x1  }
0x168: {  	v11 =	vmul.f32 v11, v12;
	_ =	sdelay $0x1  }
0x169: {  	v4 =	vmul.f32 v11, v4;
	v3 =	vmul.f32 v11, v3  }
0x16a: {  	v6 =	vmul.f32 v11, v6;
	v7 =	vmul.f32 v11, v7  }
0x16b: {  	v5 =	vmul.f32 v11, v5;
	[tilespmem:v2+s24+$0x480 ss:$0x1] =	vst.idx.msk $0xffff, v4;
	v4 =	vmul.f32 v11, v8  }
0x16c: {  	v8 =	vmul.f32 v11, v10;
	[tilespmem:v2+s24+$0x490 ss:$0x1] =	vst.idx.msk $0xffff, v3;
	v3 =	vmul.f32 v11, v9  }
0x16d: {  	[tilespmem:v2+s24+$0x4A0 ss:$0x1] =	vst.idx.msk $0xffff, v6  }
0x16e: {  	[tilespmem:v2+s24+$0x4B0 ss:$0x1] =	vst.idx.msk $0xffff, v7  }
0x16f: {  	[tilespmem:v2+s24+$0x4C0 ss:$0x1] =	vst.idx.msk $0xffff, v4  }
0x170: {  	[tilespmem:v2+s24+$0x4D0 ss:$0x1] =	vst.idx.msk $0xffff, v5  }
0x171: {  	[tilespmem:v2+s24+$0x4E0 ss:$0x1] =	vst.idx.msk $0xffff, v3  }
0x172: {  	[tilespmem:v2+s24+$0x4F0 ss:$0x1] =	vst.idx.msk $0xffff, v8  }
0x173: {  	[tilespmem:v2+s24+$0x500 ss:$0x1] =	vst.idx.msk $0xffff, v1  }
0x174: {  	v3 =	vld [tilespmem:s2+$0x30]  }
0x175: {  	v4 =	vld [tilespmem:s2+$0x10]  }
0x176: {  	v5 =	vld [tilespmem:s2+$0xFFFFFFF0]  }
0x177: {  	v6 =	vld [tilespmem:s2+$0xFFFFFF50]  }
0x178: {  	v7 =	vld [tilespmem:s8+$0xFFFFFF50]  }
0x179: {  	v8 =	vld [tilespmem:s2+$0xFFFFFF40]  }
0x17a: {  	v9 =	vld [tilespmem:s8+$0xFFFFFF40]  }
0x17b: {  	v10 =	vld [tilespmem:s2+$0xFFFFFF60]  }
0x17c: {  	v11 =	vld [tilespmem:s8+$0xFFFFFF60]  }
0x17d: {  	v6 =	vadd.f32 v6, v7;
	v7 =	vld [tilespmem:s2+$0xFFFFFF70]  }
0x17e: {  	v12 =	vld [tilespmem:s8+$0xFFFFFF70]  }
0x17f: {  	v8 =	vadd.f32 v8, v9;
	v6 =	vsub.f32 $0.0e+00, v6;
	v9 =	vld [tilespmem:s8+$0xFFFFFFF0]  }
0x180: {  	v13 =	vld [tilespmem:s2+$0xFFFFFF80]  }
0x181: {  	v8 =	vsub.f32 $0.0e+00, v8;
	v6 =	vmul.f32 $1.442695020e+00, v6;
	v10 =	vadd.f32 v10, v11;
	v11 =	vld [tilespmem:s8+$0xFFFFFF80]  }
0x182: {  	v14 =	vld [tilespmem:s2+$0xFFFFFFE0]  }
0x183: {  	v8 =	vmul.f32 $1.442695020e+00, v8;
	v10 =	vsub.f32 $0.0e+00, v10;
	v15 =	vld [tilespmem:s2+$0xFFFFFF90];
	(erf) = vpow2.f32 v6  }
0x184: {  	v6 =	vadd.f32 v7, v12;
	v7 =	vld [tilespmem:s8+$0xFFFFFF90]  }
0x185: {  	v12 =	vld [tilespmem:s2+$0xFFFFFFC0];
	v10 =	vmul.f32 $1.442695020e+00, v10;
	(erf) = vpow2.f32 v8  }
0x186: {  	v6 =	vsub.f32 $0.0e+00, v6;
	v8 =	vadd.f32 v13, v11;
	v11 =	vld [tilespmem:s2+$0xFFFFFFA0]  }
0x187: {  	v13 =	vld [tilespmem:s8+$0xFFFFFFA0];
	(erf) = vpow2.f32 v10  }
0x188: {  	v6 =	vmul.f32 $1.442695020e+00, v6;
	v8 =	vsub.f32 $0.0e+00, v8;
	v10 =	vld [tilespmem:s2+$0xFFFFFFB0]  }
0x189: {  	v7 =	vadd.f32 v15, v7;
	v15 =	vld [tilespmem:s8+$0xFFFFFFB0]  }
0x18a: {  	v16 =	vld [tilespmem:s8+$0xFFFFFEE0];
	v8 =	vmul.f32 $1.442695020e+00, v8;
	(erf) = vpow2.f32 v6  }
0x18b: {  	v6 =	vld [tilespmem:s8+$0xFFFFFFC0];
	v7 =	vsub.f32 $0.0e+00, v7  }
0x18c: {  	v17 =	vld [tilespmem:s2+$0xFFFFFFD0];
	v11 =	vadd.f32 v11, v13;
	v13 =	vpop (erf);
	(erf) = vpow2.f32 v8  }
0x18d: {  	v8 =	vadd.f32 $1.000000000e+00, v13;
	v13 =	vld [tilespmem:s8+$0xFFFFFFD0];
	v7 =	vmul.f32 $1.442695020e+00, v7  }
0x18e: {  	v18 =	vld [tilespmem:s8+$0xFFFFFED0];
	v11 =	vsub.f32 $0.0e+00, v11;
	v10 =	vadd.f32 v10, v15;
	v15 =	vpop (erf)  }
0x18f: {  	v19 =	vld [tilespmem:s2+$0x140];
	v15 =	vadd.f32 $1.000000000e+00, v15;
	(erf) = vrcp.f32 v8  }
0x190: {  	v8 =	vld [tilespmem:s8+$0xFFFFFEC0];
	v11 =	vmul.f32 $1.442695020e+00, v11;
	v10 =	vsub.f32 $0.0e+00, v10;
	v20 =	vpop (erf);
	(erf) = vpow2.f32 v7  }
0x191: {  	v21 =	vadd.f32 $1.000000000e+00, v20;
	v20 =	vld [tilespmem:s8+$0xFFFFFFE0];
	(erf) = vrcp.f32 v15  }
0x192: {  	v13 =	vadd.f32 v17, v13;
	v15 =	vld [tilespmem:s8+$0xFFFFFEF0];
	v10 =	vmul.f32 $1.442695020e+00, v10;
	(erf) = vpow2.f32 v11  }
0x193: {  	v5 =	vadd.f32 v5, v9;
	v9 =	vld [tilespmem:s8+$0xFFFFFF10];
	(erf) = vrcp.f32 v21;
	v7 =	vpop (erf)  }
0x194: {  	v11 =	vmul.f32 v16, v19;
	v7 =	vadd.f32 $1.000000000e+00, v7;
	v17 =	vld [tilespmem:s8+$0xFFFFFF20];
	(erf) = vpow2.f32 v10  }
0x195: {  	v6 =	vadd.f32 v12, v6;
	v12 =	vmul.f32 v18, v19;
	v10 =	vmul.f32 v8, v19;
	v21 =	vld [tilespmem:s2+$0x0];
	v22 =	vpop (erf)  }
0x196: {  	v14 =	vadd.f32 v14, v20;
	v20 =	vadd.f32 $1.000000000e+00, v22;
	v22 =	vld [tilespmem:s8+$0x0];
	(erf) = vrcp.f32 v7  }
0x197: {  	v7 =	vadd.f32 v13, v12;
	v6 =	vadd.f32 v6, v10;
	v10 =	vmul.f32 v15, v19;
	v12 =	vld [tilespmem:s8+$0xFFFFFF00]  }
0x198: {  	v11 =	vadd.f32 v14, v11;
	v13 =	vmul.f32 v9, v19;
	v14 =	vld [tilespmem:s2+$0x20];
	v23 =	vpop (erf);
	(erf) = vrcp.f32 v20  }
0x199: {  	v7 =	vmax.f32 v7, $0.0e+00;
	v5 =	vadd.f32 v5, v10;
	v10 =	vld [tilespmem:s8+$0x20];
	v20 =	vmul.f32 v17, v19;
	v24 =	vpop (erf)  }
0x19a: {  	v6 =	vmax.f32 v6, $0.0e+00;
	v7 =	vmul.f32 v23, v7;
	v28 =	vadd.f32 $1.000000000e+00, v24;
	v24 =	vld [tilespmem:s8+$0x10];
	v25 =	vpop (erf)  }
0x19b: {  	v11 =	vmax.f32 v11, $0.0e+00;
	v6 =	vmul.f32 v25, v6;
	v25 =	vmax.f32 v5, $0.0e+00;
	v26 =	vld [tilespmem:s8+$0x30];
	v27 =	vpop (erf)  }
0x19c: {  	v5 =	vadd.f32 v7, v18;
	v7 =	vadd.f32 $1.000000000e+00, v27;
	v18 =	vld [tilespmem:s8+$0xFFFFFF30];
	v27 =	vpop (erf);
	(erf) = vrcp.f32 v28  }
0x19d: {  	v6 =	vadd.f32 v6, v8;
	v27 =	vmul.f32 v27, v11;
	v11 =	vmul.f32 v12, v19;
	v23 =	vpop (erf)  }
0x19e: {  	v21 =	vadd.f32 v21, v22;
	v22 =	vadd.f32 $1.000000000e+00, v23;
	(erf) = vrcp.f32 v7  }
0x19f: {  	v23 =	vmul.f32 v6, v6;
	v7 =	vadd.f32 v27, v16;
	v4 =	vadd.f32 v4, v24;
	v8 =	vpop (erf)  }
0x1a0: {  	v16 =	vmul.f32 v5, v5;
	v8 =	vmul.f32 v8, v25;
	v3 =	vadd.f32 v3, v26  }
0x1a1: {  	v11 =	vadd.f32 v21, v11;
	v4 =	vadd.f32 v4, v13;
	v13 =	vmul.f32 v18, v19;
	v19 =	vpop (erf)  }
0x1a2: {  	v10 =	vadd.f32 v14, v10;
	v21 =	vmul.f32 v7, v7;
	v8 =	vadd.f32 v8, v15  }
0x1a3: {  	v11 =	vmax.f32 v11, $0.0e+00;
	v3 =	vadd.f32 v3, v13;
	(erf) = vrcp.f32 v22  }
0x1a4: {  	v11 =	vmul.f32 v19, v11;
	v13 =	vadd.f32 v16, v23;
	v14 =	vmul.f32 v8, v8  }
0x1a5: {  	v10 =	vadd.f32 v10, v20;
	v4 =	vmax.f32 v4, $0.0e+00;
	v15 =	vpop (erf)  }
0x1a6: {  	v11 =	vadd.f32 v11, v12;
	v13 =	vadd.f32 v21, v13;
	v4 =	vmul.f32 v15, v4  }
0x1a7: {  	v10 =	vmax.f32 v10, $0.0e+00;
	v12 =	vpop (erf)  }
0x1a8: {  	v15 =	vmul.f32 v11, v11;
	v4 =	vadd.f32 v4, v9;
	v9 =	vmul.f32 v12, v10  }
0x1a9: {  	v3 =	vmax.f32 v3, $0.0e+00;
	v10 =	vadd.f32 v14, v13  }
0x1aa: {  	v12 =	vmul.f32 v4, v4;
	v9 =	vadd.f32 v9, v17  }
0x1ab: {  	v10 =	vadd.f32 v15, v10  }
0x1ac: {  	v13 =	vpop (erf)  }
0x1ad: {  	v10 =	vadd.f32 v12, v10;
	v12 =	vmul.f32 v9, v9;
	v3 =	vmul.f32 v13, v3;
	_ =	sdelay $0x1  }
0x1ae: {  	v3 =	vadd.f32 v3, v18;
	_ =	sdelay $0x1  }
0x1af: {  	v10 =	vadd.f32 v12, v10;
	v12 =	vmul.f32 v3, v3;
	_ =	sdelay $0x1  }
0x1b0: {  	v10 =	vadd.f32 v12, v10;
	_ =	sdelay $0x1  }
0x1b1: {  	(xrf2) =	vadd.scan.msk.f32 $0xffff, v10;
	_ =	sdelay $0x9  }
0x1b2: {  	v10, _, _ =	vpop (xrf2)  }
0x1b3: {  	(v2sf) =	vpush v10, $0xF;
	_ =	sdelay $0xe  }
0x1b4: {  	s24 =	spop (v2sf)  }
0x1b5: {  	s24 =	smax.f32 s24, $1.000000020e-24  }
0x1b6: {  	v10 =	vmov s24  }
0x1b7: {  	v12 =	vshra.s32 v10, $0x1;
	v10 =	vmul.f32 $5.000000000e-01, v10  }
0x1b8: {  	v12 =	vsub.s32 $0x5F3759DF, v12  }
0x1b9: {  	v13 =	vmul.f32 v12, v10;
	_ =	sdelay $0x1  }
0x1ba: {  	v13 =	vmul.f32 v12, v13;
	_ =	sdelay $0x1  }
0x1bb: {  	v13 =	vsub.f32 $1.500000000e+00, v13;
	_ =	sdelay $0x1  }
0x1bc: {  	v12 =	vmul.f32 v12, v13;
	_ =	sdelay $0x1  }
0x1bd: {  	v10 =	vmul.f32 v12, v10;
	_ =	sdelay $0x1  }
0x1be: {  	v10 =	vmul.f32 v10, v12;
	_ =	sdelay $0x1  }
0x1bf: {  	v10 =	vsub.f32 $1.500000000e+00, v10;
	_ =	sdelay $0x1  }
0x1c0: {  	v10 =	vmul.f32 v10, v12;
	_ =	sdelay $0x1  }
0x1c1: {  	v6 =	vmul.f32 v10, v6;
	v12 =	vmul.f32 v10, v5  }
0x1c2: {  	s24 =	sshra.s32 s26, $0x2;
	v7 =	vmul.f32 v10, v7;
	v8 =	vmul.f32 v10, v8;
	v5 =	vld [tilespmem:s8+$0x140]  }
0x1c3: {  	v4 =	vmul.f32 v10, v4;
	[tilespmem:v2+s24+$0x0 ss:$0x1] =	vst.idx.msk $0xffff, v6;
	v6 =	vmul.f32 v10, v11  }
0x1c4: {  	v9 =	vmul.f32 v10, v9;
	v3 =	vmul.f32 v10, v3;
	[tilespmem:v2+s24+$0x10 ss:$0x1] =	vst.idx.msk $0xffff, v12  }
0x1c5: {  	[tilespmem:v2+s24+$0x20 ss:$0x1] =	vst.idx.msk $0xffff, v7  }
0x1c6: {  	[tilespmem:v2+s24+$0x30 ss:$0x1] =	vst.idx.msk $0xffff, v8  }
0x1c7: {  	[tilespmem:v2+s24+$0x40 ss:$0x1] =	vst.idx.msk $0xffff, v6  }
0x1c8: {  	[tilespmem:v2+s24+$0x50 ss:$0x1] =	vst.idx.msk $0xffff, v4  }
0x1c9: {  	[tilespmem:v2+s24+$0x60 ss:$0x1] =	vst.idx.msk $0xffff, v9  }
0x1ca: {  	[tilespmem:v2+s24+$0x70 ss:$0x1] =	vst.idx.msk $0xffff, v3  }
0x1cb: {  	[tilespmem:v2+s24+$0x80 ss:$0x1] =	vst.idx.msk $0xffff, v1  }
0x1cc: {  	v3 =	vld [tilespmem:s8+$0x40]  }
0x1cd: {  	v4 =	vld [tilespmem:s2+$0x40];
	_ =	sdelay $0x4  }
0x1ce: {  	v3 =	vadd.f32 v4, v3;
	_ =	sdelay $0x1  }
0x1cf: {  	v3 =	vsub.f32 $0.0e+00, v3;
	v4 =	vld [tilespmem:s2+$0x50]  }
0x1d0: {  	v6 =	vld [tilespmem:s8+$0x50]  }
0x1d1: {  	v3 =	vmul.f32 $1.442695020e+00, v3;
	v7 =	vld [tilespmem:s2+$0x60]  }
0x1d2: {  	v8 =	vld [tilespmem:s8+$0x60]  }
0x1d3: {  	v9 =	vld [tilespmem:s2+$0x70];
	(erf) = vpow2.f32 v3  }
0x1d4: {  	v3 =	vld [tilespmem:s8+$0x70]  }
0x1d5: {  	v4 =	vadd.f32 v4, v6  }
0x1d6: {  	v6 =	vld [tilespmem:s2+$0x80]  }
0x1d7: {  	v4 =	vsub.f32 $0.0e+00, v4;
	v7 =	vadd.f32 v7, v8;
	v8 =	vld [tilespmem:s8+$0x80]  }
0x1d8: {  	v10 =	vld [tilespmem:s2+$0x90]  }
0x1d9: {  	v4 =	vmul.f32 $1.442695020e+00, v4;
	v7 =	vsub.f32 $0.0e+00, v7;
	v3 =	vadd.f32 v9, v3;
	v9 =	vld [tilespmem:s8+$0x90]  }
0x1da: {  	v11 =	vld [tilespmem:s2+$0xA0]  }
0x1db: {  	v7 =	vmul.f32 $1.442695020e+00, v7;
	v3 =	vsub.f32 $0.0e+00, v3;
	v12 =	vld [tilespmem:s8+$0xA0];
	(erf) = vpow2.f32 v4  }
0x1dc: {  	v4 =	vadd.f32 v6, v8;
	v6 =	vpop (erf)  }
0x1dd: {  	v6 =	vadd.f32 $1.000000000e+00, v6;
	v3 =	vmul.f32 $1.442695020e+00, v3;
	v8 =	vld [tilespmem:s2+$0xB0];
	(erf) = vpow2.f32 v7  }
0x1de: {  	v4 =	vsub.f32 $0.0e+00, v4;
	v7 =	vadd.f32 v10, v9;
	v9 =	vld [tilespmem:s8+$0xB0]  }
0x1df: {  	v10 =	vld [tilespmem:s2+$0xC0];
	(erf) = vpow2.f32 v3  }
0x1e0: {  	v3 =	vld [tilespmem:s8+$0xC0];
	v4 =	vmul.f32 $1.442695020e+00, v4;
	v7 =	vsub.f32 $0.0e+00, v7;
	v11 =	vadd.f32 v11, v12  }
0x1e1: {  	v12 =	vld [tilespmem:s2+$0xFFFFFEC0];
	(erf) = vrcp.f32 v6  }
0x1e2: {  	v6 =	vmul.f32 $1.442695020e+00, v7;
	v7 =	vld [tilespmem:s2+$0x110];
	v11 =	vsub.f32 $0.0e+00, v11;
	(erf) = vpow2.f32 v4  }
0x1e3: {  	v4 =	vld [tilespmem:s2+$0xF0];
	v8 =	vadd.f32 v8, v9  }
0x1e4: {  	v9 =	vld [tilespmem:s2+$0xE0];
	v11 =	vmul.f32 $1.442695020e+00, v11;
	v13 =	vpop (erf);
	(erf) = vpow2.f32 v6  }
0x1e5: {  	v6 =	vadd.f32 $1.000000000e+00, v13;
	v13 =	vld [tilespmem:s2+$0xD0];
	v8 =	vsub.f32 $0.0e+00, v8  }
0x1e6: {  	v3 =	vadd.f32 v10, v3;
	v16 =	vmul.f32 v12, v5;
	v14 =	vld [tilespmem:s8+$0xD0];
	v15 =	vpop (erf);
	(erf) = vpow2.f32 v11  }
0x1e7: {  	v11 =	vld [tilespmem:s2+$0xFFFFFED0];
	v15 =	vadd.f32 $1.000000000e+00, v15;
	v8 =	vmul.f32 $1.442695020e+00, v8;
	(erf) = vrcp.f32 v6  }
0x1e8: {  	v3 =	vadd.f32 v3, v16;
	v6 =	vld [tilespmem:s8+$0xE0];
	v10 =	vpop (erf)  }
0x1e9: {  	v16 =	vld [tilespmem:s2+$0xFFFFFEE0];
	v18 =	vadd.f32 $1.000000000e+00, v10;
	(erf) = vrcp.f32 v15  }
0x1ea: {  	v3 =	vmax.f32 v3, $0.0e+00;
	v15 =	vld [tilespmem:s8+$0xF0];
	v17 =	vpop (erf);
	(erf) = vpow2.f32 v8  }
0x1eb: {  	v3 =	vmul.f32 v17, v3;
	v8 =	vadd.f32 v13, v14;
	v13 =	vld [tilespmem:s2+$0xFFFFFEF0];
	(erf) = vrcp.f32 v18;
	v10 =	vpop (erf)  }
0x1ec: {  	v14 =	vmul.f32 v11, v5;
	v10 =	vadd.f32 $1.000000000e+00, v10;
	v17 =	vld [tilespmem:s2+$0x100]  }
0x1ed: {  	v6 =	vadd.f32 v9, v6;
	v9 =	vld [tilespmem:s8+$0x100];
	v18 =	vpop (erf)  }
0x1ee: {  	v8 =	vadd.f32 v8, v14;
	v14 =	vld [tilespmem:s2+$0xFFFFFF00];
	v18 =	vadd.f32 $1.000000000e+00, v18;
	(erf) = vrcp.f32 v10  }
0x1ef: {  	v10 =	vmul.f32 v16, v5;
	v15 =	vadd.f32 v4, v15;
	v19 =	vld [tilespmem:s8+$0x110];
	v4 =	vpop (erf)  }
0x1f0: {  	v8 =	vmax.f32 v8, $0.0e+00;
	v20 =	vld [tilespmem:s2+$0xFFFFFF10];
	v4 =	vadd.f32 $1.000000000e+00, v4;
	v21 =	vpop (erf);
	(erf) = vrcp.f32 v18  }
0x1f1: {  	v6 =	vadd.f32 v6, v10;
	v22 =	vmul.f32 v21, v8;
	v10 =	vld [tilespmem:s2+$0x120]  }
0x1f2: {  	v23 =	vmul.f32 v13, v5;
	v9 =	vadd.f32 v17, v9;
	v17 =	vld [tilespmem:s8+$0x120];
	v21 =	vpop (erf);
	(erf) = vrcp.f32 v4  }
0x1f3: {  	v4 =	vadd.f32 v3, v12;
	v6 =	vmax.f32 v6, $0.0e+00;
	v3 =	vadd.f32 v22, v11;
	v11 =	vld [tilespmem:s2+$0xFFFFFF20];
	v8 =	vpop (erf)  }
0x1f4: {  	v12 =	vadd.f32 v15, v23;
	v6 =	vmul.f32 v21, v6;
	v8 =	vadd.f32 $1.000000000e+00, v8;
	v15 =	vld [tilespmem:s2+$0x130];
	v18 =	vpop (erf)  }
0x1f5: {  	v7 =	vadd.f32 v7, v19;
	v21 =	vmul.f32 v3, v3;
	v24 =	vmul.f32 v20, v5;
	v22 =	vld [tilespmem:s8+$0x130]  }
0x1f6: {  	v23 =	vmul.f32 v4, v4;
	v6 =	vadd.f32 v6, v16;
	v16 =	vld [tilespmem:s2+$0xFFFFFF30];
	(erf) = vrcp.f32 v8  }
0x1f7: {  	v25 =	vmul.f32 v14, v5;
	v8 =	vmax.f32 v12, $0.0e+00;
	v7 =	vadd.f32 v7, v24;
	v19 =	vpop (erf)  }
0x1f8: {  	v21 =	vadd.f32 v21, v23;
	v23 =	vmul.f32 v6, v6;
	v10 =	vadd.f32 v10, v17  }
0x1f9: {  	v9 =	vadd.f32 v9, v25;
	v8 =	vmul.f32 v18, v8;
	v7 =	vmax.f32 v7, $0.0e+00;
	v12 =	vpop (erf)  }
0x1fa: {  	v18 =	vmul.f32 v11, v5;
	v17 =	vadd.f32 v23, v21;
	v12 =	vmul.f32 v12, v7  }
0x1fb: {  	v7 =	vadd.f32 v8, v13;
	v8 =	vmax.f32 v9, $0.0e+00;
	v9 =	vmul.f32 v16, v5;
	v13 =	vpop (erf)  }
0x1fc: {  	v10 =	vadd.f32 v10, v18;
	v8 =	vmul.f32 v19, v8;
	v5 =	vadd.f32 v12, v20  }
0x1fd: {  	v18 =	vadd.f32 v15, v22;
	v12 =	vmul.f32 v7, v7  }
0x1fe: {  	v10 =	vmax.f32 v10, $0.0e+00;
	v8 =	vadd.f32 v8, v14;
	v14 =	vmul.f32 v5, v5  }
0x1ff: {  	v10 =	vmul.f32 v13, v10;
	v13 =	vadd.f32 v18, v9;
	v12 =	vadd.f32 v12, v17;
	v15 =	vpop (erf)  }
0x200: {  	v17 =	vmul.f32 v8, v8  }
0x201: {  	v9 =	vadd.f32 v10, v11;
	v10 =	vmax.f32 v13, $0.0e+00  }
0x202: {  	v10 =	vmul.f32 v15, v10;
	v11 =	vadd.f32 v17, v12;
	_ =	sdelay $0x1  }
0x203: {  	v12 =	vmul.f32 v9, v9;
	v10 =	vadd.f32 v10, v16;
	v11 =	vadd.f32 v14, v11;
	_ =	sdelay $0x1  }
0x204: {  	v11 =	vadd.f32 v12, v11;
	v12 =	vmul.f32 v10, v10;
	_ =	sdelay $0x1  }
0x205: {  	v11 =	vadd.f32 v12, v11;
	_ =	sdelay $0x1  }
0x206: {  	(xrf2) =	vadd.scan.msk.f32 $0xffff, v11;
	_ =	sdelay $0x9  }
0x207: {  	v11, _, _ =	vpop (xrf2)  }
0x208: {  	(v2sf) =	vpush v11, $0xF;
	_ =	sdelay $0xe  }
0x209: {  	s26 =	spop (v2sf)  }
0x20a: {  	s26 =	smax.f32 s26, $1.000000020e-24  }
0x20b: {  	v11 =	vmov s26  }
0x20c: {  	v12 =	vshra.s32 v11, $0x1;
	v11 =	vmul.f32 $5.000000000e-01, v11  }
0x20d: {  	v12 =	vsub.s32 $0x5F3759DF, v12  }
.Ltmp12:
0x20e: {  	v13 =	vmul.f32 v12, v11;
	(pc) =	sbr.rel @p1 .LBB2_19-.Ltmp12, $3  }
0x20f: {  	_ = 	snop  }
0x210: {  	v13 =	vmul.f32 v12, v13;
	_ =	sdelay $0x1  }
0x211: {  	v13 =	vsub.f32 $1.500000000e+00, v13  }
0x212: {  	_ = 	snop  }
0x213: {  	v12 =	vmul.f32 v12, v13;
	_ =	sdelay $0x1  }
0x214: {  	v11 =	vmul.f32 v12, v11;
	_ =	sdelay $0x1  }
0x215: {  	v11 =	vmul.f32 v11, v12;
	_ =	sdelay $0x1  }
0x216: {  	v11 =	vsub.f32 $1.500000000e+00, v11;
	_ =	sdelay $0x1  }
0x217: {  	v11 =	vmul.f32 v11, v12;
	_ =	sdelay $0x1  }
0x218: {  	v4 =	vmul.f32 v11, v4  }
0x219: {  	v3 =	vmul.f32 v11, v3  }
0x21a: {  	v6 =	vmul.f32 v11, v6;
	[tilespmem:v2+s24+$0x480 ss:$0x1] =	vst.idx.msk $0xffff, v4  }
0x21b: {  	v62 =	vmul.f32 v11, v7;
	[tilespmem:v2+s24+$0x490 ss:$0x1] =	vst.idx.msk $0xffff, v3  }
0x21c: {  	v3 =	vmul.f32 v11, v8;
	[tilespmem:v2+s24+$0x4A0 ss:$0x1] =	vst.idx.msk $0xffff, v6  }
0x21d: {  	s2 =	simm.s32 $0x5;
	s31 =	sadd.s32 $0x1, s31;
	v5 =	vmul.f32 v11, v5;
	[tilespmem:v2+s24+$0x4B0 ss:$0x1] =	vst.idx.msk $0xffff, v62  }
0x21e: {  	s2 =	simm.s32 @!p0 $0x4;
	p0 =	sne.s32 s31, $0x4E2;
	v63 =	vmul.f32 v11, v9;
	[tilespmem:v2+s24+$0x4C0 ss:$0x1] =	vst.idx.msk $0xffff, v3  }
.Ltmp13:
0x21f: {  	v3 =	vmul.f32 v11, v10;
	[tilespmem:v2+s24+$0x4D0 ss:$0x1] =	vst.idx.msk $0xffff, v5;
	(pc) =	sbr.rel @p0 .LBB2_4-.Ltmp13, $4  }
0x220: {  	[tilespmem:v2+s24+$0x4E0 ss:$0x1] =	vst.idx.msk $0xffff, v63  }
0x221: {  	[tilespmem:v2+s24+$0x4F0 ss:$0x1] =	vst.idx.msk $0xffff, v3  }
0x222: {  	s0 =	sshll.u32 s0, $0x4;
	s30 =	sadd.s32 $0x1480, s30;
	s29 =	sadd.s32 $0x1, s29;
	[tilespmem:v2+s24+$0x500 ss:$0x1] =	vst.idx.msk $0xffff, v1  }
0x223: {  	[spmem:s3] =	stream.indirect.scatter.add.f32 [tilespmem:s9], [sflag:s2], $0x90, s0, s16, $0xb8;
	[tilespmem:$0x1FF00] =	vst v63  }
0x224: {  	s0 =	simm.s32 $0x4  }
0x225: {  	_ =	swait.ge [sflag:s0], $0x900  }
0x226: {  	[sflag:s0] =	ssyncset.done $0x0  }
0x227: {  	s29 =	simm.s32 $0x5;
	[sflag:s0] =	ssyncadd.s32 $0xFFFFF700  }
0x228: {  	_ =	swait.ge [sflag:s29], $0x900  }
0x229: {  	[sflag:s29] =	ssyncset.done $0x0  }
0x22a: {  	[sflag:s29] =	ssyncadd.s32 $0xFFFFF700  }
0x22b: {  	s30 =	stileid.u32;
	[bflag:$0x0] =	sbarrier.arrive $0xFFFF  }
0x22c: {  	s0 =	sshll.u32 s30, $0x6;
	s2 =	rddreg [dreg:$0x5]  }
0x22d: {  	s0 =	sor.u32 $0x1C06, s0;
	s8 =	rddreg [dreg:$0x6]  }
0x22e: {  	[hbm:s2], [sflag:s0] =	dma.local [spmem:s8], $0x2BF2  }
0x22f: {  	_ =	swait.ge [sflag:s12], $0x2BF2  }
0x230: {  	s28 =	sadd.s32 $0x1, s28;
	s31 =	rddreg [dreg:$0x4]  }
0x231: {  	p0 =	sne.s32 s28, s31  }
.Ltmp14:
0x232: {  	_ = 	snop;
	(pc) =	sbr.rel @p0 .LBB2_1-.Ltmp14, $3  }
0x233: {  	_ =	sdelay $0x1  }
0x234: {  	[sflag:s12] =	ssyncset.done $0x0  }
0x235: {  	[sflag:s12] =	ssyncadd.s32 $0xFFFFD40E  }
0x236: {  	_ =	sfence.sel $0x180000  }
0x237: {  	[bflag:$0x0] =	sbarrier.arrive $0xFFFF  }
0x238: {  	_ =	strace $0x90000047  }
0x239: {  	s0 =	stileid.u32;
	[bflag:$0x2] =	sbarrier.arrive $0xFFFF  }
0x23a: {  	p0 =	sne.s32 s0, $0x0;
	s0 =	rddreg [dreg:$0x3]  }
0x23b: {  	s0 =	sadd.s32 @!p0 $0x100000, s0  }
0x23c: {  	[sflag:s0] =	ssyncadd.tile.s32 @!p0 $0x1;
	_ =	shalt  }
.Lfunc_end2:
_tile_overlayer_lowered:
.L_overlay_start_2:
0x23d: {  	(tag) =	ssettag $0x2  }
0x23e: {  	s0 =	rddreg [dreg:$0x0];
	s2 =	stileid.u32  }
0x23f: {  	s1 =	rddreg [dreg:$0x1];
	p0 =	sne.s32 s2, $0x0  }
0x240: {  	s3 =	rddreg [dreg:$0x2];
	[bflag:$0x3] =	sbarrier.arrive $0xFFFF;
	s2 =	simm.s32 @!p0 $0x1C06  }
0x241: {  	[timem:s3], [sflag:s2] =	dma.local @!p0 [hbm:s0], s1  }
0x242: {  	s0 =	simm.s32 @!p0 $0x6  }
0x243: {  	_ =	swait.ge @!p0 [sflag:s0], s1  }
0x244: {  	s1 =	ssub.s32 @!p0 $0x0, s1;
	[sflag:s0] =	ssyncset.done @!p0 $0x0  }
0x245: {  	[sflag:s0] =	ssyncadd.s32 @!p0 s1  }
0x246: {  	[bflag:$0x3] =	sbarrier.arrive $0xFFFF  }
0x247: {  	_ =	shalt  }

</sc_bundles>
